<compile_context>
chip_gen: v7x
topology: tpu7x:2x2x1
jax: 0.10.2.dev20260603
libtpu: 0.0.44.dev20260713+nightly
codegen_flags: <defaults>
</compile_context>

<pallas_src>
import functools

import jax
import jax.numpy as jnp
from jax import lax
from jax.experimental import pallas as pl
from jax.experimental.pallas import tpu as pltpu
from jax.experimental.pallas import tpu_sc as plsc

_N, _D, _E, _G, _OUT = 10000, 128, 320000, 64, 10
_D2 = _D // 2
_NC, _NS = 2, 16
_NW = _NC * _NS
_K = 125
_EWS = _E // _NS
_STS = _EWS // _K
_EWD = _E // _NW
_STD = _EWD // _K
_NB = 4
_PF = 3
_NP = 10240
_RPT = _NP // _NS

_mesh = plsc.VectorSubcoreMesh(core_axis_name="c", subcore_axis_name="s")


def _sc_spmm_body(t_hbm, src_hbm, dst_hbm, zrow_hbm, out_hbm,
                  src_v, dst_v, rows_v, acc_sh,
                  gs0, gs1, gs2, gs3, ss0):
    c = lax.axis_index("c")
    s = lax.axis_index("s")
    gs = (gs0, gs1, gs2, gs3)
    pltpu.sync_copy(src_hbm.at[c, s], src_v)
    pltpu.sync_copy(dst_hbm.at[s], dst_v)
    pltpu.sync_copy(zrow_hbm, acc_sh.at[pl.ds(s * _RPT, _RPT)])
    plsc.subcore_barrier()

    def _gather(j, b):
        pltpu.async_copy(t_hbm.at[src_v.at[j]], rows_v.at[b], gs[b])

    def _gwait(j, b):
        pltpu.make_async_copy(t_hbm.at[src_v.at[j]], rows_v.at[b],
                              gs[b]).wait()

    def _sstart(j, b):
        pltpu.async_copy(rows_v.at[b], acc_sh.at[dst_v.at[j]], ss0,
                         add=True)

    def _swait(j, b):
        pltpu.make_async_copy(
            rows_v.at[b], acc_sh.at[dst_v.at[j]], ss0).wait()

    for j in range(_PF):
        _gather(j, j % _NB)

    def _body(i, carry):
        for b in range(_NB):
            j = _NB * i + b
            _gwait(j, b)
            _sstart(j, b)
            _gather(j + _PF, (b + _PF) % _NB)
            _swait(j, b)
        return carry

    lax.fori_loop(0, _STS // _NB - 1, _body, 0)
    for b in range(_NB):
        j = _STS - _NB + b
        _gwait(j, b)
        _sstart(j, b)
        k = j + _PF
        if k < _STS:
            _gather(k, k % _NB)
        _swait(j, b)

    plsc.subcore_barrier()
    pltpu.sync_copy(acc_sh.at[pl.ds(s * _RPT, _RPT)],
                    out_hbm.at[pl.ds(s * _RPT, _RPT),
                               pl.ds(c * _D2, _D2)])


def _make_sc_spmm(interpret=False):
    return functools.partial(
        pl.kernel,
        out_type=jax.ShapeDtypeStruct((_NP, _D), jnp.float32),
        mesh=_mesh,
        interpret=interpret,
        compiler_params=pltpu.CompilerParams(use_tc_tiling_on_sc=False),
        scratch_types=[
            pltpu.VMEM((_STS, _K), jnp.int32),
            pltpu.VMEM((_STS, _K), jnp.int32),
            pltpu.VMEM((_NB, _K, _D2), jnp.float32),
            pltpu.VMEM_SHARED((_NP, _D2), jnp.float32),
        ] + [pltpu.SemaphoreType.DMA] * (_NB + 1),
    )(_sc_spmm_body)


_sc_spmm = _make_sc_spmm()


def _sc_deg_body(dst_hbm, zrow_hbm, ones_hbm, out_hbm, dst_v, ones_v,
                 acc_sh):
    c = lax.axis_index("c")
    s = lax.axis_index("s")
    wid = c * _NS + s
    pltpu.sync_copy(zrow_hbm, acc_sh.at[pl.ds(s * _RPT, _RPT)])
    pltpu.sync_copy(dst_hbm.at[wid], dst_v)
    pltpu.sync_copy(ones_hbm, ones_v)
    plsc.subcore_barrier()

    def _body(j, carry):
        pltpu.sync_copy(ones_v, acc_sh.at[dst_v.at[j]], add=True)
        return carry

    lax.fori_loop(0, _STD, _body, 0)
    plsc.subcore_barrier()
    pltpu.sync_copy(acc_sh.at[pl.ds(s * _RPT, _RPT)],
                    out_hbm.at[pl.ds(s * _RPT, _RPT), pl.ds(c * 16, 16)])


def _make_sc_deg(interpret=False):
    return functools.partial(
        pl.kernel,
        out_type=jax.ShapeDtypeStruct((_NP, _D), jnp.float32),
        mesh=_mesh,
        interpret=interpret,
        compiler_params=pltpu.CompilerParams(use_tc_tiling_on_sc=False),
        scratch_types=[
            pltpu.VMEM((_STD, _K), jnp.int32),
            pltpu.VMEM((_K, 16), jnp.float32),
            pltpu.VMEM_SHARED((_NP, 16), jnp.float32),
        ],
    )(_sc_deg_body)


_sc_deg = _make_sc_deg()


_R = 2000


def _k0_body(dp_ref, x_ref, dinv_ref, t_ref):
    deg = dp_ref[:, 0:1] + dp_ref[:, 16:17] + 1.0
    dinv = lax.rsqrt(deg)
    dinv_ref[...] = dinv
    t_ref[...] = x_ref[...] * dinv


def _tc_prescale(dp, x):
    return pl.pallas_call(
        _k0_body,
        grid=(_N // _R,),
        in_specs=[
            pl.BlockSpec((_R, _D), lambda i: (i, 0)),
            pl.BlockSpec((_R, _D), lambda i: (i, 0)),
        ],
        out_specs=[
            pl.BlockSpec((_R, 1), lambda i: (i, 0)),
            pl.BlockSpec((_R, _D), lambda i: (i, 0)),
        ],
        out_shape=[
            jax.ShapeDtypeStruct((_N, 1), jnp.float32),
            jax.ShapeDtypeStruct((_N, _D), jnp.float32),
        ],
    )(dp, x)


def _klayer_body(p_ref, t_ref, dinv_ref, w_ref, b_ref, a_ref, out_ref):
    dinv = dinv_ref[...]
    sm = dinv * (p_ref[...] + t_ref[...])
    h = jnp.dot(sm, w_ref[...], preferred_element_type=jnp.float32) \
        + b_ref[...]
    a = a_ref[0, 0]
    act = jnp.where(h > 0, h, a * h)
    out_ref[...] = act * dinv


def _tc_layer(p, t, dinv, w, b, a):
    return pl.pallas_call(
        _klayer_body,
        grid=(_N // _R,),
        in_specs=[
            pl.BlockSpec((_R, _D), lambda i: (i, 0)),
            pl.BlockSpec((_R, _D), lambda i: (i, 0)),
            pl.BlockSpec((_R, 1), lambda i: (i, 0)),
            pl.BlockSpec((_D, _D), lambda i: (0, 0)),
            pl.BlockSpec((1, _D), lambda i: (0, 0)),
            pl.BlockSpec((1, 1), lambda i: (0, 0)),
        ],
        out_specs=pl.BlockSpec((_R, _D), lambda i: (i, 0)),
        out_shape=jax.ShapeDtypeStruct((_N, _D), jnp.float32),
    )(p, t, dinv, w, b, a)


def _kfinal_body(p_ref, t_ref, dinv_ref, w_ref, b_ref, batch_ref, lw_ref,
                 lb_ref, out_ref, pooled_acc, cnt_acc):
    i = pl.program_id(0)

    @pl.when(i == 0)
    def _init():
        pooled_acc[...] = jnp.zeros_like(pooled_acc)
        cnt_acc[...] = jnp.zeros_like(cnt_acc)

    dinv = dinv_ref[...]
    sm = dinv * (p_ref[...] + t_ref[...])
    h = jnp.dot(sm, w_ref[...], preferred_element_type=jnp.float32) \
        + b_ref[...]
    m = (batch_ref[...] ==
         lax.broadcasted_iota(jnp.int32, (_R, _G), 1)).astype(jnp.float32)
    dn = (((0,), (0,)), ((), ()))
    pooled_acc[...] += lax.dot_general(
        m, h, dn, preferred_element_type=jnp.float32)
    cnt_acc[...] += lax.dot_general(
        m, jnp.ones((_R, 1), jnp.float32), dn,
        preferred_element_type=jnp.float32)

    @pl.when(i == pl.num_programs(0) - 1)
    def _fin():
        pooled = pooled_acc[...] / jnp.maximum(cnt_acc[...], 1.0)
        logits = jnp.dot(pooled, lw_ref[...],
                         preferred_element_type=jnp.float32) + lb_ref[...]
        mx = jnp.max(logits, axis=1, keepdims=True)
        lse = jnp.log(jnp.sum(jnp.exp(logits - mx), axis=1,
                              keepdims=True)) + mx
        out_ref[...] = logits - lse


def _tc_final(p, t, dinv, w, b, batch2d, lw, lb):
    return pl.pallas_call(
        _kfinal_body,
        grid=(_N // _R,),
        in_specs=[
            pl.BlockSpec((_R, _D), lambda i: (i, 0)),
            pl.BlockSpec((_R, _D), lambda i: (i, 0)),
            pl.BlockSpec((_R, 1), lambda i: (i, 0)),
            pl.BlockSpec((_D, _D), lambda i: (0, 0)),
            pl.BlockSpec((1, _D), lambda i: (0, 0)),
            pl.BlockSpec((_R, 1), lambda i: (i, 0)),
            pl.BlockSpec((_D, _OUT), lambda i: (0, 0)),
            pl.BlockSpec((1, _OUT), lambda i: (0, 0)),
        ],
        out_specs=pl.BlockSpec((_G, _OUT), lambda i: (0, 0)),
        out_shape=jax.ShapeDtypeStruct((_G, _OUT), jnp.float32),
        scratch_shapes=[
            pltpu.VMEM((_G, _D), jnp.float32),
            pltpu.VMEM((_G, 1), jnp.float32),
        ],
    )(p, t, dinv, w, b, batch2d, lw, lb)


def kernel(x, edge_index, batch, W0, b0, W1, b1, W2, b2, a0, a1, lin_W,
           lin_b):
    src = edge_index[0]
    src2 = jnp.stack([2 * src, 2 * src + 1]).reshape(_NC, _NS, _STS, _K)
    dst_s = edge_index[1].reshape(_NS, _STS, _K)
    dst_d = edge_index[1].reshape(_NW, _STD, _K)
    zrow_d = jnp.zeros((_RPT, _D2), jnp.float32)
    zrow_16 = jnp.zeros((_RPT, 16), jnp.float32)
    ones_16 = jnp.ones((_K, 16), jnp.float32)
    batch2d = batch.reshape(_N, 1)
    b0r, b1r, b2r = (v.reshape(1, _D) for v in (b0, b1, b2))
    a0r, a1r = a0.reshape(1, 1), a1.reshape(1, 1)
    lbr = lin_b.reshape(1, _OUT)

    dp = _sc_deg(dst_d, zrow_16, ones_16)
    dinv, t = _tc_prescale(dp, x)
    p = _sc_spmm(t.reshape(2 * _N, _D2), src2, dst_s, zrow_d)
    t = _tc_layer(p, t, dinv, W0, b0r, a0r)
    p = _sc_spmm(t.reshape(2 * _N, _D2), src2, dst_s, zrow_d)
    t = _tc_layer(p, t, dinv, W1, b1r, a1r)
    p = _sc_spmm(t.reshape(2 * _N, _D2), src2, dst_s, zrow_d)
    return _tc_final(p, t, dinv, W2, b2r, batch2d, lin_W, lbr)

# --- scband reference (transcript-rebuilt; emitter-appended) ---
"""Pipeline reference for scband-gnnbase-10900626997717 (READ-ONLY COPY).

The authoritative reference and input builder live on the scoring server;
editing this copy changes nothing except your own understanding.
"""

import jax, jax.numpy as jnp
import numpy as np

N = 10000
E = 320000
D = 128
OUT = 10
G = 64


def _glorot(k, shape):
    lim = float(np.sqrt(6.0 / (shape[0] + shape[1])))
    return jax.random.uniform(k, shape, jnp.float32, -lim, lim)


def setup_inputs(seed: int = 0) -> dict:
    key = jax.random.key(seed)
    ks = jax.random.split(key, 8)
    x = jax.random.normal(ks[0], (N, D), dtype=jnp.float32)
    edge_index = jax.random.randint(ks[1], (2, E), 0, N, dtype=jnp.int32)
    batch = jnp.sort(jax.random.randint(ks[2], (N,), 0, G, dtype=jnp.int32))
    W0 = _glorot(ks[3], (D, D)); b0 = jnp.zeros((D,), jnp.float32)
    W1 = _glorot(ks[4], (D, D)); b1 = jnp.zeros((D,), jnp.float32)
    W2 = _glorot(ks[5], (D, D)); b2 = jnp.zeros((D,), jnp.float32)
    a0 = jnp.full((1,), 0.25, jnp.float32)
    a1 = jnp.full((1,), 0.25, jnp.float32)
    lin_W = _glorot(ks[6], (D, OUT)); lin_b = jnp.zeros((OUT,), jnp.float32)
    return {"x": x, "edge_index": edge_index, "batch": batch,
            "W0": W0, "b0": b0, "W1": W1, "b1": b1, "W2": W2, "b2": b2,
            "a0": a0, "a1": a1, "lin_W": lin_W, "lin_b": lin_b}


def _gcn_conv(x, src, dst, W, b, n):
    # GCNConv with self-loops already appended in src/dst, symmetric normalization
    h = x @ W
    deg = jnp.zeros((n,), h.dtype).at[dst].add(1.0)
    dinv = jnp.where(deg > 0, 1.0 / jnp.sqrt(deg), 0.0)
    norm = dinv[src] * dinv[dst]
    out = jnp.zeros_like(h).at[dst].add(norm[:, None] * h[src])
    return out + b


def reference(x, edge_index, batch, W0, b0, W1, b1, W2, b2, a0, a1, lin_W, lin_b):
    n = x.shape[0]
    loops = jnp.arange(n, dtype=edge_index.dtype)
    src = jnp.concatenate([edge_index[0], loops])
    dst = jnp.concatenate([edge_index[1], loops])
    h = _gcn_conv(x, src, dst, W0, b0, n)
    h = jnp.where(h > 0, h, a0 * h)  # PReLU
    h = _gcn_conv(h, src, dst, W1, b1, n)
    h = jnp.where(h > 0, h, a1 * h)  # PReLU
    h = _gcn_conv(h, src, dst, W2, b2, n)
    # global_mean_pool over graph ids in `batch`
    sums = jax.ops.segment_sum(h, batch, num_segments=G)
    cnt = jax.ops.segment_sum(jnp.ones((n, 1), h.dtype), batch, num_segments=G)
    pooled = sums / jnp.maximum(cnt, 1.0)
    logits = pooled @ lin_W + lin_b
    return jax.nn.log_softmax(logits, axis=1)

if __name__ == "__main__":
    import jax
    _d = setup_inputs()
    print(jax.jit(kernel)(*tuple(_d.values())))

</pallas_src>

<mosaic_0001>
#map = affine_map<(d0, d1) -> (0, 0, 0)>
#map1 = affine_map<(d0, d1) -> (0, 0)>
module attributes {stable_mosaic.version = 14 : i64} {
  func.func @_sc_deg_body(%arg0: i32, %arg1: i32, %arg2: memref<32x80x125xi32, #tpu.memory_space<hbm>>, %arg3: memref<640x16xf32, #tpu.memory_space<hbm>>, %arg4: memref<125x16xf32, #tpu.memory_space<hbm>>, %arg5: memref<10240x128xf32, #tpu.memory_space<hbm>>, %arg6: memref<80x125xi32, #tpu.memory_space<vmem>>, %arg7: memref<125x16xf32, #tpu.memory_space<vmem>>, %arg8: memref<10240x16xf32, #tpu.memory_space<vmem_shared>>) attributes {dimension_semantics = [#tpu.dimension_semantics<core_parallel>, #tpu.dimension_semantics<subcore_parallel>], iteration_bounds = array<i64: 2, 16>, scalar_prefetch = 0 : i64, scratch_operands = 3 : i64, tpu.core_type = #tpu.core_type<sc_vector_subcore>, window_params = [{transform_indices = #map}, {transform_indices = #map1}, {transform_indices = #map1}, {transform_indices = #map1}]} {
    %mul3A = arith.constant 16 : i32
    %mul3A_0 = arith.muli %arg0, %mul3A : i32
    %add3A = arith.addi %mul3A_0, %arg1 : i32
    %mul3A_1 = arith.constant 640 : i32
    %mul3A_2 = arith.muli %arg1, %mul3A_1 : i32
    "tpu.region"() ({
      %run_scoped3A = tpu.sem_alloc : memref<!tpu.dma_semaphore, #tpu.memory_space<semaphore_mem>>
      %dma_start3A = arith.constant 0 : i32
      %dma_start3A_15 = tpu.memref_slice %arg8[%mul3A_2, %dma_start3A] : memref<10240x16xf32, #tpu.memory_space<vmem_shared>> -> memref<640x16xf32, #tpu.memory_space<vmem_shared>>
      tpu.enqueue_dma source(%arg3 : memref<640x16xf32, #tpu.memory_space<hbm>>) target(%dma_start3A_15 : memref<640x16xf32, #tpu.memory_space<vmem_shared>>) target_semaphore(%run_scoped3A : memref<!tpu.dma_semaphore, #tpu.memory_space<semaphore_mem>>)
      %dma_wait3A = arith.constant 0 : i32
      %dma_wait3A_16 = tpu.memref_slice %arg8[%mul3A_2, %dma_wait3A] : memref<10240x16xf32, #tpu.memory_space<vmem_shared>> -> memref<640x16xf32, #tpu.memory_space<vmem_shared>>
      tpu.wait_dma2 semaphore(%run_scoped3A : memref<!tpu.dma_semaphore, #tpu.memory_space<semaphore_mem>>) src(%arg3 : memref<640x16xf32, #tpu.memory_space<hbm>>) dst(%dma_wait3A_16 : memref<640x16xf32, #tpu.memory_space<vmem_shared>>)
      tpu.yield
    }) : () -> ()
    "tpu.region"() ({
      %run_scoped3A = tpu.sem_alloc : memref<!tpu.dma_semaphore, #tpu.memory_space<semaphore_mem>>
      %dma_start3A = arith.constant 0 : i32
      %dma_start3A_15 = arith.constant 0 : i32
      %dma_start3A_16 = tpu.memref_slice %arg2[%add3A, %dma_start3A, %dma_start3A_15] : memref<32x80x125xi32, #tpu.memory_space<hbm>> -> memref<1x80x125xi32, #tpu.memory_space<hbm>>
      %dma_start3A_17 = tpu.memref_squeeze %dma_start3A_16 : memref<1x80x125xi32, #tpu.memory_space<hbm>> -> memref<80x125xi32, #tpu.memory_space<hbm>>
      %dma_start3A_18 = arith.constant 0 : i32
      %dma_start3A_19 = arith.constant 0 : i32
      %dma_start3A_20 = tpu.memref_slice %arg2[%add3A, %dma_start3A_18, %dma_start3A_19] : memref<32x80x125xi32, #tpu.memory_space<hbm>> -> memref<1x80x125xi32, #tpu.memory_space<hbm>>
      %dma_start3A_21 = tpu.memref_squeeze %dma_start3A_20 : memref<1x80x125xi32, #tpu.memory_space<hbm>> -> memref<80x125xi32, #tpu.memory_space<hbm>>
      tpu.enqueue_dma source(%dma_start3A_21 : memref<80x125xi32, #tpu.memory_space<hbm>>) target(%arg6 : memref<80x125xi32, #tpu.memory_space<vmem>>) target_semaphore(%run_scoped3A : memref<!tpu.dma_semaphore, #tpu.memory_space<semaphore_mem>>)
      %dma_wait3A = arith.constant 0 : i32
      %dma_wait3A_22 = arith.constant 0 : i32
      %dma_wait3A_23 = tpu.memref_slice %arg2[%add3A, %dma_wait3A, %dma_wait3A_22] : memref<32x80x125xi32, #tpu.memory_space<hbm>> -> memref<1x80x125xi32, #tpu.memory_space<hbm>>
      %dma_wait3A_24 = tpu.memref_squeeze %dma_wait3A_23 : memref<1x80x125xi32, #tpu.memory_space<hbm>> -> memref<80x125xi32, #tpu.memory_space<hbm>>
      %dma_wait3A_25 = arith.constant 0 : i32
      %dma_wait3A_26 = arith.constant 0 : i32
      %dma_wait3A_27 = tpu.memref_slice %arg2[%add3A, %dma_wait3A_25, %dma_wait3A_26] : memref<32x80x125xi32, #tpu.memory_space<hbm>> -> memref<1x80x125xi32, #tpu.memory_space<hbm>>
      %dma_wait3A_28 = tpu.memref_squeeze %dma_wait3A_27 : memref<1x80x125xi32, #tpu.memory_space<hbm>> -> memref<80x125xi32, #tpu.memory_space<hbm>>
      tpu.wait_dma2 semaphore(%run_scoped3A : memref<!tpu.dma_semaphore, #tpu.memory_space<semaphore_mem>>) src(%dma_wait3A_28 : memref<80x125xi32, #tpu.memory_space<hbm>>) dst(%arg6 : memref<80x125xi32, #tpu.memory_space<vmem>>)
      tpu.yield
    }) : () -> ()
    "tpu.region"() ({
      %run_scoped3A = tpu.sem_alloc : memref<!tpu.dma_semaphore, #tpu.memory_space<semaphore_mem>>
      tpu.enqueue_dma source(%arg4 : memref<125x16xf32, #tpu.memory_space<hbm>>) target(%arg7 : memref<125x16xf32, #tpu.memory_space<vmem>>) target_semaphore(%run_scoped3A : memref<!tpu.dma_semaphore, #tpu.memory_space<semaphore_mem>>)
      tpu.wait_dma2 semaphore(%run_scoped3A : memref<!tpu.dma_semaphore, #tpu.memory_space<semaphore_mem>>) src(%arg4 : memref<125x16xf32, #tpu.memory_space<hbm>>) dst(%arg7 : memref<125x16xf32, #tpu.memory_space<vmem>>)
      tpu.yield
    }) : () -> ()
    %barrier3A = arith.constant 0 : index
    tpu.barrier barrier_id(%barrier3A)
    %scan3A = arith.constant 0 : i32
    %scan3A_3 = arith.constant 0 : i32
    %scan3A_4 = arith.constant 80 : i32
    %scan3A_5 = arith.addi %scan3A_3, %scan3A_4 : i32
    %scan3A_6 = arith.constant 1 : i32
    scf.for %scan3A_15 = %scan3A_3 to %scan3A_5 step %scan3A_6  : i32 {
      "tpu.region"() ({
        %run_scoped3A = tpu.sem_alloc : memref<!tpu.dma_semaphore, #tpu.memory_space<semaphore_mem>>
        %dma_start3A = arith.constant 0 : i32
        %dma_start3A_16 = tpu.memref_slice %arg6[%scan3A_15, %dma_start3A] : memref<80x125xi32, #tpu.memory_space<vmem>> -> memref<1x125xi32, #tpu.memory_space<vmem>>
        %dma_start3A_17 = tpu.memref_squeeze %dma_start3A_16 : memref<1x125xi32, #tpu.memory_space<vmem>> -> memref<125xi32, #tpu.memory_space<vmem>>
        %dma_start3A_18 = arith.constant 0 : i32
        %dma_start3A_19 = arith.constant 0 : i32
        %dma_start3A_20 = tpu.memref_slice %arg8[%dma_start3A_18, %dma_start3A_19] : memref<10240x16xf32, #tpu.memory_space<vmem_shared>> -> memref<10240x16xf32, #tpu.memory_space<vmem_shared>>
        tpu.enqueue_indirect_dma source(%arg7 : memref<125x16xf32, #tpu.memory_space<vmem>>) target(%dma_start3A_20 : memref<10240x16xf32, #tpu.memory_space<vmem_shared>>) offsets(%dma_start3A_17 : memref<125xi32, #tpu.memory_space<vmem>>) semaphore(%run_scoped3A : memref<!tpu.dma_semaphore, #tpu.memory_space<semaphore_mem>>) {add = true}
        %dma_wait3A = arith.constant 0 : i32
        %dma_wait3A_21 = tpu.memref_slice %arg6[%scan3A_15, %dma_wait3A] : memref<80x125xi32, #tpu.memory_space<vmem>> -> memref<1x125xi32, #tpu.memory_space<vmem>>
        %dma_wait3A_22 = tpu.memref_squeeze %dma_wait3A_21 : memref<1x125xi32, #tpu.memory_space<vmem>> -> memref<125xi32, #tpu.memory_space<vmem>>
        %dma_wait3A_23 = arith.constant 0 : i32
        %dma_wait3A_24 = arith.constant 0 : i32
        %dma_wait3A_25 = tpu.memref_slice %arg8[%dma_wait3A_23, %dma_wait3A_24] : memref<10240x16xf32, #tpu.memory_space<vmem_shared>> -> memref<10240x16xf32, #tpu.memory_space<vmem_shared>>
        tpu.wait_indirect_dma semaphore(%run_scoped3A : memref<!tpu.dma_semaphore, #tpu.memory_space<semaphore_mem>>) src(%arg7 : memref<125x16xf32, #tpu.memory_space<vmem>>) dst(%dma_wait3A_25 : memref<10240x16xf32, #tpu.memory_space<vmem_shared>>)
        tpu.yield
      }) : () -> ()
    }
    %scan3A_7 = arith.constant 80 : i32
    %barrier3A_8 = arith.constant 0 : index
    tpu.barrier barrier_id(%barrier3A_8)
    %mul3A_9 = arith.constant 640 : i32
    %mul3A_10 = arith.muli %arg1, %mul3A_9 : i32
    %mul3A_11 = arith.constant 640 : i32
    %mul3A_12 = arith.muli %arg1, %mul3A_11 : i32
    %mul3A_13 = arith.constant 16 : i32
    %mul3A_14 = arith.muli %arg0, %mul3A_13 : i32
    "tpu.region"() ({
      %run_scoped3A = tpu.sem_alloc : memref<!tpu.dma_semaphore, #tpu.memory_space<semaphore_mem>>
      %dma_start3A = tpu.memref_slice %arg5[%mul3A_12, %mul3A_14] : memref<10240x128xf32, #tpu.memory_space<hbm>> -> memref<640x16xf32, #tpu.memory_space<hbm>>
      %dma_start3A_15 = arith.constant 0 : i32
      %dma_start3A_16 = tpu.memref_slice %arg8[%mul3A_10, %dma_start3A_15] : memref<10240x16xf32, #tpu.memory_space<vmem_shared>> -> memref<640x16xf32, #tpu.memory_space<vmem_shared>>
      tpu.enqueue_dma source(%dma_start3A_16 : memref<640x16xf32, #tpu.memory_space<vmem_shared>>) target(%dma_start3A : memref<640x16xf32, #tpu.memory_space<hbm>>) target_semaphore(%run_scoped3A : memref<!tpu.dma_semaphore, #tpu.memory_space<semaphore_mem>>)
      %dma_wait3A = tpu.memref_slice %arg5[%mul3A_12, %mul3A_14] : memref<10240x128xf32, #tpu.memory_space<hbm>> -> memref<640x16xf32, #tpu.memory_space<hbm>>
      %dma_wait3A_17 = arith.constant 0 : i32
      %dma_wait3A_18 = tpu.memref_slice %arg8[%mul3A_10, %dma_wait3A_17] : memref<10240x16xf32, #tpu.memory_space<vmem_shared>> -> memref<640x16xf32, #tpu.memory_space<vmem_shared>>
      tpu.wait_dma2 semaphore(%run_scoped3A : memref<!tpu.dma_semaphore, #tpu.memory_space<semaphore_mem>>) src(%dma_wait3A_18 : memref<640x16xf32, #tpu.memory_space<vmem_shared>>) dst(%dma_wait3A : memref<640x16xf32, #tpu.memory_space<hbm>>)
      tpu.yield
    }) : () -> ()
    return
  }
}

#map = affine_map<(d0, d1) -> (0, 0)>
#map1 = affine_map<(d0, d1) -> (0, 0, 0, 0)>
#map2 = affine_map<(d0, d1) -> (0, 0, 0)>
module attributes {stable_mosaic.version = 14 : i64} {
  func.func @_sc_spmm_body(%arg0: i32, %arg1: i32, %arg2: memref<20000x64xf32, #tpu.memory_space<hbm>>, %arg3: memref<2x16x160x125xi32, #tpu.memory_space<hbm>>, %arg4: memref<16x160x125xi32, #tpu.memory_space<hbm>>, %arg5: memref<640x64xf32, #tpu.memory_space<hbm>>, %arg6: memref<10240x128xf32, #tpu.memory_space<hbm>>, %arg7: memref<160x125xi32, #tpu.memory_space<vmem>>, %arg8: memref<160x125xi32, #tpu.memory_space<vmem>>, %arg9: memref<4x125x64xf32, #tpu.memory_space<vmem>>, %arg10: memref<10240x64xf32, #tpu.memory_space<vmem_shared>>, %arg11: memref<!tpu.dma_semaphore, #tpu.memory_space<semaphore_mem>>, %arg12: memref<!tpu.dma_semaphore, #tpu.memory_space<semaphore_mem>>, %arg13: memref<!tpu.dma_semaphore, #tpu.memory_space<semaphore_mem>>, %arg14: memref<!tpu.dma_semaphore, #tpu.memory_space<semaphore_mem>>, %arg15: memref<!tpu.dma_semaphore, #tpu.memory_space<semaphore_mem>>) attributes {dimension_semantics = [#tpu.dimension_semantics<core_parallel>, #tpu.dimension_semantics<subcore_parallel>], iteration_bounds = array<i64: 2, 16>, scalar_prefetch = 0 : i64, scratch_operands = 9 : i64, tpu.core_type = #tpu.core_type<sc_vector_subcore>, window_params = [{transform_indices = #map}, {transform_indices = #map1}, {transform_indices = #map2}, {transform_indices = #map}, {transform_indices = #map}]} {
    "tpu.region"() ({
      %run_scoped3A = tpu.sem_alloc : memref<!tpu.dma_semaphore, #tpu.memory_space<semaphore_mem>>
      %dma_start3A_203 = arith.constant 0 : i32
      %dma_start3A_204 = arith.constant 0 : i32
      %dma_start3A_205 = tpu.memref_slice %arg3[%arg0, %arg1, %dma_start3A_203, %dma_start3A_204] : memref<2x16x160x125xi32, #tpu.memory_space<hbm>> -> memref<1x1x160x125xi32, #tpu.memory_space<hbm>>
      %dma_start3A_206 = tpu.memref_squeeze %dma_start3A_205 : memref<1x1x160x125xi32, #tpu.memory_space<hbm>> -> memref<160x125xi32, #tpu.memory_space<hbm>>
      %dma_start3A_207 = arith.constant 0 : i32
      %dma_start3A_208 = arith.constant 0 : i32
      %dma_start3A_209 = tpu.memref_slice %arg3[%arg0, %arg1, %dma_start3A_207, %dma_start3A_208] : memref<2x16x160x125xi32, #tpu.memory_space<hbm>> -> memref<1x1x160x125xi32, #tpu.memory_space<hbm>>
      %dma_start3A_210 = tpu.memref_squeeze %dma_start3A_209 : memref<1x1x160x125xi32, #tpu.memory_space<hbm>> -> memref<160x125xi32, #tpu.memory_space<hbm>>
      tpu.enqueue_dma source(%dma_start3A_210 : memref<160x125xi32, #tpu.memory_space<hbm>>) target(%arg7 : memref<160x125xi32, #tpu.memory_space<vmem>>) target_semaphore(%run_scoped3A : memref<!tpu.dma_semaphore, #tpu.memory_space<semaphore_mem>>)
      %dma_wait3A_211 = arith.constant 0 : i32
      %dma_wait3A_212 = arith.constant 0 : i32
      %dma_wait3A_213 = tpu.memref_slice %arg3[%arg0, %arg1, %dma_wait3A_211, %dma_wait3A_212] : memref<2x16x160x125xi32, #tpu.memory_space<hbm>> -> memref<1x1x160x125xi32, #tpu.memory_space<hbm>>
      %dma_wait3A_214 = tpu.memref_squeeze %dma_wait3A_213 : memref<1x1x160x125xi32, #tpu.memory_space<hbm>> -> memref<160x125xi32, #tpu.memory_space<hbm>>
      %dma_wait3A_215 = arith.constant 0 : i32
      %dma_wait3A_216 = arith.constant 0 : i32
      %dma_wait3A_217 = tpu.memref_slice %arg3[%arg0, %arg1, %dma_wait3A_215, %dma_wait3A_216] : memref<2x16x160x125xi32, #tpu.memory_space<hbm>> -> memref<1x1x160x125xi32, #tpu.memory_space<hbm>>
      %dma_wait3A_218 = tpu.memref_squeeze %dma_wait3A_217 : memref<1x1x160x125xi32, #tpu.memory_space<hbm>> -> memref<160x125xi32, #tpu.memory_space<hbm>>
      tpu.wait_dma2 semaphore(%run_scoped3A : memref<!tpu.dma_semaphore, #tpu.memory_space<semaphore_mem>>) src(%dma_wait3A_218 : memref<160x125xi32, #tpu.memory_space<hbm>>) dst(%arg7 : memref<160x125xi32, #tpu.memory_space<vmem>>)
      tpu.yield
    }) : () -> ()
    "tpu.region"() ({
      %run_scoped3A = tpu.sem_alloc : memref<!tpu.dma_semaphore, #tpu.memory_space<semaphore_mem>>
      %dma_start3A_203 = arith.constant 0 : i32
      %dma_start3A_204 = arith.constant 0 : i32
      %dma_start3A_205 = tpu.memref_slice %arg4[%arg1, %dma_start3A_203, %dma_start3A_204] : memref<16x160x125xi32, #tpu.memory_space<hbm>> -> memref<1x160x125xi32, #tpu.memory_space<hbm>>
      %dma_start3A_206 = tpu.memref_squeeze %dma_start3A_205 : memref<1x160x125xi32, #tpu.memory_space<hbm>> -> memref<160x125xi32, #tpu.memory_space<hbm>>
      %dma_start3A_207 = arith.constant 0 : i32
      %dma_start3A_208 = arith.constant 0 : i32
      %dma_start3A_209 = tpu.memref_slice %arg4[%arg1, %dma_start3A_207, %dma_start3A_208] : memref<16x160x125xi32, #tpu.memory_space<hbm>> -> memref<1x160x125xi32, #tpu.memory_space<hbm>>
      %dma_start3A_210 = tpu.memref_squeeze %dma_start3A_209 : memref<1x160x125xi32, #tpu.memory_space<hbm>> -> memref<160x125xi32, #tpu.memory_space<hbm>>
      tpu.enqueue_dma source(%dma_start3A_210 : memref<160x125xi32, #tpu.memory_space<hbm>>) target(%arg8 : memref<160x125xi32, #tpu.memory_space<vmem>>) target_semaphore(%run_scoped3A : memref<!tpu.dma_semaphore, #tpu.memory_space<semaphore_mem>>)
      %dma_wait3A_211 = arith.constant 0 : i32
      %dma_wait3A_212 = arith.constant 0 : i32
      %dma_wait3A_213 = tpu.memref_slice %arg4[%arg1, %dma_wait3A_211, %dma_wait3A_212] : memref<16x160x125xi32, #tpu.memory_space<hbm>> -> memref<1x160x125xi32, #tpu.memory_space<hbm>>
      %dma_wait3A_214 = tpu.memref_squeeze %dma_wait3A_213 : memref<1x160x125xi32, #tpu.memory_space<hbm>> -> memref<160x125xi32, #tpu.memory_space<hbm>>
      %dma_wait3A_215 = arith.constant 0 : i32
      %dma_wait3A_216 = arith.constant 0 : i32
      %dma_wait3A_217 = tpu.memref_slice %arg4[%arg1, %dma_wait3A_215, %dma_wait3A_216] : memref<16x160x125xi32, #tpu.memory_space<hbm>> -> memref<1x160x125xi32, #tpu.memory_space<hbm>>
      %dma_wait3A_218 = tpu.memref_squeeze %dma_wait3A_217 : memref<1x160x125xi32, #tpu.memory_space<hbm>> -> memref<160x125xi32, #tpu.memory_space<hbm>>
      tpu.wait_dma2 semaphore(%run_scoped3A : memref<!tpu.dma_semaphore, #tpu.memory_space<semaphore_mem>>) src(%dma_wait3A_218 : memref<160x125xi32, #tpu.memory_space<hbm>>) dst(%arg8 : memref<160x125xi32, #tpu.memory_space<vmem>>)
      tpu.yield
    }) : () -> ()
    %mul3A = arith.constant 640 : i32
    %mul3A_0 = arith.muli %arg1, %mul3A : i32
    "tpu.region"() ({
      %run_scoped3A = tpu.sem_alloc : memref<!tpu.dma_semaphore, #tpu.memory_space<semaphore_mem>>
      %dma_start3A_203 = arith.constant 0 : i32
      %dma_start3A_204 = tpu.memref_slice %arg10[%mul3A_0, %dma_start3A_203] : memref<10240x64xf32, #tpu.memory_space<vmem_shared>> -> memref<640x64xf32, #tpu.memory_space<vmem_shared>>
      tpu.enqueue_dma source(%arg5 : memref<640x64xf32, #tpu.memory_space<hbm>>) target(%dma_start3A_204 : memref<640x64xf32, #tpu.memory_space<vmem_shared>>) target_semaphore(%run_scoped3A : memref<!tpu.dma_semaphore, #tpu.memory_space<semaphore_mem>>)
      %dma_wait3A_205 = arith.constant 0 : i32
      %dma_wait3A_206 = tpu.memref_slice %arg10[%mul3A_0, %dma_wait3A_205] : memref<10240x64xf32, #tpu.memory_space<vmem_shared>> -> memref<640x64xf32, #tpu.memory_space<vmem_shared>>
      tpu.wait_dma2 semaphore(%run_scoped3A : memref<!tpu.dma_semaphore, #tpu.memory_space<semaphore_mem>>) src(%arg5 : memref<640x64xf32, #tpu.memory_space<hbm>>) dst(%dma_wait3A_206 : memref<640x64xf32, #tpu.memory_space<vmem_shared>>)
      tpu.yield
    }) : () -> ()
    %barrier3A = arith.constant 0 : index
    tpu.barrier barrier_id(%barrier3A)
    %dma_start3A = arith.constant 0 : i32
    %dma_start3A_1 = arith.constant 0 : i32
    %dma_start3A_2 = arith.constant 0 : i32
    %dma_start3A_3 = arith.constant 0 : i32
    %dma_start3A_4 = tpu.memref_slice %arg9[%dma_start3A_1, %dma_start3A_2, %dma_start3A_3] : memref<4x125x64xf32, #tpu.memory_space<vmem>> -> memref<1x125x64xf32, #tpu.memory_space<vmem>>
    %dma_start3A_5 = tpu.memref_squeeze %dma_start3A_4 : memref<1x125x64xf32, #tpu.memory_space<vmem>> -> memref<125x64xf32, #tpu.memory_space<vmem>>
    %dma_start3A_6 = arith.constant 0 : i32
    %dma_start3A_7 = tpu.memref_slice %arg7[%dma_start3A, %dma_start3A_6] : memref<160x125xi32, #tpu.memory_space<vmem>> -> memref<1x125xi32, #tpu.memory_space<vmem>>
    %dma_start3A_8 = tpu.memref_squeeze %dma_start3A_7 : memref<1x125xi32, #tpu.memory_space<vmem>> -> memref<125xi32, #tpu.memory_space<vmem>>
    %dma_start3A_9 = arith.constant 0 : i32
    %dma_start3A_10 = arith.constant 0 : i32
    %dma_start3A_11 = tpu.memref_slice %arg2[%dma_start3A_9, %dma_start3A_10] : memref<20000x64xf32, #tpu.memory_space<hbm>> -> memref<20000x64xf32, #tpu.memory_space<hbm>>
    tpu.enqueue_indirect_dma source(%dma_start3A_11 : memref<20000x64xf32, #tpu.memory_space<hbm>>) target(%dma_start3A_5 : memref<125x64xf32, #tpu.memory_space<vmem>>) offsets(%dma_start3A_8 : memref<125xi32, #tpu.memory_space<vmem>>) semaphore(%arg11 : memref<!tpu.dma_semaphore, #tpu.memory_space<semaphore_mem>>)
    %dma_start3A_12 = arith.constant 1 : i32
    %dma_start3A_13 = arith.constant 1 : i32
    %dma_start3A_14 = arith.constant 0 : i32
    %dma_start3A_15 = arith.constant 0 : i32
    %dma_start3A_16 = tpu.memref_slice %arg9[%dma_start3A_13, %dma_start3A_14, %dma_start3A_15] : memref<4x125x64xf32, #tpu.memory_space<vmem>> -> memref<1x125x64xf32, #tpu.memory_space<vmem>>
    %dma_start3A_17 = tpu.memref_squeeze %dma_start3A_16 : memref<1x125x64xf32, #tpu.memory_space<vmem>> -> memref<125x64xf32, #tpu.memory_space<vmem>>
    %dma_start3A_18 = arith.constant 0 : i32
    %dma_start3A_19 = tpu.memref_slice %arg7[%dma_start3A_12, %dma_start3A_18] : memref<160x125xi32, #tpu.memory_space<vmem>> -> memref<1x125xi32, #tpu.memory_space<vmem>>
    %dma_start3A_20 = tpu.memref_squeeze %dma_start3A_19 : memref<1x125xi32, #tpu.memory_space<vmem>> -> memref<125xi32, #tpu.memory_space<vmem>>
    %dma_start3A_21 = arith.constant 0 : i32
    %dma_start3A_22 = arith.constant 0 : i32
    %dma_start3A_23 = tpu.memref_slice %arg2[%dma_start3A_21, %dma_start3A_22] : memref<20000x64xf32, #tpu.memory_space<hbm>> -> memref<20000x64xf32, #tpu.memory_space<hbm>>
    tpu.enqueue_indirect_dma source(%dma_start3A_23 : memref<20000x64xf32, #tpu.memory_space<hbm>>) target(%dma_start3A_17 : memref<125x64xf32, #tpu.memory_space<vmem>>) offsets(%dma_start3A_20 : memref<125xi32, #tpu.memory_space<vmem>>) semaphore(%arg12 : memref<!tpu.dma_semaphore, #tpu.memory_space<semaphore_mem>>)
    %dma_start3A_24 = arith.constant 2 : i32
    %dma_start3A_25 = arith.constant 2 : i32
    %dma_start3A_26 = arith.constant 0 : i32
    %dma_start3A_27 = arith.constant 0 : i32
    %dma_start3A_28 = tpu.memref_slice %arg9[%dma_start3A_25, %dma_start3A_26, %dma_start3A_27] : memref<4x125x64xf32, #tpu.memory_space<vmem>> -> memref<1x125x64xf32, #tpu.memory_space<vmem>>
    %dma_start3A_29 = tpu.memref_squeeze %dma_start3A_28 : memref<1x125x64xf32, #tpu.memory_space<vmem>> -> memref<125x64xf32, #tpu.memory_space<vmem>>
    %dma_start3A_30 = arith.constant 0 : i32
    %dma_start3A_31 = tpu.memref_slice %arg7[%dma_start3A_24, %dma_start3A_30] : memref<160x125xi32, #tpu.memory_space<vmem>> -> memref<1x125xi32, #tpu.memory_space<vmem>>
    %dma_start3A_32 = tpu.memref_squeeze %dma_start3A_31 : memref<1x125xi32, #tpu.memory_space<vmem>> -> memref<125xi32, #tpu.memory_space<vmem>>
    %dma_start3A_33 = arith.constant 0 : i32
    %dma_start3A_34 = arith.constant 0 : i32
    %dma_start3A_35 = tpu.memref_slice %arg2[%dma_start3A_33, %dma_start3A_34] : memref<20000x64xf32, #tpu.memory_space<hbm>> -> memref<20000x64xf32, #tpu.memory_space<hbm>>
    tpu.enqueue_indirect_dma source(%dma_start3A_35 : memref<20000x64xf32, #tpu.memory_space<hbm>>) target(%dma_start3A_29 : memref<125x64xf32, #tpu.memory_space<vmem>>) offsets(%dma_start3A_32 : memref<125xi32, #tpu.memory_space<vmem>>) semaphore(%arg13 : memref<!tpu.dma_semaphore, #tpu.memory_space<semaphore_mem>>)
    %scan3A = arith.constant 0 : i32
    %scan3A_36 = arith.constant 0 : i32
    %scan3A_37 = arith.constant 39 : i32
    %scan3A_38 = arith.addi %scan3A_36, %scan3A_37 : i32
    %scan3A_39 = arith.constant 1 : i32
    scf.for %scan3A_203 = %scan3A_36 to %scan3A_38 step %scan3A_39  : i32 {
      %mul3A_204 = arith.constant 4 : i32
      %mul3A_205 = arith.muli %mul3A_204, %scan3A_203 : i32
      %add3A = arith.constant 0 : i32
      %add3A_206 = arith.addi %mul3A_205, %add3A : i32
      %dma_wait3A_207 = arith.constant 0 : i32
      %dma_wait3A_208 = arith.constant 0 : i32
      %dma_wait3A_209 = arith.constant 0 : i32
      %dma_wait3A_210 = tpu.memref_slice %arg9[%dma_wait3A_207, %dma_wait3A_208, %dma_wait3A_209] : memref<4x125x64xf32, #tpu.memory_space<vmem>> -> memref<1x125x64xf32, #tpu.memory_space<vmem>>
      %dma_wait3A_211 = tpu.memref_squeeze %dma_wait3A_210 : memref<1x125x64xf32, #tpu.memory_space<vmem>> -> memref<125x64xf32, #tpu.memory_space<vmem>>
      %dma_wait3A_212 = arith.constant 0 : i32
      %dma_wait3A_213 = tpu.memref_slice %arg7[%add3A_206, %dma_wait3A_212] : memref<160x125xi32, #tpu.memory_space<vmem>> -> memref<1x125xi32, #tpu.memory_space<vmem>>
      %dma_wait3A_214 = tpu.memref_squeeze %dma_wait3A_213 : memref<1x125xi32, #tpu.memory_space<vmem>> -> memref<125xi32, #tpu.memory_space<vmem>>
      %dma_wait3A_215 = arith.constant 0 : i32
      %dma_wait3A_216 = arith.constant 0 : i32
      %dma_wait3A_217 = tpu.memref_slice %arg2[%dma_wait3A_215, %dma_wait3A_216] : memref<20000x64xf32, #tpu.memory_space<hbm>> -> memref<20000x64xf32, #tpu.memory_space<hbm>>
      tpu.wait_indirect_dma semaphore(%arg11 : memref<!tpu.dma_semaphore, #tpu.memory_space<semaphore_mem>>) src(%dma_wait3A_217 : memref<20000x64xf32, #tpu.memory_space<hbm>>) dst(%dma_wait3A_211 : memref<125x64xf32, #tpu.memory_space<vmem>>)
      %dma_start3A_218 = arith.constant 0 : i32
      %dma_start3A_219 = arith.constant 0 : i32
      %dma_start3A_220 = arith.constant 0 : i32
      %dma_start3A_221 = tpu.memref_slice %arg9[%dma_start3A_218, %dma_start3A_219, %dma_start3A_220] : memref<4x125x64xf32, #tpu.memory_space<vmem>> -> memref<1x125x64xf32, #tpu.memory_space<vmem>>
      %dma_start3A_222 = tpu.memref_squeeze %dma_start3A_221 : memref<1x125x64xf32, #tpu.memory_space<vmem>> -> memref<125x64xf32, #tpu.memory_space<vmem>>
      %dma_start3A_223 = arith.constant 0 : i32
      %dma_start3A_224 = tpu.memref_slice %arg8[%add3A_206, %dma_start3A_223] : memref<160x125xi32, #tpu.memory_space<vmem>> -> memref<1x125xi32, #tpu.memory_space<vmem>>
      %dma_start3A_225 = tpu.memref_squeeze %dma_start3A_224 : memref<1x125xi32, #tpu.memory_space<vmem>> -> memref<125xi32, #tpu.memory_space<vmem>>
      %dma_start3A_226 = arith.constant 0 : i32
      %dma_start3A_227 = arith.constant 0 : i32
      %dma_start3A_228 = tpu.memref_slice %arg10[%dma_start3A_226, %dma_start3A_227] : memref<10240x64xf32, #tpu.memory_space<vmem_shared>> -> memref<10240x64xf32, #tpu.memory_space<vmem_shared>>
      tpu.enqueue_indirect_dma source(%dma_start3A_222 : memref<125x64xf32, #tpu.memory_space<vmem>>) target(%dma_start3A_228 : memref<10240x64xf32, #tpu.memory_space<vmem_shared>>) offsets(%dma_start3A_225 : memref<125xi32, #tpu.memory_space<vmem>>) semaphore(%arg15 : memref<!tpu.dma_semaphore, #tpu.memory_space<semaphore_mem>>) {add = true}
      %add3A_229 = arith.constant 3 : i32
      %add3A_230 = arith.addi %add3A_206, %add3A_229 : i32
      %dma_start3A_231 = arith.constant 3 : i32
      %dma_start3A_232 = arith.constant 0 : i32
      %dma_start3A_233 = arith.constant 0 : i32
      %dma_start3A_234 = tpu.memref_slice %arg9[%dma_start3A_231, %dma_start3A_232, %dma_start3A_233] : memref<4x125x64xf32, #tpu.memory_space<vmem>> -> memref<1x125x64xf32, #tpu.memory_space<vmem>>
      %dma_start3A_235 = tpu.memref_squeeze %dma_start3A_234 : memref<1x125x64xf32, #tpu.memory_space<vmem>> -> memref<125x64xf32, #tpu.memory_space<vmem>>
      %dma_start3A_236 = arith.constant 0 : i32
      %dma_start3A_237 = tpu.memref_slice %arg7[%add3A_230, %dma_start3A_236] : memref<160x125xi32, #tpu.memory_space<vmem>> -> memref<1x125xi32, #tpu.memory_space<vmem>>
      %dma_start3A_238 = tpu.memref_squeeze %dma_start3A_237 : memref<1x125xi32, #tpu.memory_space<vmem>> -> memref<125xi32, #tpu.memory_space<vmem>>
      %dma_start3A_239 = arith.constant 0 : i32
      %dma_start3A_240 = arith.constant 0 : i32
      %dma_start3A_241 = tpu.memref_slice %arg2[%dma_start3A_239, %dma_start3A_240] : memref<20000x64xf32, #tpu.memory_space<hbm>> -> memref<20000x64xf32, #tpu.memory_space<hbm>>
      tpu.enqueue_indirect_dma source(%dma_start3A_241 : memref<20000x64xf32, #tpu.memory_space<hbm>>) target(%dma_start3A_235 : memref<125x64xf32, #tpu.memory_space<vmem>>) offsets(%dma_start3A_238 : memref<125xi32, #tpu.memory_space<vmem>>) semaphore(%arg14 : memref<!tpu.dma_semaphore, #tpu.memory_space<semaphore_mem>>)
      %dma_wait3A_242 = arith.constant 0 : i32
      %dma_wait3A_243 = arith.constant 0 : i32
      %dma_wait3A_244 = arith.constant 0 : i32
      %dma_wait3A_245 = tpu.memref_slice %arg9[%dma_wait3A_242, %dma_wait3A_243, %dma_wait3A_244] : memref<4x125x64xf32, #tpu.memory_space<vmem>> -> memref<1x125x64xf32, #tpu.memory_space<vmem>>
      %dma_wait3A_246 = tpu.memref_squeeze %dma_wait3A_245 : memref<1x125x64xf32, #tpu.memory_space<vmem>> -> memref<125x64xf32, #tpu.memory_space<vmem>>
      %dma_wait3A_247 = arith.constant 0 : i32
      %dma_wait3A_248 = tpu.memref_slice %arg8[%add3A_206, %dma_wait3A_247] : memref<160x125xi32, #tpu.memory_space<vmem>> -> memref<1x125xi32, #tpu.memory_space<vmem>>
      %dma_wait3A_249 = tpu.memref_squeeze %dma_wait3A_248 : memref<1x125xi32, #tpu.memory_space<vmem>> -> memref<125xi32, #tpu.memory_space<vmem>>
      %dma_wait3A_250 = arith.constant 0 : i32
      %dma_wait3A_251 = arith.constant 0 : i32
      %dma_wait3A_252 = tpu.memref_slice %arg10[%dma_wait3A_250, %dma_wait3A_251] : memref<10240x64xf32, #tpu.memory_space<vmem_shared>> -> memref<10240x64xf32, #tpu.memory_space<vmem_shared>>
      tpu.wait_indirect_dma semaphore(%arg15 : memref<!tpu.dma_semaphore, #tpu.memory_space<semaphore_mem>>) src(%dma_wait3A_246 : memref<125x64xf32, #tpu.memory_space<vmem>>) dst(%dma_wait3A_252 : memref<10240x64xf32, #tpu.memory_space<vmem_shared>>)
      %mul3A_253 = arith.constant 4 : i32
      %mul3A_254 = arith.muli %mul3A_253, %scan3A_203 : i32
      %add3A_255 = arith.constant 1 : i32
      %add3A_256 = arith.addi %mul3A_254, %add3A_255 : i32
      %dma_wait3A_257 = arith.constant 1 : i32
      %dma_wait3A_258 = arith.constant 0 : i32
      %dma_wait3A_259 = arith.constant 0 : i32
      %dma_wait3A_260 = tpu.memref_slice %arg9[%dma_wait3A_257, %dma_wait3A_258, %dma_wait3A_259] : memref<4x125x64xf32, #tpu.memory_space<vmem>> -> memref<1x125x64xf32, #tpu.memory_space<vmem>>
      %dma_wait3A_261 = tpu.memref_squeeze %dma_wait3A_260 : memref<1x125x64xf32, #tpu.memory_space<vmem>> -> memref<125x64xf32, #tpu.memory_space<vmem>>
      %dma_wait3A_262 = arith.constant 0 : i32
      %dma_wait3A_263 = tpu.memref_slice %arg7[%add3A_256, %dma_wait3A_262] : memref<160x125xi32, #tpu.memory_space<vmem>> -> memref<1x125xi32, #tpu.memory_space<vmem>>
      %dma_wait3A_264 = tpu.memref_squeeze %dma_wait3A_263 : memref<1x125xi32, #tpu.memory_space<vmem>> -> memref<125xi32, #tpu.memory_space<vmem>>
      %dma_wait3A_265 = arith.constant 0 : i32
      %dma_wait3A_266 = arith.constant 0 : i32
      %dma_wait3A_267 = tpu.memref_slice %arg2[%dma_wait3A_265, %dma_wait3A_266] : memref<20000x64xf32, #tpu.memory_space<hbm>> -> memref<20000x64xf32, #tpu.memory_space<hbm>>
      tpu.wait_indirect_dma semaphore(%arg12 : memref<!tpu.dma_semaphore, #tpu.memory_space<semaphore_mem>>) src(%dma_wait3A_267 : memref<20000x64xf32, #tpu.memory_space<hbm>>) dst(%dma_wait3A_261 : memref<125x64xf32, #tpu.memory_space<vmem>>)
      %dma_start3A_268 = arith.constant 1 : i32
      %dma_start3A_269 = arith.constant 0 : i32
      %dma_start3A_270 = arith.constant 0 : i32
      %dma_start3A_271 = tpu.memref_slice %arg9[%dma_start3A_268, %dma_start3A_269, %dma_start3A_270] : memref<4x125x64xf32, #tpu.memory_space<vmem>> -> memref<1x125x64xf32, #tpu.memory_space<vmem>>
      %dma_start3A_272 = tpu.memref_squeeze %dma_start3A_271 : memref<1x125x64xf32, #tpu.memory_space<vmem>> -> memref<125x64xf32, #tpu.memory_space<vmem>>
      %dma_start3A_273 = arith.constant 0 : i32
      %dma_start3A_274 = tpu.memref_slice %arg8[%add3A_256, %dma_start3A_273] : memref<160x125xi32, #tpu.memory_space<vmem>> -> memref<1x125xi32, #tpu.memory_space<vmem>>
      %dma_start3A_275 = tpu.memref_squeeze %dma_start3A_274 : memref<1x125xi32, #tpu.memory_space<vmem>> -> memref<125xi32, #tpu.memory_space<vmem>>
      %dma_start3A_276 = arith.constant 0 : i32
      %dma_start3A_277 = arith.constant 0 : i32
      %dma_start3A_278 = tpu.memref_slice %arg10[%dma_start3A_276, %dma_start3A_277] : memref<10240x64xf32, #tpu.memory_space<vmem_shared>> -> memref<10240x64xf32, #tpu.memory_space<vmem_shared>>
      tpu.enqueue_indirect_dma source(%dma_start3A_272 : memref<125x64xf32, #tpu.memory_space<vmem>>) target(%dma_start3A_278 : memref<10240x64xf32, #tpu.memory_space<vmem_shared>>) offsets(%dma_start3A_275 : memref<125xi32, #tpu.memory_space<vmem>>) semaphore(%arg15 : memref<!tpu.dma_semaphore, #tpu.memory_space<semaphore_mem>>) {add = true}
      %add3A_279 = arith.constant 3 : i32
      %add3A_280 = arith.addi %add3A_256, %add3A_279 : i32
      %dma_start3A_281 = arith.constant 0 : i32
      %dma_start3A_282 = arith.constant 0 : i32
      %dma_start3A_283 = arith.constant 0 : i32
      %dma_start3A_284 = tpu.memref_slice %arg9[%dma_start3A_281, %dma_start3A_282, %dma_start3A_283] : memref<4x125x64xf32, #tpu.memory_space<vmem>> -> memref<1x125x64xf32, #tpu.memory_space<vmem>>
      %dma_start3A_285 = tpu.memref_squeeze %dma_start3A_284 : memref<1x125x64xf32, #tpu.memory_space<vmem>> -> memref<125x64xf32, #tpu.memory_space<vmem>>
      %dma_start3A_286 = arith.constant 0 : i32
      %dma_start3A_287 = tpu.memref_slice %arg7[%add3A_280, %dma_start3A_286] : memref<160x125xi32, #tpu.memory_space<vmem>> -> memref<1x125xi32, #tpu.memory_space<vmem>>
      %dma_start3A_288 = tpu.memref_squeeze %dma_start3A_287 : memref<1x125xi32, #tpu.memory_space<vmem>> -> memref<125xi32, #tpu.memory_space<vmem>>
      %dma_start3A_289 = arith.constant 0 : i32
      %dma_start3A_290 = arith.constant 0 : i32
      %dma_start3A_291 = tpu.memref_slice %arg2[%dma_start3A_289, %dma_start3A_290] : memref<20000x64xf32, #tpu.memory_space<hbm>> -> memref<20000x64xf32, #tpu.memory_space<hbm>>
      tpu.enqueue_indirect_dma source(%dma_start3A_291 : memref<20000x64xf32, #tpu.memory_space<hbm>>) target(%dma_start3A_285 : memref<125x64xf32, #tpu.memory_space<vmem>>) offsets(%dma_start3A_288 : memref<125xi32, #tpu.memory_space<vmem>>) semaphore(%arg11 : memref<!tpu.dma_semaphore, #tpu.memory_space<semaphore_mem>>)
      %dma_wait3A_292 = arith.constant 1 : i32
      %dma_wait3A_293 = arith.constant 0 : i32
      %dma_wait3A_294 = arith.constant 0 : i32
      %dma_wait3A_295 = tpu.memref_slice %arg9[%dma_wait3A_292, %dma_wait3A_293, %dma_wait3A_294] : memref<4x125x64xf32, #tpu.memory_space<vmem>> -> memref<1x125x64xf32, #tpu.memory_space<vmem>>
      %dma_wait3A_296 = tpu.memref_squeeze %dma_wait3A_295 : memref<1x125x64xf32, #tpu.memory_space<vmem>> -> memref<125x64xf32, #tpu.memory_space<vmem>>
      %dma_wait3A_297 = arith.constant 0 : i32
      %dma_wait3A_298 = tpu.memref_slice %arg8[%add3A_256, %dma_wait3A_297] : memref<160x125xi32, #tpu.memory_space<vmem>> -> memref<1x125xi32, #tpu.memory_space<vmem>>
      %dma_wait3A_299 = tpu.memref_squeeze %dma_wait3A_298 : memref<1x125xi32, #tpu.memory_space<vmem>> -> memref<125xi32, #tpu.memory_space<vmem>>
      %dma_wait3A_300 = arith.constant 0 : i32
      %dma_wait3A_301 = arith.constant 0 : i32
      %dma_wait3A_302 = tpu.memref_slice %arg10[%dma_wait3A_300, %dma_wait3A_301] : memref<10240x64xf32, #tpu.memory_space<vmem_shared>> -> memref<10240x64xf32, #tpu.memory_space<vmem_shared>>
      tpu.wait_indirect_dma semaphore(%arg15 : memref<!tpu.dma_semaphore, #tpu.memory_space<semaphore_mem>>) src(%dma_wait3A_296 : memref<125x64xf32, #tpu.memory_space<vmem>>) dst(%dma_wait3A_302 : memref<10240x64xf32, #tpu.memory_space<vmem_shared>>)
      %mul3A_303 = arith.constant 4 : i32
      %mul3A_304 = arith.muli %mul3A_303, %scan3A_203 : i32
      %add3A_305 = arith.constant 2 : i32
      %add3A_306 = arith.addi %mul3A_304, %add3A_305 : i32
      %dma_wait3A_307 = arith.constant 2 : i32
      %dma_wait3A_308 = arith.constant 0 : i32
      %dma_wait3A_309 = arith.constant 0 : i32
      %dma_wait3A_310 = tpu.memref_slice %arg9[%dma_wait3A_307, %dma_wait3A_308, %dma_wait3A_309] : memref<4x125x64xf32, #tpu.memory_space<vmem>> -> memref<1x125x64xf32, #tpu.memory_space<vmem>>
      %dma_wait3A_311 = tpu.memref_squeeze %dma_wait3A_310 : memref<1x125x64xf32, #tpu.memory_space<vmem>> -> memref<125x64xf32, #tpu.memory_space<vmem>>
      %dma_wait3A_312 = arith.constant 0 : i32
      %dma_wait3A_313 = tpu.memref_slice %arg7[%add3A_306, %dma_wait3A_312] : memref<160x125xi32, #tpu.memory_space<vmem>> -> memref<1x125xi32, #tpu.memory_space<vmem>>
      %dma_wait3A_314 = tpu.memref_squeeze %dma_wait3A_313 : memref<1x125xi32, #tpu.memory_space<vmem>> -> memref<125xi32, #tpu.memory_space<vmem>>
      %dma_wait3A_315 = arith.constant 0 : i32
      %dma_wait3A_316 = arith.constant 0 : i32
      %dma_wait3A_317 = tpu.memref_slice %arg2[%dma_wait3A_315, %dma_wait3A_316] : memref<20000x64xf32, #tpu.memory_space<hbm>> -> memref<20000x64xf32, #tpu.memory_space<hbm>>
      tpu.wait_indirect_dma semaphore(%arg13 : memref<!tpu.dma_semaphore, #tpu.memory_space<semaphore_mem>>) src(%dma_wait3A_317 : memref<20000x64xf32, #tpu.memory_space<hbm>>) dst(%dma_wait3A_311 : memref<125x64xf32, #tpu.memory_space<vmem>>)
      %dma_start3A_318 = arith.constant 2 : i32
      %dma_start3A_319 = arith.constant 0 : i32
      %dma_start3A_320 = arith.constant 0 : i32
      %dma_start3A_321 = tpu.memref_slice %arg9[%dma_start3A_318, %dma_start3A_319, %dma_start3A_320] : memref<4x125x64xf32, #tpu.memory_space<vmem>> -> memref<1x125x64xf32, #tpu.memory_space<vmem>>
      %dma_start3A_322 = tpu.memref_squeeze %dma_start3A_321 : memref<1x125x64xf32, #tpu.memory_space<vmem>> -> memref<125x64xf32, #tpu.memory_space<vmem>>
      %dma_start3A_323 = arith.constant 0 : i32
      %dma_start3A_324 = tpu.memref_slice %arg8[%add3A_306, %dma_start3A_323] : memref<160x125xi32, #tpu.memory_space<vmem>> -> memref<1x125xi32, #tpu.memory_space<vmem>>
      %dma_start3A_325 = tpu.memref_squeeze %dma_start3A_324 : memref<1x125xi32, #tpu.memory_space<vmem>> -> memref<125xi32, #tpu.memory_space<vmem>>
      %dma_start3A_326 = arith.constant 0 : i32
      %dma_start3A_327 = arith.constant 0 : i32
      %dma_start3A_328 = tpu.memref_slice %arg10[%dma_start3A_326, %dma_start3A_327] : memref<10240x64xf32, #tpu.memory_space<vmem_shared>> -> memref<10240x64xf32, #tpu.memory_space<vmem_shared>>
      tpu.enqueue_indirect_dma source(%dma_start3A_322 : memref<125x64xf32, #tpu.memory_space<vmem>>) target(%dma_start3A_328 : memref<10240x64xf32, #tpu.memory_space<vmem_shared>>) offsets(%dma_start3A_325 : memref<125xi32, #tpu.memory_space<vmem>>) semaphore(%arg15 : memref<!tpu.dma_semaphore, #tpu.memory_space<semaphore_mem>>) {add = true}
      %add3A_329 = arith.constant 3 : i32
      %add3A_330 = arith.addi %add3A_306, %add3A_329 : i32
      %dma_start3A_331 = arith.constant 1 : i32
      %dma_start3A_332 = arith.constant 0 : i32
      %dma_start3A_333 = arith.constant 0 : i32
      %dma_start3A_334 = tpu.memref_slice %arg9[%dma_start3A_331, %dma_start3A_332, %dma_start3A_333] : memref<4x125x64xf32, #tpu.memory_space<vmem>> -> memref<1x125x64xf32, #tpu.memory_space<vmem>>
      %dma_start3A_335 = tpu.memref_squeeze %dma_start3A_334 : memref<1x125x64xf32, #tpu.memory_space<vmem>> -> memref<125x64xf32, #tpu.memory_space<vmem>>
      %dma_start3A_336 = arith.constant 0 : i32
      %dma_start3A_337 = tpu.memref_slice %arg7[%add3A_330, %dma_start3A_336] : memref<160x125xi32, #tpu.memory_space<vmem>> -> memref<1x125xi32, #tpu.memory_space<vmem>>
      %dma_start3A_338 = tpu.memref_squeeze %dma_start3A_337 : memref<1x125xi32, #tpu.memory_space<vmem>> -> memref<125xi32, #tpu.memory_space<vmem>>
      %dma_start3A_339 = arith.constant 0 : i32
      %dma_start3A_340 = arith.constant 0 : i32
      %dma_start3A_341 = tpu.memref_slice %arg2[%dma_start3A_339, %dma_start3A_340] : memref<20000x64xf32, #tpu.memory_space<hbm>> -> memref<20000x64xf32, #tpu.memory_space<hbm>>
      tpu.enqueue_indirect_dma source(%dma_start3A_341 : memref<20000x64xf32, #tpu.memory_space<hbm>>) target(%dma_start3A_335 : memref<125x64xf32, #tpu.memory_space<vmem>>) offsets(%dma_start3A_338 : memref<125xi32, #tpu.memory_space<vmem>>) semaphore(%arg12 : memref<!tpu.dma_semaphore, #tpu.memory_space<semaphore_mem>>)
      %dma_wait3A_342 = arith.constant 2 : i32
      %dma_wait3A_343 = arith.constant 0 : i32
      %dma_wait3A_344 = arith.constant 0 : i32
      %dma_wait3A_345 = tpu.memref_slice %arg9[%dma_wait3A_342, %dma_wait3A_343, %dma_wait3A_344] : memref<4x125x64xf32, #tpu.memory_space<vmem>> -> memref<1x125x64xf32, #tpu.memory_space<vmem>>
      %dma_wait3A_346 = tpu.memref_squeeze %dma_wait3A_345 : memref<1x125x64xf32, #tpu.memory_space<vmem>> -> memref<125x64xf32, #tpu.memory_space<vmem>>
      %dma_wait3A_347 = arith.constant 0 : i32
      %dma_wait3A_348 = tpu.memref_slice %arg8[%add3A_306, %dma_wait3A_347] : memref<160x125xi32, #tpu.memory_space<vmem>> -> memref<1x125xi32, #tpu.memory_space<vmem>>
      %dma_wait3A_349 = tpu.memref_squeeze %dma_wait3A_348 : memref<1x125xi32, #tpu.memory_space<vmem>> -> memref<125xi32, #tpu.memory_space<vmem>>
      %dma_wait3A_350 = arith.constant 0 : i32
      %dma_wait3A_351 = arith.constant 0 : i32
      %dma_wait3A_352 = tpu.memref_slice %arg10[%dma_wait3A_350, %dma_wait3A_351] : memref<10240x64xf32, #tpu.memory_space<vmem_shared>> -> memref<10240x64xf32, #tpu.memory_space<vmem_shared>>
      tpu.wait_indirect_dma semaphore(%arg15 : memref<!tpu.dma_semaphore, #tpu.memory_space<semaphore_mem>>) src(%dma_wait3A_346 : memref<125x64xf32, #tpu.memory_space<vmem>>) dst(%dma_wait3A_352 : memref<10240x64xf32, #tpu.memory_space<vmem_shared>>)
      %mul3A_353 = arith.constant 4 : i32
      %mul3A_354 = arith.muli %mul3A_353, %scan3A_203 : i32
      %add3A_355 = arith.constant 3 : i32
      %add3A_356 = arith.addi %mul3A_354, %add3A_355 : i32
      %dma_wait3A_357 = arith.constant 3 : i32
      %dma_wait3A_358 = arith.constant 0 : i32
      %dma_wait3A_359 = arith.constant 0 : i32
      %dma_wait3A_360 = tpu.memref_slice %arg9[%dma_wait3A_357, %dma_wait3A_358, %dma_wait3A_359] : memref<4x125x64xf32, #tpu.memory_space<vmem>> -> memref<1x125x64xf32, #tpu.memory_space<vmem>>
      %dma_wait3A_361 = tpu.memref_squeeze %dma_wait3A_360 : memref<1x125x64xf32, #tpu.memory_space<vmem>> -> memref<125x64xf32, #tpu.memory_space<vmem>>
      %dma_wait3A_362 = arith.constant 0 : i32
      %dma_wait3A_363 = tpu.memref_slice %arg7[%add3A_356, %dma_wait3A_362] : memref<160x125xi32, #tpu.memory_space<vmem>> -> memref<1x125xi32, #tpu.memory_space<vmem>>
      %dma_wait3A_364 = tpu.memref_squeeze %dma_wait3A_363 : memref<1x125xi32, #tpu.memory_space<vmem>> -> memref<125xi32, #tpu.memory_space<vmem>>
      %dma_wait3A_365 = arith.constant 0 : i32
      %dma_wait3A_366 = arith.constant 0 : i32
      %dma_wait3A_367 = tpu.memref_slice %arg2[%dma_wait3A_365, %dma_wait3A_366] : memref<20000x64xf32, #tpu.memory_space<hbm>> -> memref<20000x64xf32, #tpu.memory_space<hbm>>
      tpu.wait_indirect_dma semaphore(%arg14 : memref<!tpu.dma_semaphore, #tpu.memory_space<semaphore_mem>>) src(%dma_wait3A_367 : memref<20000x64xf32, #tpu.memory_space<hbm>>) dst(%dma_wait3A_361 : memref<125x64xf32, #tpu.memory_space<vmem>>)
      %dma_start3A_368 = arith.constant 3 : i32
      %dma_start3A_369 = arith.constant 0 : i32
      %dma_start3A_370 = arith.constant 0 : i32
      %dma_start3A_371 = tpu.memref_slice %arg9[%dma_start3A_368, %dma_start3A_369, %dma_start3A_370] : memref<4x125x64xf32, #tpu.memory_space<vmem>> -> memref<1x125x64xf32, #tpu.memory_space<vmem>>
      %dma_start3A_372 = tpu.memref_squeeze %dma_start3A_371 : memref<1x125x64xf32, #tpu.memory_space<vmem>> -> memref<125x64xf32, #tpu.memory_space<vmem>>
      %dma_start3A_373 = arith.constant 0 : i32
      %dma_start3A_374 = tpu.memref_slice %arg8[%add3A_356, %dma_start3A_373] : memref<160x125xi32, #tpu.memory_space<vmem>> -> memref<1x125xi32, #tpu.memory_space<vmem>>
      %dma_start3A_375 = tpu.memref_squeeze %dma_start3A_374 : memref<1x125xi32, #tpu.memory_space<vmem>> -> memref<125xi32, #tpu.memory_space<vmem>>
      %dma_start3A_376 = arith.constant 0 : i32
      %dma_start3A_377 = arith.constant 0 : i32
      %dma_start3A_378 = tpu.memref_slice %arg10[%dma_start3A_376, %dma_start3A_377] : memref<10240x64xf32, #tpu.memory_space<vmem_shared>> -> memref<10240x64xf32, #tpu.memory_space<vmem_shared>>
      tpu.enqueue_indirect_dma source(%dma_start3A_372 : memref<125x64xf32, #tpu.memory_space<vmem>>) target(%dma_start3A_378 : memref<10240x64xf32, #tpu.memory_space<vmem_shared>>) offsets(%dma_start3A_375 : memref<125xi32, #tpu.memory_space<vmem>>) semaphore(%arg15 : memref<!tpu.dma_semaphore, #tpu.memory_space<semaphore_mem>>) {add = true}
      %add3A_379 = arith.constant 3 : i32
      %add3A_380 = arith.addi %add3A_356, %add3A_379 : i32
      %dma_start3A_381 = arith.constant 2 : i32
      %dma_start3A_382 = arith.constant 0 : i32
      %dma_start3A_383 = arith.constant 0 : i32
      %dma_start3A_384 = tpu.memref_slice %arg9[%dma_start3A_381, %dma_start3A_382, %dma_start3A_383] : memref<4x125x64xf32, #tpu.memory_space<vmem>> -> memref<1x125x64xf32, #tpu.memory_space<vmem>>
      %dma_start3A_385 = tpu.memref_squeeze %dma_start3A_384 : memref<1x125x64xf32, #tpu.memory_space<vmem>> -> memref<125x64xf32, #tpu.memory_space<vmem>>
      %dma_start3A_386 = arith.constant 0 : i32
      %dma_start3A_387 = tpu.memref_slice %arg7[%add3A_380, %dma_start3A_386] : memref<160x125xi32, #tpu.memory_space<vmem>> -> memref<1x125xi32, #tpu.memory_space<vmem>>
      %dma_start3A_388 = tpu.memref_squeeze %dma_start3A_387 : memref<1x125xi32, #tpu.memory_space<vmem>> -> memref<125xi32, #tpu.memory_space<vmem>>
      %dma_start3A_389 = arith.constant 0 : i32
      %dma_start3A_390 = arith.constant 0 : i32
      %dma_start3A_391 = tpu.memref_slice %arg2[%dma_start3A_389, %dma_start3A_390] : memref<20000x64xf32, #tpu.memory_space<hbm>> -> memref<20000x64xf32, #tpu.memory_space<hbm>>
      tpu.enqueue_indirect_dma source(%dma_start3A_391 : memref<20000x64xf32, #tpu.memory_space<hbm>>) target(%dma_start3A_385 : memref<125x64xf32, #tpu.memory_space<vmem>>) offsets(%dma_start3A_388 : memref<125xi32, #tpu.memory_space<vmem>>) semaphore(%arg13 : memref<!tpu.dma_semaphore, #tpu.memory_space<semaphore_mem>>)
      %dma_wait3A_392 = arith.constant 3 : i32
      %dma_wait3A_393 = arith.constant 0 : i32
      %dma_wait3A_394 = arith.constant 0 : i32
      %dma_wait3A_395 = tpu.memref_slice %arg9[%dma_wait3A_392, %dma_wait3A_393, %dma_wait3A_394] : memref<4x125x64xf32, #tpu.memory_space<vmem>> -> memref<1x125x64xf32, #tpu.memory_space<vmem>>
      %dma_wait3A_396 = tpu.memref_squeeze %dma_wait3A_395 : memref<1x125x64xf32, #tpu.memory_space<vmem>> -> memref<125x64xf32, #tpu.memory_space<vmem>>
      %dma_wait3A_397 = arith.constant 0 : i32
      %dma_wait3A_398 = tpu.memref_slice %arg8[%add3A_356, %dma_wait3A_397] : memref<160x125xi32, #tpu.memory_space<vmem>> -> memref<1x125xi32, #tpu.memory_space<vmem>>
      %dma_wait3A_399 = tpu.memref_squeeze %dma_wait3A_398 : memref<1x125xi32, #tpu.memory_space<vmem>> -> memref<125xi32, #tpu.memory_space<vmem>>
      %dma_wait3A_400 = arith.constant 0 : i32
      %dma_wait3A_401 = arith.constant 0 : i32
      %dma_wait3A_402 = tpu.memref_slice %arg10[%dma_wait3A_400, %dma_wait3A_401] : memref<10240x64xf32, #tpu.memory_space<vmem_shared>> -> memref<10240x64xf32, #tpu.memory_space<vmem_shared>>
      tpu.wait_indirect_dma semaphore(%arg15 : memref<!tpu.dma_semaphore, #tpu.memory_space<semaphore_mem>>) src(%dma_wait3A_396 : memref<125x64xf32, #tpu.memory_space<vmem>>) dst(%dma_wait3A_402 : memref<10240x64xf32, #tpu.memory_space<vmem_shared>>)
    }
    %scan3A_40 = arith.constant 39 : i32
    %dma_wait3A = arith.constant 156 : i32
    %dma_wait3A_41 = arith.constant 0 : i32
    %dma_wait3A_42 = arith.constant 0 : i32
    %dma_wait3A_43 = arith.constant 0 : i32
    %dma_wait3A_44 = tpu.memref_slice %arg9[%dma_wait3A_41, %dma_wait3A_42, %dma_wait3A_43] : memref<4x125x64xf32, #tpu.memory_space<vmem>> -> memref<1x125x64xf32, #tpu.memory_space<vmem>>
    %dma_wait3A_45 = tpu.memref_squeeze %dma_wait3A_44 : memref<1x125x64xf32, #tpu.memory_space<vmem>> -> memref<125x64xf32, #tpu.memory_space<vmem>>
    %dma_wait3A_46 = arith.constant 0 : i32
    %dma_wait3A_47 = tpu.memref_slice %arg7[%dma_wait3A, %dma_wait3A_46] : memref<160x125xi32, #tpu.memory_space<vmem>> -> memref<1x125xi32, #tpu.memory_space<vmem>>
    %dma_wait3A_48 = tpu.memref_squeeze %dma_wait3A_47 : memref<1x125xi32, #tpu.memory_space<vmem>> -> memref<125xi32, #tpu.memory_space<vmem>>
    %dma_wait3A_49 = arith.constant 0 : i32
    %dma_wait3A_50 = arith.constant 0 : i32
    %dma_wait3A_51 = tpu.memref_slice %arg2[%dma_wait3A_49, %dma_wait3A_50] : memref<20000x64xf32, #tpu.memory_space<hbm>> -> memref<20000x64xf32, #tpu.memory_space<hbm>>
    tpu.wait_indirect_dma semaphore(%arg11 : memref<!tpu.dma_semaphore, #tpu.memory_space<semaphore_mem>>) src(%dma_wait3A_51 : memref<20000x64xf32, #tpu.memory_space<hbm>>) dst(%dma_wait3A_45 : memref<125x64xf32, #tpu.memory_space<vmem>>)
    %dma_start3A_52 = arith.constant 0 : i32
    %dma_start3A_53 = arith.constant 156 : i32
    %dma_start3A_54 = arith.constant 0 : i32
    %dma_start3A_55 = arith.constant 0 : i32
    %dma_start3A_56 = tpu.memref_slice %arg9[%dma_start3A_52, %dma_start3A_54, %dma_start3A_55] : memref<4x125x64xf32, #tpu.memory_space<vmem>> -> memref<1x125x64xf32, #tpu.memory_space<vmem>>
    %dma_start3A_57 = tpu.memref_squeeze %dma_start3A_56 : memref<1x125x64xf32, #tpu.memory_space<vmem>> -> memref<125x64xf32, #tpu.memory_space<vmem>>
    %dma_start3A_58 = arith.constant 0 : i32
    %dma_start3A_59 = tpu.memref_slice %arg8[%dma_start3A_53, %dma_start3A_58] : memref<160x125xi32, #tpu.memory_space<vmem>> -> memref<1x125xi32, #tpu.memory_space<vmem>>
    %dma_start3A_60 = tpu.memref_squeeze %dma_start3A_59 : memref<1x125xi32, #tpu.memory_space<vmem>> -> memref<125xi32, #tpu.memory_space<vmem>>
    %dma_start3A_61 = arith.constant 0 : i32
    %dma_start3A_62 = arith.constant 0 : i32
    %dma_start3A_63 = tpu.memref_slice %arg10[%dma_start3A_61, %dma_start3A_62] : memref<10240x64xf32, #tpu.memory_space<vmem_shared>> -> memref<10240x64xf32, #tpu.memory_space<vmem_shared>>
    tpu.enqueue_indirect_dma source(%dma_start3A_57 : memref<125x64xf32, #tpu.memory_space<vmem>>) target(%dma_start3A_63 : memref<10240x64xf32, #tpu.memory_space<vmem_shared>>) offsets(%dma_start3A_60 : memref<125xi32, #tpu.memory_space<vmem>>) semaphore(%arg15 : memref<!tpu.dma_semaphore, #tpu.memory_space<semaphore_mem>>) {add = true}
    %dma_start3A_64 = arith.constant 159 : i32
    %dma_start3A_65 = arith.constant 3 : i32
    %dma_start3A_66 = arith.constant 0 : i32
    %dma_start3A_67 = arith.constant 0 : i32
    %dma_start3A_68 = tpu.memref_slice %arg9[%dma_start3A_65, %dma_start3A_66, %dma_start3A_67] : memref<4x125x64xf32, #tpu.memory_space<vmem>> -> memref<1x125x64xf32, #tpu.memory_space<vmem>>
    %dma_start3A_69 = tpu.memref_squeeze %dma_start3A_68 : memref<1x125x64xf32, #tpu.memory_space<vmem>> -> memref<125x64xf32, #tpu.memory_space<vmem>>
    %dma_start3A_70 = arith.constant 0 : i32
    %dma_start3A_71 = tpu.memref_slice %arg7[%dma_start3A_64, %dma_start3A_70] : memref<160x125xi32, #tpu.memory_space<vmem>> -> memref<1x125xi32, #tpu.memory_space<vmem>>
    %dma_start3A_72 = tpu.memref_squeeze %dma_start3A_71 : memref<1x125xi32, #tpu.memory_space<vmem>> -> memref<125xi32, #tpu.memory_space<vmem>>
    %dma_start3A_73 = arith.constant 0 : i32
    %dma_start3A_74 = arith.constant 0 : i32
    %dma_start3A_75 = tpu.memref_slice %arg2[%dma_start3A_73, %dma_start3A_74] : memref<20000x64xf32, #tpu.memory_space<hbm>> -> memref<20000x64xf32, #tpu.memory_space<hbm>>
    tpu.enqueue_indirect_dma source(%dma_start3A_75 : memref<20000x64xf32, #tpu.memory_space<hbm>>) target(%dma_start3A_69 : memref<125x64xf32, #tpu.memory_space<vmem>>) offsets(%dma_start3A_72 : memref<125xi32, #tpu.memory_space<vmem>>) semaphore(%arg14 : memref<!tpu.dma_semaphore, #tpu.memory_space<semaphore_mem>>)
    %dma_wait3A_76 = arith.constant 0 : i32
    %dma_wait3A_77 = arith.constant 156 : i32
    %dma_wait3A_78 = arith.constant 0 : i32
    %dma_wait3A_79 = arith.constant 0 : i32
    %dma_wait3A_80 = tpu.memref_slice %arg9[%dma_wait3A_76, %dma_wait3A_78, %dma_wait3A_79] : memref<4x125x64xf32, #tpu.memory_space<vmem>> -> memref<1x125x64xf32, #tpu.memory_space<vmem>>
    %dma_wait3A_81 = tpu.memref_squeeze %dma_wait3A_80 : memref<1x125x64xf32, #tpu.memory_space<vmem>> -> memref<125x64xf32, #tpu.memory_space<vmem>>
    %dma_wait3A_82 = arith.constant 0 : i32
    %dma_wait3A_83 = tpu.memref_slice %arg8[%dma_wait3A_77, %dma_wait3A_82] : memref<160x125xi32, #tpu.memory_space<vmem>> -> memref<1x125xi32, #tpu.memory_space<vmem>>
    %dma_wait3A_84 = tpu.memref_squeeze %dma_wait3A_83 : memref<1x125xi32, #tpu.memory_space<vmem>> -> memref<125xi32, #tpu.memory_space<vmem>>
    %dma_wait3A_85 = arith.constant 0 : i32
    %dma_wait3A_86 = arith.constant 0 : i32
    %dma_wait3A_87 = tpu.memref_slice %arg10[%dma_wait3A_85, %dma_wait3A_86] : memref<10240x64xf32, #tpu.memory_space<vmem_shared>> -> memref<10240x64xf32, #tpu.memory_space<vmem_shared>>
    tpu.wait_indirect_dma semaphore(%arg15 : memref<!tpu.dma_semaphore, #tpu.memory_space<semaphore_mem>>) src(%dma_wait3A_81 : memref<125x64xf32, #tpu.memory_space<vmem>>) dst(%dma_wait3A_87 : memref<10240x64xf32, #tpu.memory_space<vmem_shared>>)
    %dma_wait3A_88 = arith.constant 157 : i32
    %dma_wait3A_89 = arith.constant 1 : i32
    %dma_wait3A_90 = arith.constant 0 : i32
    %dma_wait3A_91 = arith.constant 0 : i32
    %dma_wait3A_92 = tpu.memref_slice %arg9[%dma_wait3A_89, %dma_wait3A_90, %dma_wait3A_91] : memref<4x125x64xf32, #tpu.memory_space<vmem>> -> memref<1x125x64xf32, #tpu.memory_space<vmem>>
    %dma_wait3A_93 = tpu.memref_squeeze %dma_wait3A_92 : memref<1x125x64xf32, #tpu.memory_space<vmem>> -> memref<125x64xf32, #tpu.memory_space<vmem>>
    %dma_wait3A_94 = arith.constant 0 : i32
    %dma_wait3A_95 = tpu.memref_slice %arg7[%dma_wait3A_88, %dma_wait3A_94] : memref<160x125xi32, #tpu.memory_space<vmem>> -> memref<1x125xi32, #tpu.memory_space<vmem>>
    %dma_wait3A_96 = tpu.memref_squeeze %dma_wait3A_95 : memref<1x125xi32, #tpu.memory_space<vmem>> -> memref<125xi32, #tpu.memory_space<vmem>>
    %dma_wait3A_97 = arith.constant 0 : i32
    %dma_wait3A_98 = arith.constant 0 : i32
    %dma_wait3A_99 = tpu.memref_slice %arg2[%dma_wait3A_97, %dma_wait3A_98] : memref<20000x64xf32, #tpu.memory_space<hbm>> -> memref<20000x64xf32, #tpu.memory_space<hbm>>
    tpu.wait_indirect_dma semaphore(%arg12 : memref<!tpu.dma_semaphore, #tpu.memory_space<semaphore_mem>>) src(%dma_wait3A_99 : memref<20000x64xf32, #tpu.memory_space<hbm>>) dst(%dma_wait3A_93 : memref<125x64xf32, #tpu.memory_space<vmem>>)
    %dma_start3A_100 = arith.constant 1 : i32
    %dma_start3A_101 = arith.constant 157 : i32
    %dma_start3A_102 = arith.constant 0 : i32
    %dma_start3A_103 = arith.constant 0 : i32
    %dma_start3A_104 = tpu.memref_slice %arg9[%dma_start3A_100, %dma_start3A_102, %dma_start3A_103] : memref<4x125x64xf32, #tpu.memory_space<vmem>> -> memref<1x125x64xf32, #tpu.memory_space<vmem>>
    %dma_start3A_105 = tpu.memref_squeeze %dma_start3A_104 : memref<1x125x64xf32, #tpu.memory_space<vmem>> -> memref<125x64xf32, #tpu.memory_space<vmem>>
    %dma_start3A_106 = arith.constant 0 : i32
    %dma_start3A_107 = tpu.memref_slice %arg8[%dma_start3A_101, %dma_start3A_106] : memref<160x125xi32, #tpu.memory_space<vmem>> -> memref<1x125xi32, #tpu.memory_space<vmem>>
    %dma_start3A_108 = tpu.memref_squeeze %dma_start3A_107 : memref<1x125xi32, #tpu.memory_space<vmem>> -> memref<125xi32, #tpu.memory_space<vmem>>
    %dma_start3A_109 = arith.constant 0 : i32
    %dma_start3A_110 = arith.constant 0 : i32
    %dma_start3A_111 = tpu.memref_slice %arg10[%dma_start3A_109, %dma_start3A_110] : memref<10240x64xf32, #tpu.memory_space<vmem_shared>> -> memref<10240x64xf32, #tpu.memory_space<vmem_shared>>
    tpu.enqueue_indirect_dma source(%dma_start3A_105 : memref<125x64xf32, #tpu.memory_space<vmem>>) target(%dma_start3A_111 : memref<10240x64xf32, #tpu.memory_space<vmem_shared>>) offsets(%dma_start3A_108 : memref<125xi32, #tpu.memory_space<vmem>>) semaphore(%arg15 : memref<!tpu.dma_semaphore, #tpu.memory_space<semaphore_mem>>) {add = true}
    %dma_wait3A_112 = arith.constant 1 : i32
    %dma_wait3A_113 = arith.constant 157 : i32
    %dma_wait3A_114 = arith.constant 0 : i32
    %dma_wait3A_115 = arith.constant 0 : i32
    %dma_wait3A_116 = tpu.memref_slice %arg9[%dma_wait3A_112, %dma_wait3A_114, %dma_wait3A_115] : memref<4x125x64xf32, #tpu.memory_space<vmem>> -> memref<1x125x64xf32, #tpu.memory_space<vmem>>
    %dma_wait3A_117 = tpu.memref_squeeze %dma_wait3A_116 : memref<1x125x64xf32, #tpu.memory_space<vmem>> -> memref<125x64xf32, #tpu.memory_space<vmem>>
    %dma_wait3A_118 = arith.constant 0 : i32
    %dma_wait3A_119 = tpu.memref_slice %arg8[%dma_wait3A_113, %dma_wait3A_118] : memref<160x125xi32, #tpu.memory_space<vmem>> -> memref<1x125xi32, #tpu.memory_space<vmem>>
    %dma_wait3A_120 = tpu.memref_squeeze %dma_wait3A_119 : memref<1x125xi32, #tpu.memory_space<vmem>> -> memref<125xi32, #tpu.memory_space<vmem>>
    %dma_wait3A_121 = arith.constant 0 : i32
    %dma_wait3A_122 = arith.constant 0 : i32
    %dma_wait3A_123 = tpu.memref_slice %arg10[%dma_wait3A_121, %dma_wait3A_122] : memref<10240x64xf32, #tpu.memory_space<vmem_shared>> -> memref<10240x64xf32, #tpu.memory_space<vmem_shared>>
    tpu.wait_indirect_dma semaphore(%arg15 : memref<!tpu.dma_semaphore, #tpu.memory_space<semaphore_mem>>) src(%dma_wait3A_117 : memref<125x64xf32, #tpu.memory_space<vmem>>) dst(%dma_wait3A_123 : memref<10240x64xf32, #tpu.memory_space<vmem_shared>>)
    %dma_wait3A_124 = arith.constant 158 : i32
    %dma_wait3A_125 = arith.constant 2 : i32
    %dma_wait3A_126 = arith.constant 0 : i32
    %dma_wait3A_127 = arith.constant 0 : i32
    %dma_wait3A_128 = tpu.memref_slice %arg9[%dma_wait3A_125, %dma_wait3A_126, %dma_wait3A_127] : memref<4x125x64xf32, #tpu.memory_space<vmem>> -> memref<1x125x64xf32, #tpu.memory_space<vmem>>
    %dma_wait3A_129 = tpu.memref_squeeze %dma_wait3A_128 : memref<1x125x64xf32, #tpu.memory_space<vmem>> -> memref<125x64xf32, #tpu.memory_space<vmem>>
    %dma_wait3A_130 = arith.constant 0 : i32
    %dma_wait3A_131 = tpu.memref_slice %arg7[%dma_wait3A_124, %dma_wait3A_130] : memref<160x125xi32, #tpu.memory_space<vmem>> -> memref<1x125xi32, #tpu.memory_space<vmem>>
    %dma_wait3A_132 = tpu.memref_squeeze %dma_wait3A_131 : memref<1x125xi32, #tpu.memory_space<vmem>> -> memref<125xi32, #tpu.memory_space<vmem>>
    %dma_wait3A_133 = arith.constant 0 : i32
    %dma_wait3A_134 = arith.constant 0 : i32
    %dma_wait3A_135 = tpu.memref_slice %arg2[%dma_wait3A_133, %dma_wait3A_134] : memref<20000x64xf32, #tpu.memory_space<hbm>> -> memref<20000x64xf32, #tpu.memory_space<hbm>>
    tpu.wait_indirect_dma semaphore(%arg13 : memref<!tpu.dma_semaphore, #tpu.memory_space<semaphore_mem>>) src(%dma_wait3A_135 : memref<20000x64xf32, #tpu.memory_space<hbm>>) dst(%dma_wait3A_129 : memref<125x64xf32, #tpu.memory_space<vmem>>)
    %dma_start3A_136 = arith.constant 2 : i32
    %dma_start3A_137 = arith.constant 158 : i32
    %dma_start3A_138 = arith.constant 0 : i32
    %dma_start3A_139 = arith.constant 0 : i32
    %dma_start3A_140 = tpu.memref_slice %arg9[%dma_start3A_136, %dma_start3A_138, %dma_start3A_139] : memref<4x125x64xf32, #tpu.memory_space<vmem>> -> memref<1x125x64xf32, #tpu.memory_space<vmem>>
    %dma_start3A_141 = tpu.memref_squeeze %dma_start3A_140 : memref<1x125x64xf32, #tpu.memory_space<vmem>> -> memref<125x64xf32, #tpu.memory_space<vmem>>
    %dma_start3A_142 = arith.constant 0 : i32
    %dma_start3A_143 = tpu.memref_slice %arg8[%dma_start3A_137, %dma_start3A_142] : memref<160x125xi32, #tpu.memory_space<vmem>> -> memref<1x125xi32, #tpu.memory_space<vmem>>
    %dma_start3A_144 = tpu.memref_squeeze %dma_start3A_143 : memref<1x125xi32, #tpu.memory_space<vmem>> -> memref<125xi32, #tpu.memory_space<vmem>>
    %dma_start3A_145 = arith.constant 0 : i32
    %dma_start3A_146 = arith.constant 0 : i32
    %dma_start3A_147 = tpu.memref_slice %arg10[%dma_start3A_145, %dma_start3A_146] : memref<10240x64xf32, #tpu.memory_space<vmem_shared>> -> memref<10240x64xf32, #tpu.memory_space<vmem_shared>>
    tpu.enqueue_indirect_dma source(%dma_start3A_141 : memref<125x64xf32, #tpu.memory_space<vmem>>) target(%dma_start3A_147 : memref<10240x64xf32, #tpu.memory_space<vmem_shared>>) offsets(%dma_start3A_144 : memref<125xi32, #tpu.memory_space<vmem>>) semaphore(%arg15 : memref<!tpu.dma_semaphore, #tpu.memory_space<semaphore_mem>>) {add = true}
    %dma_wait3A_148 = arith.constant 2 : i32
    %dma_wait3A_149 = arith.constant 158 : i32
    %dma_wait3A_150 = arith.constant 0 : i32
    %dma_wait3A_151 = arith.constant 0 : i32
    %dma_wait3A_152 = tpu.memref_slice %arg9[%dma_wait3A_148, %dma_wait3A_150, %dma_wait3A_151] : memref<4x125x64xf32, #tpu.memory_space<vmem>> -> memref<1x125x64xf32, #tpu.memory_space<vmem>>
    %dma_wait3A_153 = tpu.memref_squeeze %dma_wait3A_152 : memref<1x125x64xf32, #tpu.memory_space<vmem>> -> memref<125x64xf32, #tpu.memory_space<vmem>>
    %dma_wait3A_154 = arith.constant 0 : i32
    %dma_wait3A_155 = tpu.memref_slice %arg8[%dma_wait3A_149, %dma_wait3A_154] : memref<160x125xi32, #tpu.memory_space<vmem>> -> memref<1x125xi32, #tpu.memory_space<vmem>>
    %dma_wait3A_156 = tpu.memref_squeeze %dma_wait3A_155 : memref<1x125xi32, #tpu.memory_space<vmem>> -> memref<125xi32, #tpu.memory_space<vmem>>
    %dma_wait3A_157 = arith.constant 0 : i32
    %dma_wait3A_158 = arith.constant 0 : i32
    %dma_wait3A_159 = tpu.memref_slice %arg10[%dma_wait3A_157, %dma_wait3A_158] : memref<10240x64xf32, #tpu.memory_space<vmem_shared>> -> memref<10240x64xf32, #tpu.memory_space<vmem_shared>>
    tpu.wait_indirect_dma semaphore(%arg15 : memref<!tpu.dma_semaphore, #tpu.memory_space<semaphore_mem>>) src(%dma_wait3A_153 : memref<125x64xf32, #tpu.memory_space<vmem>>) dst(%dma_wait3A_159 : memref<10240x64xf32, #tpu.memory_space<vmem_shared>>)
    %dma_wait3A_160 = arith.constant 159 : i32
    %dma_wait3A_161 = arith.constant 3 : i32
    %dma_wait3A_162 = arith.constant 0 : i32
    %dma_wait3A_163 = arith.constant 0 : i32
    %dma_wait3A_164 = tpu.memref_slice %arg9[%dma_wait3A_161, %dma_wait3A_162, %dma_wait3A_163] : memref<4x125x64xf32, #tpu.memory_space<vmem>> -> memref<1x125x64xf32, #tpu.memory_space<vmem>>
    %dma_wait3A_165 = tpu.memref_squeeze %dma_wait3A_164 : memref<1x125x64xf32, #tpu.memory_space<vmem>> -> memref<125x64xf32, #tpu.memory_space<vmem>>
    %dma_wait3A_166 = arith.constant 0 : i32
    %dma_wait3A_167 = tpu.memref_slice %arg7[%dma_wait3A_160, %dma_wait3A_166] : memref<160x125xi32, #tpu.memory_space<vmem>> -> memref<1x125xi32, #tpu.memory_space<vmem>>
    %dma_wait3A_168 = tpu.memref_squeeze %dma_wait3A_167 : memref<1x125xi32, #tpu.memory_space<vmem>> -> memref<125xi32, #tpu.memory_space<vmem>>
    %dma_wait3A_169 = arith.constant 0 : i32
    %dma_wait3A_170 = arith.constant 0 : i32
    %dma_wait3A_171 = tpu.memref_slice %arg2[%dma_wait3A_169, %dma_wait3A_170] : memref<20000x64xf32, #tpu.memory_space<hbm>> -> memref<20000x64xf32, #tpu.memory_space<hbm>>
    tpu.wait_indirect_dma semaphore(%arg14 : memref<!tpu.dma_semaphore, #tpu.memory_space<semaphore_mem>>) src(%dma_wait3A_171 : memref<20000x64xf32, #tpu.memory_space<hbm>>) dst(%dma_wait3A_165 : memref<125x64xf32, #tpu.memory_space<vmem>>)
    %dma_start3A_172 = arith.constant 3 : i32
    %dma_start3A_173 = arith.constant 159 : i32
    %dma_start3A_174 = arith.constant 0 : i32
    %dma_start3A_175 = arith.constant 0 : i32
    %dma_start3A_176 = tpu.memref_slice %arg9[%dma_start3A_172, %dma_start3A_174, %dma_start3A_175] : memref<4x125x64xf32, #tpu.memory_space<vmem>> -> memref<1x125x64xf32, #tpu.memory_space<vmem>>
    %dma_start3A_177 = tpu.memref_squeeze %dma_start3A_176 : memref<1x125x64xf32, #tpu.memory_space<vmem>> -> memref<125x64xf32, #tpu.memory_space<vmem>>
    %dma_start3A_178 = arith.constant 0 : i32
    %dma_start3A_179 = tpu.memref_slice %arg8[%dma_start3A_173, %dma_start3A_178] : memref<160x125xi32, #tpu.memory_space<vmem>> -> memref<1x125xi32, #tpu.memory_space<vmem>>
    %dma_start3A_180 = tpu.memref_squeeze %dma_start3A_179 : memref<1x125xi32, #tpu.memory_space<vmem>> -> memref<125xi32, #tpu.memory_space<vmem>>
    %dma_start3A_181 = arith.constant 0 : i32
    %dma_start3A_182 = arith.constant 0 : i32
    %dma_start3A_183 = tpu.memref_slice %arg10[%dma_start3A_181, %dma_start3A_182] : memref<10240x64xf32, #tpu.memory_space<vmem_shared>> -> memref<10240x64xf32, #tpu.memory_space<vmem_shared>>
    tpu.enqueue_indirect_dma source(%dma_start3A_177 : memref<125x64xf32, #tpu.memory_space<vmem>>) target(%dma_start3A_183 : memref<10240x64xf32, #tpu.memory_space<vmem_shared>>) offsets(%dma_start3A_180 : memref<125xi32, #tpu.memory_space<vmem>>) semaphore(%arg15 : memref<!tpu.dma_semaphore, #tpu.memory_space<semaphore_mem>>) {add = true}
    %dma_wait3A_184 = arith.constant 3 : i32
    %dma_wait3A_185 = arith.constant 159 : i32
    %dma_wait3A_186 = arith.constant 0 : i32
    %dma_wait3A_187 = arith.constant 0 : i32
    %dma_wait3A_188 = tpu.memref_slice %arg9[%dma_wait3A_184, %dma_wait3A_186, %dma_wait3A_187] : memref<4x125x64xf32, #tpu.memory_space<vmem>> -> memref<1x125x64xf32, #tpu.memory_space<vmem>>
    %dma_wait3A_189 = tpu.memref_squeeze %dma_wait3A_188 : memref<1x125x64xf32, #tpu.memory_space<vmem>> -> memref<125x64xf32, #tpu.memory_space<vmem>>
    %dma_wait3A_190 = arith.constant 0 : i32
    %dma_wait3A_191 = tpu.memref_slice %arg8[%dma_wait3A_185, %dma_wait3A_190] : memref<160x125xi32, #tpu.memory_space<vmem>> -> memref<1x125xi32, #tpu.memory_space<vmem>>
    %dma_wait3A_192 = tpu.memref_squeeze %dma_wait3A_191 : memref<1x125xi32, #tpu.memory_space<vmem>> -> memref<125xi32, #tpu.memory_space<vmem>>
    %dma_wait3A_193 = arith.constant 0 : i32
    %dma_wait3A_194 = arith.constant 0 : i32
    %dma_wait3A_195 = tpu.memref_slice %arg10[%dma_wait3A_193, %dma_wait3A_194] : memref<10240x64xf32, #tpu.memory_space<vmem_shared>> -> memref<10240x64xf32, #tpu.memory_space<vmem_shared>>
    tpu.wait_indirect_dma semaphore(%arg15 : memref<!tpu.dma_semaphore, #tpu.memory_space<semaphore_mem>>) src(%dma_wait3A_189 : memref<125x64xf32, #tpu.memory_space<vmem>>) dst(%dma_wait3A_195 : memref<10240x64xf32, #tpu.memory_space<vmem_shared>>)
    %barrier3A_196 = arith.constant 0 : index
    tpu.barrier barrier_id(%barrier3A_196)
    %mul3A_197 = arith.constant 640 : i32
    %mul3A_198 = arith.muli %arg1, %mul3A_197 : i32
    %mul3A_199 = arith.constant 640 : i32
    %mul3A_200 = arith.muli %arg1, %mul3A_199 : i32
    %mul3A_201 = arith.constant 64 : i32
    %mul3A_202 = arith.muli %arg0, %mul3A_201 : i32
    "tpu.region"() ({
      %run_scoped3A = tpu.sem_alloc : memref<!tpu.dma_semaphore, #tpu.memory_space<semaphore_mem>>
      %dma_start3A_203 = tpu.memref_slice %arg6[%mul3A_200, %mul3A_202] : memref<10240x128xf32, #tpu.memory_space<hbm>> -> memref<640x64xf32, #tpu.memory_space<hbm>>
      %dma_start3A_204 = arith.constant 0 : i32
      %dma_start3A_205 = tpu.memref_slice %arg10[%mul3A_198, %dma_start3A_204] : memref<10240x64xf32, #tpu.memory_space<vmem_shared>> -> memref<640x64xf32, #tpu.memory_space<vmem_shared>>
      tpu.enqueue_dma source(%dma_start3A_205 : memref<640x64xf32, #tpu.memory_space<vmem_shared>>) target(%dma_start3A_203 : memref<640x64xf32, #tpu.memory_space<hbm>>) target_semaphore(%run_scoped3A : memref<!tpu.dma_semaphore, #tpu.memory_space<semaphore_mem>>)
      %dma_wait3A_206 = tpu.memref_slice %arg6[%mul3A_200, %mul3A_202] : memref<10240x128xf32, #tpu.memory_space<hbm>> -> memref<640x64xf32, #tpu.memory_space<hbm>>
      %dma_wait3A_207 = arith.constant 0 : i32
      %dma_wait3A_208 = tpu.memref_slice %arg10[%mul3A_198, %dma_wait3A_207] : memref<10240x64xf32, #tpu.memory_space<vmem_shared>> -> memref<640x64xf32, #tpu.memory_space<vmem_shared>>
      tpu.wait_dma2 semaphore(%run_scoped3A : memref<!tpu.dma_semaphore, #tpu.memory_space<semaphore_mem>>) src(%dma_wait3A_208 : memref<640x64xf32, #tpu.memory_space<vmem_shared>>) dst(%dma_wait3A_206 : memref<640x64xf32, #tpu.memory_space<hbm>>)
      tpu.yield
    }) : () -> ()
    return
  }
}

#map = affine_map<(d0, d1) -> (0, 0)>
#map1 = affine_map<(d0, d1) -> (0, 0, 0, 0)>
#map2 = affine_map<(d0, d1) -> (0, 0, 0)>
module attributes {stable_mosaic.version = 14 : i64} {
  func.func @_sc_spmm_body(%arg0: i32, %arg1: i32, %arg2: memref<20000x64xf32, #tpu.memory_space<hbm>>, %arg3: memref<2x16x160x125xi32, #tpu.memory_space<hbm>>, %arg4: memref<16x160x125xi32, #tpu.memory_space<hbm>>, %arg5: memref<640x64xf32, #tpu.memory_space<hbm>>, %arg6: memref<10240x128xf32, #tpu.memory_space<hbm>>, %arg7: memref<160x125xi32, #tpu.memory_space<vmem>>, %arg8: memref<160x125xi32, #tpu.memory_space<vmem>>, %arg9: memref<4x125x64xf32, #tpu.memory_space<vmem>>, %arg10: memref<10240x64xf32, #tpu.memory_space<vmem_shared>>, %arg11: memref<!tpu.dma_semaphore, #tpu.memory_space<semaphore_mem>>, %arg12: memref<!tpu.dma_semaphore, #tpu.memory_space<semaphore_mem>>, %arg13: memref<!tpu.dma_semaphore, #tpu.memory_space<semaphore_mem>>, %arg14: memref<!tpu.dma_semaphore, #tpu.memory_space<semaphore_mem>>, %arg15: memref<!tpu.dma_semaphore, #tpu.memory_space<semaphore_mem>>) attributes {dimension_semantics = [#tpu.dimension_semantics<core_parallel>, #tpu.dimension_semantics<subcore_parallel>], iteration_bounds = array<i64: 2, 16>, scalar_prefetch = 0 : i64, scratch_operands = 9 : i64, tpu.core_type = #tpu.core_type<sc_vector_subcore>, window_params = [{transform_indices = #map}, {transform_indices = #map1}, {transform_indices = #map2}, {transform_indices = #map}, {transform_indices = #map}]} {
    "tpu.region"() ({
      %run_scoped3A = tpu.sem_alloc : memref<!tpu.dma_semaphore, #tpu.memory_space<semaphore_mem>>
      %dma_start3A_203 = arith.constant 0 : i32
      %dma_start3A_204 = arith.constant 0 : i32
      %dma_start3A_205 = tpu.memref_slice %arg3[%arg0, %arg1, %dma_start3A_203, %dma_start3A_204] : memref<2x16x160x125xi32, #tpu.memory_space<hbm>> -> memref<1x1x160x125xi32, #tpu.memory_space<hbm>>
      %dma_start3A_206 = tpu.memref_squeeze %dma_start3A_205 : memref<1x1x160x125xi32, #tpu.memory_space<hbm>> -> memref<160x125xi32, #tpu.memory_space<hbm>>
      %dma_start3A_207 = arith.constant 0 : i32
      %dma_start3A_208 = arith.constant 0 : i32
      %dma_start3A_209 = tpu.memref_slice %arg3[%arg0, %arg1, %dma_start3A_207, %dma_start3A_208] : memref<2x16x160x125xi32, #tpu.memory_space<hbm>> -> memref<1x1x160x125xi32, #tpu.memory_space<hbm>>
      %dma_start3A_210 = tpu.memref_squeeze %dma_start3A_209 : memref<1x1x160x125xi32, #tpu.memory_space<hbm>> -> memref<160x125xi32, #tpu.memory_space<hbm>>
      tpu.enqueue_dma source(%dma_start3A_210 : memref<160x125xi32, #tpu.memory_space<hbm>>) target(%arg7 : memref<160x125xi32, #tpu.memory_space<vmem>>) target_semaphore(%run_scoped3A : memref<!tpu.dma_semaphore, #tpu.memory_space<semaphore_mem>>)
      %dma_wait3A_211 = arith.constant 0 : i32
      %dma_wait3A_212 = arith.constant 0 : i32
      %dma_wait3A_213 = tpu.memref_slice %arg3[%arg0, %arg1, %dma_wait3A_211, %dma_wait3A_212] : memref<2x16x160x125xi32, #tpu.memory_space<hbm>> -> memref<1x1x160x125xi32, #tpu.memory_space<hbm>>
      %dma_wait3A_214 = tpu.memref_squeeze %dma_wait3A_213 : memref<1x1x160x125xi32, #tpu.memory_space<hbm>> -> memref<160x125xi32, #tpu.memory_space<hbm>>
      %dma_wait3A_215 = arith.constant 0 : i32
      %dma_wait3A_216 = arith.constant 0 : i32
      %dma_wait3A_217 = tpu.memref_slice %arg3[%arg0, %arg1, %dma_wait3A_215, %dma_wait3A_216] : memref<2x16x160x125xi32, #tpu.memory_space<hbm>> -> memref<1x1x160x125xi32, #tpu.memory_space<hbm>>
      %dma_wait3A_218 = tpu.memref_squeeze %dma_wait3A_217 : memref<1x1x160x125xi32, #tpu.memory_space<hbm>> -> memref<160x125xi32, #tpu.memory_space<hbm>>
      tpu.wait_dma2 semaphore(%run_scoped3A : memref<!tpu.dma_semaphore, #tpu.memory_space<semaphore_mem>>) src(%dma_wait3A_218 : memref<160x125xi32, #tpu.memory_space<hbm>>) dst(%arg7 : memref<160x125xi32, #tpu.memory_space<vmem>>)
      tpu.yield
    }) : () -> ()
    "tpu.region"() ({
      %run_scoped3A = tpu.sem_alloc : memref<!tpu.dma_semaphore, #tpu.memory_space<semaphore_mem>>
      %dma_start3A_203 = arith.constant 0 : i32
      %dma_start3A_204 = arith.constant 0 : i32
      %dma_start3A_205 = tpu.memref_slice %arg4[%arg1, %dma_start3A_203, %dma_start3A_204] : memref<16x160x125xi32, #tpu.memory_space<hbm>> -> memref<1x160x125xi32, #tpu.memory_space<hbm>>
      %dma_start3A_206 = tpu.memref_squeeze %dma_start3A_205 : memref<1x160x125xi32, #tpu.memory_space<hbm>> -> memref<160x125xi32, #tpu.memory_space<hbm>>
      %dma_start3A_207 = arith.constant 0 : i32
      %dma_start3A_208 = arith.constant 0 : i32
      %dma_start3A_209 = tpu.memref_slice %arg4[%arg1, %dma_start3A_207, %dma_start3A_208] : memref<16x160x125xi32, #tpu.memory_space<hbm>> -> memref<1x160x125xi32, #tpu.memory_space<hbm>>
      %dma_start3A_210 = tpu.memref_squeeze %dma_start3A_209 : memref<1x160x125xi32, #tpu.memory_space<hbm>> -> memref<160x125xi32, #tpu.memory_space<hbm>>
      tpu.enqueue_dma source(%dma_start3A_210 : memref<160x125xi32, #tpu.memory_space<hbm>>) target(%arg8 : memref<160x125xi32, #tpu.memory_space<vmem>>) target_semaphore(%run_scoped3A : memref<!tpu.dma_semaphore, #tpu.memory_space<semaphore_mem>>)
      %dma_wait3A_211 = arith.constant 0 : i32
      %dma_wait3A_212 = arith.constant 0 : i32
      %dma_wait3A_213 = tpu.memref_slice %arg4[%arg1, %dma_wait3A_211, %dma_wait3A_212] : memref<16x160x125xi32, #tpu.memory_space<hbm>> -> memref<1x160x125xi32, #tpu.memory_space<hbm>>
      %dma_wait3A_214 = tpu.memref_squeeze %dma_wait3A_213 : memref<1x160x125xi32, #tpu.memory_space<hbm>> -> memref<160x125xi32, #tpu.memory_space<hbm>>
      %dma_wait3A_215 = arith.constant 0 : i32
      %dma_wait3A_216 = arith.constant 0 : i32
      %dma_wait3A_217 = tpu.memref_slice %arg4[%arg1, %dma_wait3A_215, %dma_wait3A_216] : memref<16x160x125xi32, #tpu.memory_space<hbm>> -> memref<1x160x125xi32, #tpu.memory_space<hbm>>
      %dma_wait3A_218 = tpu.memref_squeeze %dma_wait3A_217 : memref<1x160x125xi32, #tpu.memory_space<hbm>> -> memref<160x125xi32, #tpu.memory_space<hbm>>
      tpu.wait_dma2 semaphore(%run_scoped3A : memref<!tpu.dma_semaphore, #tpu.memory_space<semaphore_mem>>) src(%dma_wait3A_218 : memref<160x125xi32, #tpu.memory_space<hbm>>) dst(%arg8 : memref<160x125xi32, #tpu.memory_space<vmem>>)
      tpu.yield
    }) : () -> ()
    %mul3A = arith.constant 640 : i32
    %mul3A_0 = arith.muli %arg1, %mul3A : i32
    "tpu.region"() ({
      %run_scoped3A = tpu.sem_alloc : memref<!tpu.dma_semaphore, #tpu.memory_space<semaphore_mem>>
      %dma_start3A_203 = arith.constant 0 : i32
      %dma_start3A_204 = tpu.memref_slice %arg10[%mul3A_0, %dma_start3A_203] : memref<10240x64xf32, #tpu.memory_space<vmem_shared>> -> memref<640x64xf32, #tpu.memory_space<vmem_shared>>
      tpu.enqueue_dma source(%arg5 : memref<640x64xf32, #tpu.memory_space<hbm>>) target(%dma_start3A_204 : memref<640x64xf32, #tpu.memory_space<vmem_shared>>) target_semaphore(%run_scoped3A : memref<!tpu.dma_semaphore, #tpu.memory_space<semaphore_mem>>)
      %dma_wait3A_205 = arith.constant 0 : i32
      %dma_wait3A_206 = tpu.memref_slice %arg10[%mul3A_0, %dma_wait3A_205] : memref<10240x64xf32, #tpu.memory_space<vmem_shared>> -> memref<640x64xf32, #tpu.memory_space<vmem_shared>>
      tpu.wait_dma2 semaphore(%run_scoped3A : memref<!tpu.dma_semaphore, #tpu.memory_space<semaphore_mem>>) src(%arg5 : memref<640x64xf32, #tpu.memory_space<hbm>>) dst(%dma_wait3A_206 : memref<640x64xf32, #tpu.memory_space<vmem_shared>>)
      tpu.yield
    }) : () -> ()
    %barrier3A = arith.constant 0 : index
    tpu.barrier barrier_id(%barrier3A)
    %dma_start3A = arith.constant 0 : i32
    %dma_start3A_1 = arith.constant 0 : i32
    %dma_start3A_2 = arith.constant 0 : i32
    %dma_start3A_3 = arith.constant 0 : i32
    %dma_start3A_4 = tpu.memref_slice %arg9[%dma_start3A_1, %dma_start3A_2, %dma_start3A_3] : memref<4x125x64xf32, #tpu.memory_space<vmem>> -> memref<1x125x64xf32, #tpu.memory_space<vmem>>
    %dma_start3A_5 = tpu.memref_squeeze %dma_start3A_4 : memref<1x125x64xf32, #tpu.memory_space<vmem>> -> memref<125x64xf32, #tpu.memory_space<vmem>>
    %dma_start3A_6 = arith.constant 0 : i32
    %dma_start3A_7 = tpu.memref_slice %arg7[%dma_start3A, %dma_start3A_6] : memref<160x125xi32, #tpu.memory_space<vmem>> -> memref<1x125xi32, #tpu.memory_space<vmem>>
    %dma_start3A_8 = tpu.memref_squeeze %dma_start3A_7 : memref<1x125xi32, #tpu.memory_space<vmem>> -> memref<125xi32, #tpu.memory_space<vmem>>
    %dma_start3A_9 = arith.constant 0 : i32
    %dma_start3A_10 = arith.constant 0 : i32
    %dma_start3A_11 = tpu.memref_slice %arg2[%dma_start3A_9, %dma_start3A_10] : memref<20000x64xf32, #tpu.memory_space<hbm>> -> memref<20000x64xf32, #tpu.memory_space<hbm>>
    tpu.enqueue_indirect_dma source(%dma_start3A_11 : memref<20000x64xf32, #tpu.memory_space<hbm>>) target(%dma_start3A_5 : memref<125x64xf32, #tpu.memory_space<vmem>>) offsets(%dma_start3A_8 : memref<125xi32, #tpu.memory_space<vmem>>) semaphore(%arg11 : memref<!tpu.dma_semaphore, #tpu.memory_space<semaphore_mem>>)
    %dma_start3A_12 = arith.constant 1 : i32
    %dma_start3A_13 = arith.constant 1 : i32
    %dma_start3A_14 = arith.constant 0 : i32
    %dma_start3A_15 = arith.constant 0 : i32
    %dma_start3A_16 = tpu.memref_slice %arg9[%dma_start3A_13, %dma_start3A_14, %dma_start3A_15] : memref<4x125x64xf32, #tpu.memory_space<vmem>> -> memref<1x125x64xf32, #tpu.memory_space<vmem>>
    %dma_start3A_17 = tpu.memref_squeeze %dma_start3A_16 : memref<1x125x64xf32, #tpu.memory_space<vmem>> -> memref<125x64xf32, #tpu.memory_space<vmem>>
    %dma_start3A_18 = arith.constant 0 : i32
    %dma_start3A_19 = tpu.memref_slice %arg7[%dma_start3A_12, %dma_start3A_18] : memref<160x125xi32, #tpu.memory_space<vmem>> -> memref<1x125xi32, #tpu.memory_space<vmem>>
    %dma_start3A_20 = tpu.memref_squeeze %dma_start3A_19 : memref<1x125xi32, #tpu.memory_space<vmem>> -> memref<125xi32, #tpu.memory_space<vmem>>
    %dma_start3A_21 = arith.constant 0 : i32
    %dma_start3A_22 = arith.constant 0 : i32
    %dma_start3A_23 = tpu.memref_slice %arg2[%dma_start3A_21, %dma_start3A_22] : memref<20000x64xf32, #tpu.memory_space<hbm>> -> memref<20000x64xf32, #tpu.memory_space<hbm>>
    tpu.enqueue_indirect_dma source(%dma_start3A_23 : memref<20000x64xf32, #tpu.memory_space<hbm>>) target(%dma_start3A_17 : memref<125x64xf32, #tpu.memory_space<vmem>>) offsets(%dma_start3A_20 : memref<125xi32, #tpu.memory_space<vmem>>) semaphore(%arg12 : memref<!tpu.dma_semaphore, #tpu.memory_space<semaphore_mem>>)
    %dma_start3A_24 = arith.constant 2 : i32
    %dma_start3A_25 = arith.constant 2 : i32
    %dma_start3A_26 = arith.constant 0 : i32
    %dma_start3A_27 = arith.constant 0 : i32
    %dma_start3A_28 = tpu.memref_slice %arg9[%dma_start3A_25, %dma_start3A_26, %dma_start3A_27] : memref<4x125x64xf32, #tpu.memory_space<vmem>> -> memref<1x125x64xf32, #tpu.memory_space<vmem>>
    %dma_start3A_29 = tpu.memref_squeeze %dma_start3A_28 : memref<1x125x64xf32, #tpu.memory_space<vmem>> -> memref<125x64xf32, #tpu.memory_space<vmem>>
    %dma_start3A_30 = arith.constant 0 : i32
    %dma_start3A_31 = tpu.memref_slice %arg7[%dma_start3A_24, %dma_start3A_30] : memref<160x125xi32, #tpu.memory_space<vmem>> -> memref<1x125xi32, #tpu.memory_space<vmem>>
    %dma_start3A_32 = tpu.memref_squeeze %dma_start3A_31 : memref<1x125xi32, #tpu.memory_space<vmem>> -> memref<125xi32, #tpu.memory_space<vmem>>
    %dma_start3A_33 = arith.constant 0 : i32
    %dma_start3A_34 = arith.constant 0 : i32
    %dma_start3A_35 = tpu.memref_slice %arg2[%dma_start3A_33, %dma_start3A_34] : memref<20000x64xf32, #tpu.memory_space<hbm>> -> memref<20000x64xf32, #tpu.memory_space<hbm>>
    tpu.enqueue_indirect_dma source(%dma_start3A_35 : memref<20000x64xf32, #tpu.memory_space<hbm>>) target(%dma_start3A_29 : memref<125x64xf32, #tpu.memory_space<vmem>>) offsets(%dma_start3A_32 : memref<125xi32, #tpu.memory_space<vmem>>) semaphore(%arg13 : memref<!tpu.dma_semaphore, #tpu.memory_space<semaphore_mem>>)
    %scan3A = arith.constant 0 : i32
    %scan3A_36 = arith.constant 0 : i32
    %scan3A_37 = arith.constant 39 : i32
    %scan3A_38 = arith.addi %scan3A_36, %scan3A_37 : i32
    %scan3A_39 = arith.constant 1 : i32
    scf.for %scan3A_203 = %scan3A_36 to %scan3A_38 step %scan3A_39  : i32 {
      %mul3A_204 = arith.constant 4 : i32
      %mul3A_205 = arith.muli %mul3A_204, %scan3A_203 : i32
      %add3A = arith.constant 0 : i32
      %add3A_206 = arith.addi %mul3A_205, %add3A : i32
      %dma_wait3A_207 = arith.constant 0 : i32
      %dma_wait3A_208 = arith.constant 0 : i32
      %dma_wait3A_209 = arith.constant 0 : i32
      %dma_wait3A_210 = tpu.memref_slice %arg9[%dma_wait3A_207, %dma_wait3A_208, %dma_wait3A_209] : memref<4x125x64xf32, #tpu.memory_space<vmem>> -> memref<1x125x64xf32, #tpu.memory_space<vmem>>
      %dma_wait3A_211 = tpu.memref_squeeze %dma_wait3A_210 : memref<1x125x64xf32, #tpu.memory_space<vmem>> -> memref<125x64xf32, #tpu.memory_space<vmem>>
      %dma_wait3A_212 = arith.constant 0 : i32
      %dma_wait3A_213 = tpu.memref_slice %arg7[%add3A_206, %dma_wait3A_212] : memref<160x125xi32, #tpu.memory_space<vmem>> -> memref<1x125xi32, #tpu.memory_space<vmem>>
      %dma_wait3A_214 = tpu.memref_squeeze %dma_wait3A_213 : memref<1x125xi32, #tpu.memory_space<vmem>> -> memref<125xi32, #tpu.memory_space<vmem>>
      %dma_wait3A_215 = arith.constant 0 : i32
      %dma_wait3A_216 = arith.constant 0 : i32
      %dma_wait3A_217 = tpu.memref_slice %arg2[%dma_wait3A_215, %dma_wait3A_216] : memref<20000x64xf32, #tpu.memory_space<hbm>> -> memref<20000x64xf32, #tpu.memory_space<hbm>>
      tpu.wait_indirect_dma semaphore(%arg11 : memref<!tpu.dma_semaphore, #tpu.memory_space<semaphore_mem>>) src(%dma_wait3A_217 : memref<20000x64xf32, #tpu.memory_space<hbm>>) dst(%dma_wait3A_211 : memref<125x64xf32, #tpu.memory_space<vmem>>)
      %dma_start3A_218 = arith.constant 0 : i32
      %dma_start3A_219 = arith.constant 0 : i32
      %dma_start3A_220 = arith.constant 0 : i32
      %dma_start3A_221 = tpu.memref_slice %arg9[%dma_start3A_218, %dma_start3A_219, %dma_start3A_220] : memref<4x125x64xf32, #tpu.memory_space<vmem>> -> memref<1x125x64xf32, #tpu.memory_space<vmem>>
      %dma_start3A_222 = tpu.memref_squeeze %dma_start3A_221 : memref<1x125x64xf32, #tpu.memory_space<vmem>> -> memref<125x64xf32, #tpu.memory_space<vmem>>
      %dma_start3A_223 = arith.constant 0 : i32
      %dma_start3A_224 = tpu.memref_slice %arg8[%add3A_206, %dma_start3A_223] : memref<160x125xi32, #tpu.memory_space<vmem>> -> memref<1x125xi32, #tpu.memory_space<vmem>>
      %dma_start3A_225 = tpu.memref_squeeze %dma_start3A_224 : memref<1x125xi32, #tpu.memory_space<vmem>> -> memref<125xi32, #tpu.memory_space<vmem>>
      %dma_start3A_226 = arith.constant 0 : i32
      %dma_start3A_227 = arith.constant 0 : i32
      %dma_start3A_228 = tpu.memref_slice %arg10[%dma_start3A_226, %dma_start3A_227] : memref<10240x64xf32, #tpu.memory_space<vmem_shared>> -> memref<10240x64xf32, #tpu.memory_space<vmem_shared>>
      tpu.enqueue_indirect_dma source(%dma_start3A_222 : memref<125x64xf32, #tpu.memory_space<vmem>>) target(%dma_start3A_228 : memref<10240x64xf32, #tpu.memory_space<vmem_shared>>) offsets(%dma_start3A_225 : memref<125xi32, #tpu.memory_space<vmem>>) semaphore(%arg15 : memref<!tpu.dma_semaphore, #tpu.memory_space<semaphore_mem>>) {add = true}
      %add3A_229 = arith.constant 3 : i32
      %add3A_230 = arith.addi %add3A_206, %add3A_229 : i32
      %dma_start3A_231 = arith.constant 3 : i32
      %dma_start3A_232 = arith.constant 0 : i32
      %dma_start3A_233 = arith.constant 0 : i32
      %dma_start3A_234 = tpu.memref_slice %arg9[%dma_start3A_231, %dma_start3A_232, %dma_start3A_233] : memref<4x125x64xf32, #tpu.memory_space<vmem>> -> memref<1x125x64xf32, #tpu.memory_space<vmem>>
      %dma_start3A_235 = tpu.memref_squeeze %dma_start3A_234 : memref<1x125x64xf32, #tpu.memory_space<vmem>> -> memref<125x64xf32, #tpu.memory_space<vmem>>
      %dma_start3A_236 = arith.constant 0 : i32
      %dma_start3A_237 = tpu.memref_slice %arg7[%add3A_230, %dma_start3A_236] : memref<160x125xi32, #tpu.memory_space<vmem>> -> memref<1x125xi32, #tpu.memory_space<vmem>>
      %dma_start3A_238 = tpu.memref_squeeze %dma_start3A_237 : memref<1x125xi32, #tpu.memory_space<vmem>> -> memref<125xi32, #tpu.memory_space<vmem>>
      %dma_start3A_239 = arith.constant 0 : i32
      %dma_start3A_240 = arith.constant 0 : i32
      %dma_start3A_241 = tpu.memref_slice %arg2[%dma_start3A_239, %dma_start3A_240] : memref<20000x64xf32, #tpu.memory_space<hbm>> -> memref<20000x64xf32, #tpu.memory_space<hbm>>
      tpu.enqueue_indirect_dma source(%dma_start3A_241 : memref<20000x64xf32, #tpu.memory_space<hbm>>) target(%dma_start3A_235 : memref<125x64xf32, #tpu.memory_space<vmem>>) offsets(%dma_start3A_238 : memref<125xi32, #tpu.memory_space<vmem>>) semaphore(%arg14 : memref<!tpu.dma_semaphore, #tpu.memory_space<semaphore_mem>>)
      %dma_wait3A_242 = arith.constant 0 : i32
      %dma_wait3A_243 = arith.constant 0 : i32
      %dma_wait3A_244 = arith.constant 0 : i32
      %dma_wait3A_245 = tpu.memref_slice %arg9[%dma_wait3A_242, %dma_wait3A_243, %dma_wait3A_244] : memref<4x125x64xf32, #tpu.memory_space<vmem>> -> memref<1x125x64xf32, #tpu.memory_space<vmem>>
      %dma_wait3A_246 = tpu.memref_squeeze %dma_wait3A_245 : memref<1x125x64xf32, #tpu.memory_space<vmem>> -> memref<125x64xf32, #tpu.memory_space<vmem>>
      %dma_wait3A_247 = arith.constant 0 : i32
      %dma_wait3A_248 = tpu.memref_slice %arg8[%add3A_206, %dma_wait3A_247] : memref<160x125xi32, #tpu.memory_space<vmem>> -> memref<1x125xi32, #tpu.memory_space<vmem>>
      %dma_wait3A_249 = tpu.memref_squeeze %dma_wait3A_248 : memref<1x125xi32, #tpu.memory_space<vmem>> -> memref<125xi32, #tpu.memory_space<vmem>>
      %dma_wait3A_250 = arith.constant 0 : i32
      %dma_wait3A_251 = arith.constant 0 : i32
      %dma_wait3A_252 = tpu.memref_slice %arg10[%dma_wait3A_250, %dma_wait3A_251] : memref<10240x64xf32, #tpu.memory_space<vmem_shared>> -> memref<10240x64xf32, #tpu.memory_space<vmem_shared>>
      tpu.wait_indirect_dma semaphore(%arg15 : memref<!tpu.dma_semaphore, #tpu.memory_space<semaphore_mem>>) src(%dma_wait3A_246 : memref<125x64xf32, #tpu.memory_space<vmem>>) dst(%dma_wait3A_252 : memref<10240x64xf32, #tpu.memory_space<vmem_shared>>)
      %mul3A_253 = arith.constant 4 : i32
      %mul3A_254 = arith.muli %mul3A_253, %scan3A_203 : i32
      %add3A_255 = arith.constant 1 : i32
      %add3A_256 = arith.addi %mul3A_254, %add3A_255 : i32
      %dma_wait3A_257 = arith.constant 1 : i32
      %dma_wait3A_258 = arith.constant 0 : i32
      %dma_wait3A_259 = arith.constant 0 : i32
      %dma_wait3A_260 = tpu.memref_slice %arg9[%dma_wait3A_257, %dma_wait3A_258, %dma_wait3A_259] : memref<4x125x64xf32, #tpu.memory_space<vmem>> -> memref<1x125x64xf32, #tpu.memory_space<vmem>>
      %dma_wait3A_261 = tpu.memref_squeeze %dma_wait3A_260 : memref<1x125x64xf32, #tpu.memory_space<vmem>> -> memref<125x64xf32, #tpu.memory_space<vmem>>
      %dma_wait3A_262 = arith.constant 0 : i32
      %dma_wait3A_263 = tpu.memref_slice %arg7[%add3A_256, %dma_wait3A_262] : memref<160x125xi32, #tpu.memory_space<vmem>> -> memref<1x125xi32, #tpu.memory_space<vmem>>
      %dma_wait3A_264 = tpu.memref_squeeze %dma_wait3A_263 : memref<1x125xi32, #tpu.memory_space<vmem>> -> memref<125xi32, #tpu.memory_space<vmem>>
      %dma_wait3A_265 = arith.constant 0 : i32
      %dma_wait3A_266 = arith.constant 0 : i32
      %dma_wait3A_267 = tpu.memref_slice %arg2[%dma_wait3A_265, %dma_wait3A_266] : memref<20000x64xf32, #tpu.memory_space<hbm>> -> memref<20000x64xf32, #tpu.memory_space<hbm>>
      tpu.wait_indirect_dma semaphore(%arg12 : memref<!tpu.dma_semaphore, #tpu.memory_space<semaphore_mem>>) src(%dma_wait3A_267 : memref<20000x64xf32, #tpu.memory_space<hbm>>) dst(%dma_wait3A_261 : memref<125x64xf32, #tpu.memory_space<vmem>>)
      %dma_start3A_268 = arith.constant 1 : i32
      %dma_start3A_269 = arith.constant 0 : i32
      %dma_start3A_270 = arith.constant 0 : i32
      %dma_start3A_271 = tpu.memref_slice %arg9[%dma_start3A_268, %dma_start3A_269, %dma_start3A_270] : memref<4x125x64xf32, #tpu.memory_space<vmem>> -> memref<1x125x64xf32, #tpu.memory_space<vmem>>
      %dma_start3A_272 = tpu.memref_squeeze %dma_start3A_271 : memref<1x125x64xf32, #tpu.memory_space<vmem>> -> memref<125x64xf32, #tpu.memory_space<vmem>>
      %dma_start3A_273 = arith.constant 0 : i32
      %dma_start3A_274 = tpu.memref_slice %arg8[%add3A_256, %dma_start3A_273] : memref<160x125xi32, #tpu.memory_space<vmem>> -> memref<1x125xi32, #tpu.memory_space<vmem>>
      %dma_start3A_275 = tpu.memref_squeeze %dma_start3A_274 : memref<1x125xi32, #tpu.memory_space<vmem>> -> memref<125xi32, #tpu.memory_space<vmem>>
      %dma_start3A_276 = arith.constant 0 : i32
      %dma_start3A_277 = arith.constant 0 : i32
      %dma_start3A_278 = tpu.memref_slice %arg10[%dma_start3A_276, %dma_start3A_277] : memref<10240x64xf32, #tpu.memory_space<vmem_shared>> -> memref<10240x64xf32, #tpu.memory_space<vmem_shared>>
      tpu.enqueue_indirect_dma source(%dma_start3A_272 : memref<125x64xf32, #tpu.memory_space<vmem>>) target(%dma_start3A_278 : memref<10240x64xf32, #tpu.memory_space<vmem_shared>>) offsets(%dma_start3A_275 : memref<125xi32, #tpu.memory_space<vmem>>) semaphore(%arg15 : memref<!tpu.dma_semaphore, #tpu.memory_space<semaphore_mem>>) {add = true}
      %add3A_279 = arith.constant 3 : i32
      %add3A_280 = arith.addi %add3A_256, %add3A_279 : i32
      %dma_start3A_281 = arith.constant 0 : i32
      %dma_start3A_282 = arith.constant 0 : i32
      %dma_start3A_283 = arith.constant 0 : i32
      %dma_start3A_284 = tpu.memref_slice %arg9[%dma_start3A_281, %dma_start3A_282, %dma_start3A_283] : memref<4x125x64xf32, #tpu.memory_space<vmem>> -> memref<1x125x64xf32, #tpu.memory_space<vmem>>
      %dma_start3A_285 = tpu.memref_squeeze %dma_start3A_284 : memref<1x125x64xf32, #tpu.memory_space<vmem>> -> memref<125x64xf32, #tpu.memory_space<vmem>>
      %dma_start3A_286 = arith.constant 0 : i32
      %dma_start3A_287 = tpu.memref_slice %arg7[%add3A_280, %dma_start3A_286] : memref<160x125xi32, #tpu.memory_space<vmem>> -> memref<1x125xi32, #tpu.memory_space<vmem>>
      %dma_start3A_288 = tpu.memref_squeeze %dma_start3A_287 : memref<1x125xi32, #tpu.memory_space<vmem>> -> memref<125xi32, #tpu.memory_space<vmem>>
      %dma_start3A_289 = arith.constant 0 : i32
      %dma_start3A_290 = arith.constant 0 : i32
      %dma_start3A_291 = tpu.memref_slice %arg2[%dma_start3A_289, %dma_start3A_290] : memref<20000x64xf32, #tpu.memory_space<hbm>> -> memref<20000x64xf32, #tpu.memory_space<hbm>>
      tpu.enqueue_indirect_dma source(%dma_start3A_291 : memref<20000x64xf32, #tpu.memory_space<hbm>>) target(%dma_start3A_285 : memref<125x64xf32, #tpu.memory_space<vmem>>) offsets(%dma_start3A_288 : memref<125xi32, #tpu.memory_space<vmem>>) semaphore(%arg11 : memref<!tpu.dma_semaphore, #tpu.memory_space<semaphore_mem>>)
      %dma_wait3A_292 = arith.constant 1 : i32
      %dma_wait3A_293 = arith.constant 0 : i32
      %dma_wait3A_294 = arith.constant 0 : i32
      %dma_wait3A_295 = tpu.memref_slice %arg9[%dma_wait3A_292, %dma_wait3A_293, %dma_wait3A_294] : memref<4x125x64xf32, #tpu.memory_space<vmem>> -> memref<1x125x64xf32, #tpu.memory_space<vmem>>
      %dma_wait3A_296 = tpu.memref_squeeze %dma_wait3A_295 : memref<1x125x64xf32, #tpu.memory_space<vmem>> -> memref<125x64xf32, #tpu.memory_space<vmem>>
      %dma_wait3A_297 = arith.constant 0 : i32
      %dma_wait3A_298 = tpu.memref_slice %arg8[%add3A_256, %dma_wait3A_297] : memref<160x125xi32, #tpu.memory_space<vmem>> -> memref<1x125xi32, #tpu.memory_space<vmem>>
      %dma_wait3A_299 = tpu.memref_squeeze %dma_wait3A_298 : memref<1x125xi32, #tpu.memory_space<vmem>> -> memref<125xi32, #tpu.memory_space<vmem>>
      %dma_wait3A_300 = arith.constant 0 : i32
      %dma_wait3A_301 = arith.constant 0 : i32
      %dma_wait3A_302 = tpu.memref_slice %arg10[%dma_wait3A_300, %dma_wait3A_301] : memref<10240x64xf32, #tpu.memory_space<vmem_shared>> -> memref<10240x64xf32, #tpu.memory_space<vmem_shared>>
      tpu.wait_indirect_dma semaphore(%arg15 : memref<!tpu.dma_semaphore, #tpu.memory_space<semaphore_mem>>) src(%dma_wait3A_296 : memref<125x64xf32, #tpu.memory_space<vmem>>) dst(%dma_wait3A_302 : memref<10240x64xf32, #tpu.memory_space<vmem_shared>>)
      %mul3A_303 = arith.constant 4 : i32
      %mul3A_304 = arith.muli %mul3A_303, %scan3A_203 : i32
      %add3A_305 = arith.constant 2 : i32
      %add3A_306 = arith.addi %mul3A_304, %add3A_305 : i32
      %dma_wait3A_307 = arith.constant 2 : i32
      %dma_wait3A_308 = arith.constant 0 : i32
      %dma_wait3A_309 = arith.constant 0 : i32
      %dma_wait3A_310 = tpu.memref_slice %arg9[%dma_wait3A_307, %dma_wait3A_308, %dma_wait3A_309] : memref<4x125x64xf32, #tpu.memory_space<vmem>> -> memref<1x125x64xf32, #tpu.memory_space<vmem>>
      %dma_wait3A_311 = tpu.memref_squeeze %dma_wait3A_310 : memref<1x125x64xf32, #tpu.memory_space<vmem>> -> memref<125x64xf32, #tpu.memory_space<vmem>>
      %dma_wait3A_312 = arith.constant 0 : i32
      %dma_wait3A_313 = tpu.memref_slice %arg7[%add3A_306, %dma_wait3A_312] : memref<160x125xi32, #tpu.memory_space<vmem>> -> memref<1x125xi32, #tpu.memory_space<vmem>>
      %dma_wait3A_314 = tpu.memref_squeeze %dma_wait3A_313 : memref<1x125xi32, #tpu.memory_space<vmem>> -> memref<125xi32, #tpu.memory_space<vmem>>
      %dma_wait3A_315 = arith.constant 0 : i32
      %dma_wait3A_316 = arith.constant 0 : i32
      %dma_wait3A_317 = tpu.memref_slice %arg2[%dma_wait3A_315, %dma_wait3A_316] : memref<20000x64xf32, #tpu.memory_space<hbm>> -> memref<20000x64xf32, #tpu.memory_space<hbm>>
      tpu.wait_indirect_dma semaphore(%arg13 : memref<!tpu.dma_semaphore, #tpu.memory_space<semaphore_mem>>) src(%dma_wait3A_317 : memref<20000x64xf32, #tpu.memory_space<hbm>>) dst(%dma_wait3A_311 : memref<125x64xf32, #tpu.memory_space<vmem>>)
      %dma_start3A_318 = arith.constant 2 : i32
      %dma_start3A_319 = arith.constant 0 : i32
      %dma_start3A_320 = arith.constant 0 : i32
      %dma_start3A_321 = tpu.memref_slice %arg9[%dma_start3A_318, %dma_start3A_319, %dma_start3A_320] : memref<4x125x64xf32, #tpu.memory_space<vmem>> -> memref<1x125x64xf32, #tpu.memory_space<vmem>>
      %dma_start3A_322 = tpu.memref_squeeze %dma_start3A_321 : memref<1x125x64xf32, #tpu.memory_space<vmem>> -> memref<125x64xf32, #tpu.memory_space<vmem>>
      %dma_start3A_323 = arith.constant 0 : i32
      %dma_start3A_324 = tpu.memref_slice %arg8[%add3A_306, %dma_start3A_323] : memref<160x125xi32, #tpu.memory_space<vmem>> -> memref<1x125xi32, #tpu.memory_space<vmem>>
      %dma_start3A_325 = tpu.memref_squeeze %dma_start3A_324 : memref<1x125xi32, #tpu.memory_space<vmem>> -> memref<125xi32, #tpu.memory_space<vmem>>
      %dma_start3A_326 = arith.constant 0 : i32
      %dma_start3A_327 = arith.constant 0 : i32
      %dma_start3A_328 = tpu.memref_slice %arg10[%dma_start3A_326, %dma_start3A_327] : memref<10240x64xf32, #tpu.memory_space<vmem_shared>> -> memref<10240x64xf32, #tpu.memory_space<vmem_shared>>
      tpu.enqueue_indirect_dma source(%dma_start3A_322 : memref<125x64xf32, #tpu.memory_space<vmem>>) target(%dma_start3A_328 : memref<10240x64xf32, #tpu.memory_space<vmem_shared>>) offsets(%dma_start3A_325 : memref<125xi32, #tpu.memory_space<vmem>>) semaphore(%arg15 : memref<!tpu.dma_semaphore, #tpu.memory_space<semaphore_mem>>) {add = true}
      %add3A_329 = arith.constant 3 : i32
      %add3A_330 = arith.addi %add3A_306, %add3A_329 : i32
      %dma_start3A_331 = arith.constant 1 : i32
      %dma_start3A_332 = arith.constant 0 : i32
      %dma_start3A_333 = arith.constant 0 : i32
      %dma_start3A_334 = tpu.memref_slice %arg9[%dma_start3A_331, %dma_start3A_332, %dma_start3A_333] : memref<4x125x64xf32, #tpu.memory_space<vmem>> -> memref<1x125x64xf32, #tpu.memory_space<vmem>>
      %dma_start3A_335 = tpu.memref_squeeze %dma_start3A_334 : memref<1x125x64xf32, #tpu.memory_space<vmem>> -> memref<125x64xf32, #tpu.memory_space<vmem>>
      %dma_start3A_336 = arith.constant 0 : i32
      %dma_start3A_337 = tpu.memref_slice %arg7[%add3A_330, %dma_start3A_336] : memref<160x125xi32, #tpu.memory_space<vmem>> -> memref<1x125xi32, #tpu.memory_space<vmem>>
      %dma_start3A_338 = tpu.memref_squeeze %dma_start3A_337 : memref<1x125xi32, #tpu.memory_space<vmem>> -> memref<125xi32, #tpu.memory_space<vmem>>
      %dma_start3A_339 = arith.constant 0 : i32
      %dma_start3A_340 = arith.constant 0 : i32
      %dma_start3A_341 = tpu.memref_slice %arg2[%dma_start3A_339, %dma_start3A_340] : memref<20000x64xf32, #tpu.memory_space<hbm>> -> memref<20000x64xf32, #tpu.memory_space<hbm>>
      tpu.enqueue_indirect_dma source(%dma_start3A_341 : memref<20000x64xf32, #tpu.memory_space<hbm>>) target(%dma_start3A_335 : memref<125x64xf32, #tpu.memory_space<vmem>>) offsets(%dma_start3A_338 : memref<125xi32, #tpu.memory_space<vmem>>) semaphore(%arg12 : memref<!tpu.dma_semaphore, #tpu.memory_space<semaphore_mem>>)
      %dma_wait3A_342 = arith.constant 2 : i32
      %dma_wait3A_343 = arith.constant 0 : i32
      %dma_wait3A_344 = arith.constant 0 : i32
      %dma_wait3A_345 = tpu.memref_slice %arg9[%dma_wait3A_342, %dma_wait3A_343, %dma_wait3A_344] : memref<4x125x64xf32, #tpu.memory_space<vmem>> -> memref<1x125x64xf32, #tpu.memory_space<vmem>>
      %dma_wait3A_346 = tpu.memref_squeeze %dma_wait3A_345 : memref<1x125x64xf32, #tpu.memory_space<vmem>> -> memref<125x64xf32, #tpu.memory_space<vmem>>
      %dma_wait3A_347 = arith.constant 0 : i32
      %dma_wait3A_348 = tpu.memref_slice %arg8[%add3A_306, %dma_wait3A_347] : memref<160x125xi32, #tpu.memory_space<vmem>> -> memref<1x125xi32, #tpu.memory_space<vmem>>
      %dma_wait3A_349 = tpu.memref_squeeze %dma_wait3A_348 : memref<1x125xi32, #tpu.memory_space<vmem>> -> memref<125xi32, #tpu.memory_space<vmem>>
      %dma_wait3A_350 = arith.constant 0 : i32
      %dma_wait3A_351 = arith.constant 0 : i32
      %dma_wait3A_352 = tpu.memref_slice %arg10[%dma_wait3A_350, %dma_wait3A_351] : memref<10240x64xf32, #tpu.memory_space<vmem_shared>> -> memref<10240x64xf32, #tpu.memory_space<vmem_shared>>
      tpu.wait_indirect_dma semaphore(%arg15 : memref<!tpu.dma_semaphore, #tpu.memory_space<semaphore_mem>>) src(%dma_wait3A_346 : memref<125x64xf32, #tpu.memory_space<vmem>>) dst(%dma_wait3A_352 : memref<10240x64xf32, #tpu.memory_space<vmem_shared>>)
      %mul3A_353 = arith.constant 4 : i32
      %mul3A_354 = arith.muli %mul3A_353, %scan3A_203 : i32
      %add3A_355 = arith.constant 3 : i32
      %add3A_356 = arith.addi %mul3A_354, %add3A_355 : i32
      %dma_wait3A_357 = arith.constant 3 : i32
      %dma_wait3A_358 = arith.constant 0 : i32
      %dma_wait3A_359 = arith.constant 0 : i32
      %dma_wait3A_360 = tpu.memref_slice %arg9[%dma_wait3A_357, %dma_wait3A_358, %dma_wait3A_359] : memref<4x125x64xf32, #tpu.memory_space<vmem>> -> memref<1x125x64xf32, #tpu.memory_space<vmem>>
      %dma_wait3A_361 = tpu.memref_squeeze %dma_wait3A_360 : memref<1x125x64xf32, #tpu.memory_space<vmem>> -> memref<125x64xf32, #tpu.memory_space<vmem>>
      %dma_wait3A_362 = arith.constant 0 : i32
      %dma_wait3A_363 = tpu.memref_slice %arg7[%add3A_356, %dma_wait3A_362] : memref<160x125xi32, #tpu.memory_space<vmem>> -> memref<1x125xi32, #tpu.memory_space<vmem>>
      %dma_wait3A_364 = tpu.memref_squeeze %dma_wait3A_363 : memref<1x125xi32, #tpu.memory_space<vmem>> -> memref<125xi32, #tpu.memory_space<vmem>>
      %dma_wait3A_365 = arith.constant 0 : i32
      %dma_wait3A_366 = arith.constant 0 : i32
      %dma_wait3A_367 = tpu.memref_slice %arg2[%dma_wait3A_365, %dma_wait3A_366] : memref<20000x64xf32, #tpu.memory_space<hbm>> -> memref<20000x64xf32, #tpu.memory_space<hbm>>
      tpu.wait_indirect_dma semaphore(%arg14 : memref<!tpu.dma_semaphore, #tpu.memory_space<semaphore_mem>>) src(%dma_wait3A_367 : memref<20000x64xf32, #tpu.memory_space<hbm>>) dst(%dma_wait3A_361 : memref<125x64xf32, #tpu.memory_space<vmem>>)
      %dma_start3A_368 = arith.constant 3 : i32
      %dma_start3A_369 = arith.constant 0 : i32
      %dma_start3A_370 = arith.constant 0 : i32
      %dma_start3A_371 = tpu.memref_slice %arg9[%dma_start3A_368, %dma_start3A_369, %dma_start3A_370] : memref<4x125x64xf32, #tpu.memory_space<vmem>> -> memref<1x125x64xf32, #tpu.memory_space<vmem>>
      %dma_start3A_372 = tpu.memref_squeeze %dma_start3A_371 : memref<1x125x64xf32, #tpu.memory_space<vmem>> -> memref<125x64xf32, #tpu.memory_space<vmem>>
      %dma_start3A_373 = arith.constant 0 : i32
      %dma_start3A_374 = tpu.memref_slice %arg8[%add3A_356, %dma_start3A_373] : memref<160x125xi32, #tpu.memory_space<vmem>> -> memref<1x125xi32, #tpu.memory_space<vmem>>
      %dma_start3A_375 = tpu.memref_squeeze %dma_start3A_374 : memref<1x125xi32, #tpu.memory_space<vmem>> -> memref<125xi32, #tpu.memory_space<vmem>>
      %dma_start3A_376 = arith.constant 0 : i32
      %dma_start3A_377 = arith.constant 0 : i32
      %dma_start3A_378 = tpu.memref_slice %arg10[%dma_start3A_376, %dma_start3A_377] : memref<10240x64xf32, #tpu.memory_space<vmem_shared>> -> memref<10240x64xf32, #tpu.memory_space<vmem_shared>>
      tpu.enqueue_indirect_dma source(%dma_start3A_372 : memref<125x64xf32, #tpu.memory_space<vmem>>) target(%dma_start3A_378 : memref<10240x64xf32, #tpu.memory_space<vmem_shared>>) offsets(%dma_start3A_375 : memref<125xi32, #tpu.memory_space<vmem>>) semaphore(%arg15 : memref<!tpu.dma_semaphore, #tpu.memory_space<semaphore_mem>>) {add = true}
      %add3A_379 = arith.constant 3 : i32
      %add3A_380 = arith.addi %add3A_356, %add3A_379 : i32
      %dma_start3A_381 = arith.constant 2 : i32
      %dma_start3A_382 = arith.constant 0 : i32
      %dma_start3A_383 = arith.constant 0 : i32
      %dma_start3A_384 = tpu.memref_slice %arg9[%dma_start3A_381, %dma_start3A_382, %dma_start3A_383] : memref<4x125x64xf32, #tpu.memory_space<vmem>> -> memref<1x125x64xf32, #tpu.memory_space<vmem>>
      %dma_start3A_385 = tpu.memref_squeeze %dma_start3A_384 : memref<1x125x64xf32, #tpu.memory_space<vmem>> -> memref<125x64xf32, #tpu.memory_space<vmem>>
      %dma_start3A_386 = arith.constant 0 : i32
      %dma_start3A_387 = tpu.memref_slice %arg7[%add3A_380, %dma_start3A_386] : memref<160x125xi32, #tpu.memory_space<vmem>> -> memref<1x125xi32, #tpu.memory_space<vmem>>
      %dma_start3A_388 = tpu.memref_squeeze %dma_start3A_387 : memref<1x125xi32, #tpu.memory_space<vmem>> -> memref<125xi32, #tpu.memory_space<vmem>>
      %dma_start3A_389 = arith.constant 0 : i32
      %dma_start3A_390 = arith.constant 0 : i32
      %dma_start3A_391 = tpu.memref_slice %arg2[%dma_start3A_389, %dma_start3A_390] : memref<20000x64xf32, #tpu.memory_space<hbm>> -> memref<20000x64xf32, #tpu.memory_space<hbm>>
      tpu.enqueue_indirect_dma source(%dma_start3A_391 : memref<20000x64xf32, #tpu.memory_space<hbm>>) target(%dma_start3A_385 : memref<125x64xf32, #tpu.memory_space<vmem>>) offsets(%dma_start3A_388 : memref<125xi32, #tpu.memory_space<vmem>>) semaphore(%arg13 : memref<!tpu.dma_semaphore, #tpu.memory_space<semaphore_mem>>)
      %dma_wait3A_392 = arith.constant 3 : i32
      %dma_wait3A_393 = arith.constant 0 : i32
      %dma_wait3A_394 = arith.constant 0 : i32
      %dma_wait3A_395 = tpu.memref_slice %arg9[%dma_wait3A_392, %dma_wait3A_393, %dma_wait3A_394] : memref<4x125x64xf32, #tpu.memory_space<vmem>> -> memref<1x125x64xf32, #tpu.memory_space<vmem>>
      %dma_wait3A_396 = tpu.memref_squeeze %dma_wait3A_395 : memref<1x125x64xf32, #tpu.memory_space<vmem>> -> memref<125x64xf32, #tpu.memory_space<vmem>>
      %dma_wait3A_397 = arith.constant 0 : i32
      %dma_wait3A_398 = tpu.memref_slice %arg8[%add3A_356, %dma_wait3A_397] : memref<160x125xi32, #tpu.memory_space<vmem>> -> memref<1x125xi32, #tpu.memory_space<vmem>>
      %dma_wait3A_399 = tpu.memref_squeeze %dma_wait3A_398 : memref<1x125xi32, #tpu.memory_space<vmem>> -> memref<125xi32, #tpu.memory_space<vmem>>
      %dma_wait3A_400 = arith.constant 0 : i32
      %dma_wait3A_401 = arith.constant 0 : i32
      %dma_wait3A_402 = tpu.memref_slice %arg10[%dma_wait3A_400, %dma_wait3A_401] : memref<10240x64xf32, #tpu.memory_space<vmem_shared>> -> memref<10240x64xf32, #tpu.memory_space<vmem_shared>>
      tpu.wait_indirect_dma semaphore(%arg15 : memref<!tpu.dma_semaphore, #tpu.memory_space<semaphore_mem>>) src(%dma_wait3A_396 : memref<125x64xf32, #tpu.memory_space<vmem>>) dst(%dma_wait3A_402 : memref<10240x64xf32, #tpu.memory_space<vmem_shared>>)
    }
    %scan3A_40 = arith.constant 39 : i32
    %dma_wait3A = arith.constant 156 : i32
    %dma_wait3A_41 = arith.constant 0 : i32
    %dma_wait3A_42 = arith.constant 0 : i32
    %dma_wait3A_43 = arith.constant 0 : i32
    %dma_wait3A_44 = tpu.memref_slice %arg9[%dma_wait3A_41, %dma_wait3A_42, %dma_wait3A_43] : memref<4x125x64xf32, #tpu.memory_space<vmem>> -> memref<1x125x64xf32, #tpu.memory_space<vmem>>
    %dma_wait3A_45 = tpu.memref_squeeze %dma_wait3A_44 : memref<1x125x64xf32, #tpu.memory_space<vmem>> -> memref<125x64xf32, #tpu.memory_space<vmem>>
    %dma_wait3A_46 = arith.constant 0 : i32
    %dma_wait3A_47 = tpu.memref_slice %arg7[%dma_wait3A, %dma_wait3A_46] : memref<160x125xi32, #tpu.memory_space<vmem>> -> memref<1x125xi32, #tpu.memory_space<vmem>>
    %dma_wait3A_48 = tpu.memref_squeeze %dma_wait3A_47 : memref<1x125xi32, #tpu.memory_space<vmem>> -> memref<125xi32, #tpu.memory_space<vmem>>
    %dma_wait3A_49 = arith.constant 0 : i32
    %dma_wait3A_50 = arith.constant 0 : i32
    %dma_wait3A_51 = tpu.memref_slice %arg2[%dma_wait3A_49, %dma_wait3A_50] : memref<20000x64xf32, #tpu.memory_space<hbm>> -> memref<20000x64xf32, #tpu.memory_space<hbm>>
    tpu.wait_indirect_dma semaphore(%arg11 : memref<!tpu.dma_semaphore, #tpu.memory_space<semaphore_mem>>) src(%dma_wait3A_51 : memref<20000x64xf32, #tpu.memory_space<hbm>>) dst(%dma_wait3A_45 : memref<125x64xf32, #tpu.memory_space<vmem>>)
    %dma_start3A_52 = arith.constant 0 : i32
    %dma_start3A_53 = arith.constant 156 : i32
    %dma_start3A_54 = arith.constant 0 : i32
    %dma_start3A_55 = arith.constant 0 : i32
    %dma_start3A_56 = tpu.memref_slice %arg9[%dma_start3A_52, %dma_start3A_54, %dma_start3A_55] : memref<4x125x64xf32, #tpu.memory_space<vmem>> -> memref<1x125x64xf32, #tpu.memory_space<vmem>>
    %dma_start3A_57 = tpu.memref_squeeze %dma_start3A_56 : memref<1x125x64xf32, #tpu.memory_space<vmem>> -> memref<125x64xf32, #tpu.memory_space<vmem>>
    %dma_start3A_58 = arith.constant 0 : i32
    %dma_start3A_59 = tpu.memref_slice %arg8[%dma_start3A_53, %dma_start3A_58] : memref<160x125xi32, #tpu.memory_space<vmem>> -> memref<1x125xi32, #tpu.memory_space<vmem>>
    %dma_start3A_60 = tpu.memref_squeeze %dma_start3A_59 : memref<1x125xi32, #tpu.memory_space<vmem>> -> memref<125xi32, #tpu.memory_space<vmem>>
    %dma_start3A_61 = arith.constant 0 : i32
    %dma_start3A_62 = arith.constant 0 : i32
    %dma_start3A_63 = tpu.memref_slice %arg10[%dma_start3A_61, %dma_start3A_62] : memref<10240x64xf32, #tpu.memory_space<vmem_shared>> -> memref<10240x64xf32, #tpu.memory_space<vmem_shared>>
    tpu.enqueue_indirect_dma source(%dma_start3A_57 : memref<125x64xf32, #tpu.memory_space<vmem>>) target(%dma_start3A_63 : memref<10240x64xf32, #tpu.memory_space<vmem_shared>>) offsets(%dma_start3A_60 : memref<125xi32, #tpu.memory_space<vmem>>) semaphore(%arg15 : memref<!tpu.dma_semaphore, #tpu.memory_space<semaphore_mem>>) {add = true}
    %dma_start3A_64 = arith.constant 159 : i32
    %dma_start3A_65 = arith.constant 3 : i32
    %dma_start3A_66 = arith.constant 0 : i32
    %dma_start3A_67 = arith.constant 0 : i32
    %dma_start3A_68 = tpu.memref_slice %arg9[%dma_start3A_65, %dma_start3A_66, %dma_start3A_67] : memref<4x125x64xf32, #tpu.memory_space<vmem>> -> memref<1x125x64xf32, #tpu.memory_space<vmem>>
    %dma_start3A_69 = tpu.memref_squeeze %dma_start3A_68 : memref<1x125x64xf32, #tpu.memory_space<vmem>> -> memref<125x64xf32, #tpu.memory_space<vmem>>
    %dma_start3A_70 = arith.constant 0 : i32
    %dma_start3A_71 = tpu.memref_slice %arg7[%dma_start3A_64, %dma_start3A_70] : memref<160x125xi32, #tpu.memory_space<vmem>> -> memref<1x125xi32, #tpu.memory_space<vmem>>
    %dma_start3A_72 = tpu.memref_squeeze %dma_start3A_71 : memref<1x125xi32, #tpu.memory_space<vmem>> -> memref<125xi32, #tpu.memory_space<vmem>>
    %dma_start3A_73 = arith.constant 0 : i32
    %dma_start3A_74 = arith.constant 0 : i32
    %dma_start3A_75 = tpu.memref_slice %arg2[%dma_start3A_73, %dma_start3A_74] : memref<20000x64xf32, #tpu.memory_space<hbm>> -> memref<20000x64xf32, #tpu.memory_space<hbm>>
    tpu.enqueue_indirect_dma source(%dma_start3A_75 : memref<20000x64xf32, #tpu.memory_space<hbm>>) target(%dma_start3A_69 : memref<125x64xf32, #tpu.memory_space<vmem>>) offsets(%dma_start3A_72 : memref<125xi32, #tpu.memory_space<vmem>>) semaphore(%arg14 : memref<!tpu.dma_semaphore, #tpu.memory_space<semaphore_mem>>)
    %dma_wait3A_76 = arith.constant 0 : i32
    %dma_wait3A_77 = arith.constant 156 : i32
    %dma_wait3A_78 = arith.constant 0 : i32
    %dma_wait3A_79 = arith.constant 0 : i32
    %dma_wait3A_80 = tpu.memref_slice %arg9[%dma_wait3A_76, %dma_wait3A_78, %dma_wait3A_79] : memref<4x125x64xf32, #tpu.memory_space<vmem>> -> memref<1x125x64xf32, #tpu.memory_space<vmem>>
    %dma_wait3A_81 = tpu.memref_squeeze %dma_wait3A_80 : memref<1x125x64xf32, #tpu.memory_space<vmem>> -> memref<125x64xf32, #tpu.memory_space<vmem>>
    %dma_wait3A_82 = arith.constant 0 : i32
    %dma_wait3A_83 = tpu.memref_slice %arg8[%dma_wait3A_77, %dma_wait3A_82] : memref<160x125xi32, #tpu.memory_space<vmem>> -> memref<1x125xi32, #tpu.memory_space<vmem>>
    %dma_wait3A_84 = tpu.memref_squeeze %dma_wait3A_83 : memref<1x125xi32, #tpu.memory_space<vmem>> -> memref<125xi32, #tpu.memory_space<vmem>>
    %dma_wait3A_85 = arith.constant 0 : i32
    %dma_wait3A_86 = arith.constant 0 : i32
    %dma_wait3A_87 = tpu.memref_slice %arg10[%dma_wait3A_85, %dma_wait3A_86] : memref<10240x64xf32, #tpu.memory_space<vmem_shared>> -> memref<10240x64xf32, #tpu.memory_space<vmem_shared>>
    tpu.wait_indirect_dma semaphore(%arg15 : memref<!tpu.dma_semaphore, #tpu.memory_space<semaphore_mem>>) src(%dma_wait3A_81 : memref<125x64xf32, #tpu.memory_space<vmem>>) dst(%dma_wait3A_87 : memref<10240x64xf32, #tpu.memory_space<vmem_shared>>)
    %dma_wait3A_88 = arith.constant 157 : i32
    %dma_wait3A_89 = arith.constant 1 : i32
    %dma_wait3A_90 = arith.constant 0 : i32
    %dma_wait3A_91 = arith.constant 0 : i32
    %dma_wait3A_92 = tpu.memref_slice %arg9[%dma_wait3A_89, %dma_wait3A_90, %dma_wait3A_91] : memref<4x125x64xf32, #tpu.memory_space<vmem>> -> memref<1x125x64xf32, #tpu.memory_space<vmem>>
    %dma_wait3A_93 = tpu.memref_squeeze %dma_wait3A_92 : memref<1x125x64xf32, #tpu.memory_space<vmem>> -> memref<125x64xf32, #tpu.memory_space<vmem>>
    %dma_wait3A_94 = arith.constant 0 : i32
    %dma_wait3A_95 = tpu.memref_slice %arg7[%dma_wait3A_88, %dma_wait3A_94] : memref<160x125xi32, #tpu.memory_space<vmem>> -> memref<1x125xi32, #tpu.memory_space<vmem>>
    %dma_wait3A_96 = tpu.memref_squeeze %dma_wait3A_95 : memref<1x125xi32, #tpu.memory_space<vmem>> -> memref<125xi32, #tpu.memory_space<vmem>>
    %dma_wait3A_97 = arith.constant 0 : i32
    %dma_wait3A_98 = arith.constant 0 : i32
    %dma_wait3A_99 = tpu.memref_slice %arg2[%dma_wait3A_97, %dma_wait3A_98] : memref<20000x64xf32, #tpu.memory_space<hbm>> -> memref<20000x64xf32, #tpu.memory_space<hbm>>
    tpu.wait_indirect_dma semaphore(%arg12 : memref<!tpu.dma_semaphore, #tpu.memory_space<semaphore_mem>>) src(%dma_wait3A_99 : memref<20000x64xf32, #tpu.memory_space<hbm>>) dst(%dma_wait3A_93 : memref<125x64xf32, #tpu.memory_space<vmem>>)
    %dma_start3A_100 = arith.constant 1 : i32
    %dma_start3A_101 = arith.constant 157 : i32
    %dma_start3A_102 = arith.constant 0 : i32
    %dma_start3A_103 = arith.constant 0 : i32
    %dma_start3A_104 = tpu.memref_slice %arg9[%dma_start3A_100, %dma_start3A_102, %dma_start3A_103] : memref<4x125x64xf32, #tpu.memory_space<vmem>> -> memref<1x125x64xf32, #tpu.memory_space<vmem>>
    %dma_start3A_105 = tpu.memref_squeeze %dma_start3A_104 : memref<1x125x64xf32, #tpu.memory_space<vmem>> -> memref<125x64xf32, #tpu.memory_space<vmem>>
    %dma_start3A_106 = arith.constant 0 : i32
    %dma_start3A_107 = tpu.memref_slice %arg8[%dma_start3A_101, %dma_start3A_106] : memref<160x125xi32, #tpu.memory_space<vmem>> -> memref<1x125xi32, #tpu.memory_space<vmem>>
    %dma_start3A_108 = tpu.memref_squeeze %dma_start3A_107 : memref<1x125xi32, #tpu.memory_space<vmem>> -> memref<125xi32, #tpu.memory_space<vmem>>
    %dma_start3A_109 = arith.constant 0 : i32
    %dma_start3A_110 = arith.constant 0 : i32
    %dma_start3A_111 = tpu.memref_slice %arg10[%dma_start3A_109, %dma_start3A_110] : memref<10240x64xf32, #tpu.memory_space<vmem_shared>> -> memref<10240x64xf32, #tpu.memory_space<vmem_shared>>
    tpu.enqueue_indirect_dma source(%dma_start3A_105 : memref<125x64xf32, #tpu.memory_space<vmem>>) target(%dma_start3A_111 : memref<10240x64xf32, #tpu.memory_space<vmem_shared>>) offsets(%dma_start3A_108 : memref<125xi32, #tpu.memory_space<vmem>>) semaphore(%arg15 : memref<!tpu.dma_semaphore, #tpu.memory_space<semaphore_mem>>) {add = true}
    %dma_wait3A_112 = arith.constant 1 : i32
    %dma_wait3A_113 = arith.constant 157 : i32
    %dma_wait3A_114 = arith.constant 0 : i32
    %dma_wait3A_115 = arith.constant 0 : i32
    %dma_wait3A_116 = tpu.memref_slice %arg9[%dma_wait3A_112, %dma_wait3A_114, %dma_wait3A_115] : memref<4x125x64xf32, #tpu.memory_space<vmem>> -> memref<1x125x64xf32, #tpu.memory_space<vmem>>
    %dma_wait3A_117 = tpu.memref_squeeze %dma_wait3A_116 : memref<1x125x64xf32, #tpu.memory_space<vmem>> -> memref<125x64xf32, #tpu.memory_space<vmem>>
    %dma_wait3A_118 = arith.constant 0 : i32
    %dma_wait3A_119 = tpu.memref_slice %arg8[%dma_wait3A_113, %dma_wait3A_118] : memref<160x125xi32, #tpu.memory_space<vmem>> -> memref<1x125xi32, #tpu.memory_space<vmem>>
    %dma_wait3A_120 = tpu.memref_squeeze %dma_wait3A_119 : memref<1x125xi32, #tpu.memory_space<vmem>> -> memref<125xi32, #tpu.memory_space<vmem>>
    %dma_wait3A_121 = arith.constant 0 : i32
    %dma_wait3A_122 = arith.constant 0 : i32
    %dma_wait3A_123 = tpu.memref_slice %arg10[%dma_wait3A_121, %dma_wait3A_122] : memref<10240x64xf32, #tpu.memory_space<vmem_shared>> -> memref<10240x64xf32, #tpu.memory_space<vmem_shared>>
    tpu.wait_indirect_dma semaphore(%arg15 : memref<!tpu.dma_semaphore, #tpu.memory_space<semaphore_mem>>) src(%dma_wait3A_117 : memref<125x64xf32, #tpu.memory_space<vmem>>) dst(%dma_wait3A_123 : memref<10240x64xf32, #tpu.memory_space<vmem_shared>>)
    %dma_wait3A_124 = arith.constant 158 : i32
    %dma_wait3A_125 = arith.constant 2 : i32
    %dma_wait3A_126 = arith.constant 0 : i32
    %dma_wait3A_127 = arith.constant 0 : i32
    %dma_wait3A_128 = tpu.memref_slice %arg9[%dma_wait3A_125, %dma_wait3A_126, %dma_wait3A_127] : memref<4x125x64xf32, #tpu.memory_space<vmem>> -> memref<1x125x64xf32, #tpu.memory_space<vmem>>
    %dma_wait3A_129 = tpu.memref_squeeze %dma_wait3A_128 : memref<1x125x64xf32, #tpu.memory_space<vmem>> -> memref<125x64xf32, #tpu.memory_space<vmem>>
    %dma_wait3A_130 = arith.constant 0 : i32
    %dma_wait3A_131 = tpu.memref_slice %arg7[%dma_wait3A_124, %dma_wait3A_130] : memref<160x125xi32, #tpu.memory_space<vmem>> -> memref<1x125xi32, #tpu.memory_space<vmem>>
    %dma_wait3A_132 = tpu.memref_squeeze %dma_wait3A_131 : memref<1x125xi32, #tpu.memory_space<vmem>> -> memref<125xi32, #tpu.memory_space<vmem>>
    %dma_wait3A_133 = arith.constant 0 : i32
    %dma_wait3A_134 = arith.constant 0 : i32
    %dma_wait3A_135 = tpu.memref_slice %arg2[%dma_wait3A_133, %dma_wait3A_134] : memref<20000x64xf32, #tpu.memory_space<hbm>> -> memref<20000x64xf32, #tpu.memory_space<hbm>>
    tpu.wait_indirect_dma semaphore(%arg13 : memref<!tpu.dma_semaphore, #tpu.memory_space<semaphore_mem>>) src(%dma_wait3A_135 : memref<20000x64xf32, #tpu.memory_space<hbm>>) dst(%dma_wait3A_129 : memref<125x64xf32, #tpu.memory_space<vmem>>)
    %dma_start3A_136 = arith.constant 2 : i32
    %dma_start3A_137 = arith.constant 158 : i32
    %dma_start3A_138 = arith.constant 0 : i32
    %dma_start3A_139 = arith.constant 0 : i32
    %dma_start3A_140 = tpu.memref_slice %arg9[%dma_start3A_136, %dma_start3A_138, %dma_start3A_139] : memref<4x125x64xf32, #tpu.memory_space<vmem>> -> memref<1x125x64xf32, #tpu.memory_space<vmem>>
    %dma_start3A_141 = tpu.memref_squeeze %dma_start3A_140 : memref<1x125x64xf32, #tpu.memory_space<vmem>> -> memref<125x64xf32, #tpu.memory_space<vmem>>
    %dma_start3A_142 = arith.constant 0 : i32
    %dma_start3A_143 = tpu.memref_slice %arg8[%dma_start3A_137, %dma_start3A_142] : memref<160x125xi32, #tpu.memory_space<vmem>> -> memref<1x125xi32, #tpu.memory_space<vmem>>
    %dma_start3A_144 = tpu.memref_squeeze %dma_start3A_143 : memref<1x125xi32, #tpu.memory_space<vmem>> -> memref<125xi32, #tpu.memory_space<vmem>>
    %dma_start3A_145 = arith.constant 0 : i32
    %dma_start3A_146 = arith.constant 0 : i32
    %dma_start3A_147 = tpu.memref_slice %arg10[%dma_start3A_145, %dma_start3A_146] : memref<10240x64xf32, #tpu.memory_space<vmem_shared>> -> memref<10240x64xf32, #tpu.memory_space<vmem_shared>>
    tpu.enqueue_indirect_dma source(%dma_start3A_141 : memref<125x64xf32, #tpu.memory_space<vmem>>) target(%dma_start3A_147 : memref<10240x64xf32, #tpu.memory_space<vmem_shared>>) offsets(%dma_start3A_144 : memref<125xi32, #tpu.memory_space<vmem>>) semaphore(%arg15 : memref<!tpu.dma_semaphore, #tpu.memory_space<semaphore_mem>>) {add = true}
    %dma_wait3A_148 = arith.constant 2 : i32
    %dma_wait3A_149 = arith.constant 158 : i32
    %dma_wait3A_150 = arith.constant 0 : i32
    %dma_wait3A_151 = arith.constant 0 : i32
    %dma_wait3A_152 = tpu.memref_slice %arg9[%dma_wait3A_148, %dma_wait3A_150, %dma_wait3A_151] : memref<4x125x64xf32, #tpu.memory_space<vmem>> -> memref<1x125x64xf32, #tpu.memory_space<vmem>>
    %dma_wait3A_153 = tpu.memref_squeeze %dma_wait3A_152 : memref<1x125x64xf32, #tpu.memory_space<vmem>> -> memref<125x64xf32, #tpu.memory_space<vmem>>
    %dma_wait3A_154 = arith.constant 0 : i32
    %dma_wait3A_155 = tpu.memref_slice %arg8[%dma_wait3A_149, %dma_wait3A_154] : memref<160x125xi32, #tpu.memory_space<vmem>> -> memref<1x125xi32, #tpu.memory_space<vmem>>
    %dma_wait3A_156 = tpu.memref_squeeze %dma_wait3A_155 : memref<1x125xi32, #tpu.memory_space<vmem>> -> memref<125xi32, #tpu.memory_space<vmem>>
    %dma_wait3A_157 = arith.constant 0 : i32
    %dma_wait3A_158 = arith.constant 0 : i32
    %dma_wait3A_159 = tpu.memref_slice %arg10[%dma_wait3A_157, %dma_wait3A_158] : memref<10240x64xf32, #tpu.memory_space<vmem_shared>> -> memref<10240x64xf32, #tpu.memory_space<vmem_shared>>
    tpu.wait_indirect_dma semaphore(%arg15 : memref<!tpu.dma_semaphore, #tpu.memory_space<semaphore_mem>>) src(%dma_wait3A_153 : memref<125x64xf32, #tpu.memory_space<vmem>>) dst(%dma_wait3A_159 : memref<10240x64xf32, #tpu.memory_space<vmem_shared>>)
    %dma_wait3A_160 = arith.constant 159 : i32
    %dma_wait3A_161 = arith.constant 3 : i32
    %dma_wait3A_162 = arith.constant 0 : i32
    %dma_wait3A_163 = arith.constant 0 : i32
    %dma_wait3A_164 = tpu.memref_slice %arg9[%dma_wait3A_161, %dma_wait3A_162, %dma_wait3A_163] : memref<4x125x64xf32, #tpu.memory_space<vmem>> -> memref<1x125x64xf32, #tpu.memory_space<vmem>>
    %dma_wait3A_165 = tpu.memref_squeeze %dma_wait3A_164 : memref<1x125x64xf32, #tpu.memory_space<vmem>> -> memref<125x64xf32, #tpu.memory_space<vmem>>
    %dma_wait3A_166 = arith.constant 0 : i32
    %dma_wait3A_167 = tpu.memref_slice %arg7[%dma_wait3A_160, %dma_wait3A_166] : memref<160x125xi32, #tpu.memory_space<vmem>> -> memref<1x125xi32, #tpu.memory_space<vmem>>
    %dma_wait3A_168 = tpu.memref_squeeze %dma_wait3A_167 : memref<1x125xi32, #tpu.memory_space<vmem>> -> memref<125xi32, #tpu.memory_space<vmem>>
    %dma_wait3A_169 = arith.constant 0 : i32
    %dma_wait3A_170 = arith.constant 0 : i32
    %dma_wait3A_171 = tpu.memref_slice %arg2[%dma_wait3A_169, %dma_wait3A_170] : memref<20000x64xf32, #tpu.memory_space<hbm>> -> memref<20000x64xf32, #tpu.memory_space<hbm>>
    tpu.wait_indirect_dma semaphore(%arg14 : memref<!tpu.dma_semaphore, #tpu.memory_space<semaphore_mem>>) src(%dma_wait3A_171 : memref<20000x64xf32, #tpu.memory_space<hbm>>) dst(%dma_wait3A_165 : memref<125x64xf32, #tpu.memory_space<vmem>>)
    %dma_start3A_172 = arith.constant 3 : i32
    %dma_start3A_173 = arith.constant 159 : i32
    %dma_start3A_174 = arith.constant 0 : i32
    %dma_start3A_175 = arith.constant 0 : i32
    %dma_start3A_176 = tpu.memref_slice %arg9[%dma_start3A_172, %dma_start3A_174, %dma_start3A_175] : memref<4x125x64xf32, #tpu.memory_space<vmem>> -> memref<1x125x64xf32, #tpu.memory_space<vmem>>
    %dma_start3A_177 = tpu.memref_squeeze %dma_start3A_176 : memref<1x125x64xf32, #tpu.memory_space<vmem>> -> memref<125x64xf32, #tpu.memory_space<vmem>>
    %dma_start3A_178 = arith.constant 0 : i32
    %dma_start3A_179 = tpu.memref_slice %arg8[%dma_start3A_173, %dma_start3A_178] : memref<160x125xi32, #tpu.memory_space<vmem>> -> memref<1x125xi32, #tpu.memory_space<vmem>>
    %dma_start3A_180 = tpu.memref_squeeze %dma_start3A_179 : memref<1x125xi32, #tpu.memory_space<vmem>> -> memref<125xi32, #tpu.memory_space<vmem>>
    %dma_start3A_181 = arith.constant 0 : i32
    %dma_start3A_182 = arith.constant 0 : i32
    %dma_start3A_183 = tpu.memref_slice %arg10[%dma_start3A_181, %dma_start3A_182] : memref<10240x64xf32, #tpu.memory_space<vmem_shared>> -> memref<10240x64xf32, #tpu.memory_space<vmem_shared>>
    tpu.enqueue_indirect_dma source(%dma_start3A_177 : memref<125x64xf32, #tpu.memory_space<vmem>>) target(%dma_start3A_183 : memref<10240x64xf32, #tpu.memory_space<vmem_shared>>) offsets(%dma_start3A_180 : memref<125xi32, #tpu.memory_space<vmem>>) semaphore(%arg15 : memref<!tpu.dma_semaphore, #tpu.memory_space<semaphore_mem>>) {add = true}
    %dma_wait3A_184 = arith.constant 3 : i32
    %dma_wait3A_185 = arith.constant 159 : i32
    %dma_wait3A_186 = arith.constant 0 : i32
    %dma_wait3A_187 = arith.constant 0 : i32
    %dma_wait3A_188 = tpu.memref_slice %arg9[%dma_wait3A_184, %dma_wait3A_186, %dma_wait3A_187] : memref<4x125x64xf32, #tpu.memory_space<vmem>> -> memref<1x125x64xf32, #tpu.memory_space<vmem>>
    %dma_wait3A_189 = tpu.memref_squeeze %dma_wait3A_188 : memref<1x125x64xf32, #tpu.memory_space<vmem>> -> memref<125x64xf32, #tpu.memory_space<vmem>>
    %dma_wait3A_190 = arith.constant 0 : i32
    %dma_wait3A_191 = tpu.memref_slice %arg8[%dma_wait3A_185, %dma_wait3A_190] : memref<160x125xi32, #tpu.memory_space<vmem>> -> memref<1x125xi32, #tpu.memory_space<vmem>>
    %dma_wait3A_192 = tpu.memref_squeeze %dma_wait3A_191 : memref<1x125xi32, #tpu.memory_space<vmem>> -> memref<125xi32, #tpu.memory_space<vmem>>
    %dma_wait3A_193 = arith.constant 0 : i32
    %dma_wait3A_194 = arith.constant 0 : i32
    %dma_wait3A_195 = tpu.memref_slice %arg10[%dma_wait3A_193, %dma_wait3A_194] : memref<10240x64xf32, #tpu.memory_space<vmem_shared>> -> memref<10240x64xf32, #tpu.memory_space<vmem_shared>>
    tpu.wait_indirect_dma semaphore(%arg15 : memref<!tpu.dma_semaphore, #tpu.memory_space<semaphore_mem>>) src(%dma_wait3A_189 : memref<125x64xf32, #tpu.memory_space<vmem>>) dst(%dma_wait3A_195 : memref<10240x64xf32, #tpu.memory_space<vmem_shared>>)
    %barrier3A_196 = arith.constant 0 : index
    tpu.barrier barrier_id(%barrier3A_196)
    %mul3A_197 = arith.constant 640 : i32
    %mul3A_198 = arith.muli %arg1, %mul3A_197 : i32
    %mul3A_199 = arith.constant 640 : i32
    %mul3A_200 = arith.muli %arg1, %mul3A_199 : i32
    %mul3A_201 = arith.constant 64 : i32
    %mul3A_202 = arith.muli %arg0, %mul3A_201 : i32
    "tpu.region"() ({
      %run_scoped3A = tpu.sem_alloc : memref<!tpu.dma_semaphore, #tpu.memory_space<semaphore_mem>>
      %dma_start3A_203 = tpu.memref_slice %arg6[%mul3A_200, %mul3A_202] : memref<10240x128xf32, #tpu.memory_space<hbm>> -> memref<640x64xf32, #tpu.memory_space<hbm>>
      %dma_start3A_204 = arith.constant 0 : i32
      %dma_start3A_205 = tpu.memref_slice %arg10[%mul3A_198, %dma_start3A_204] : memref<10240x64xf32, #tpu.memory_space<vmem_shared>> -> memref<640x64xf32, #tpu.memory_space<vmem_shared>>
      tpu.enqueue_dma source(%dma_start3A_205 : memref<640x64xf32, #tpu.memory_space<vmem_shared>>) target(%dma_start3A_203 : memref<640x64xf32, #tpu.memory_space<hbm>>) target_semaphore(%run_scoped3A : memref<!tpu.dma_semaphore, #tpu.memory_space<semaphore_mem>>)
      %dma_wait3A_206 = tpu.memref_slice %arg6[%mul3A_200, %mul3A_202] : memref<10240x128xf32, #tpu.memory_space<hbm>> -> memref<640x64xf32, #tpu.memory_space<hbm>>
      %dma_wait3A_207 = arith.constant 0 : i32
      %dma_wait3A_208 = tpu.memref_slice %arg10[%mul3A_198, %dma_wait3A_207] : memref<10240x64xf32, #tpu.memory_space<vmem_shared>> -> memref<640x64xf32, #tpu.memory_space<vmem_shared>>
      tpu.wait_dma2 semaphore(%run_scoped3A : memref<!tpu.dma_semaphore, #tpu.memory_space<semaphore_mem>>) src(%dma_wait3A_208 : memref<640x64xf32, #tpu.memory_space<vmem_shared>>) dst(%dma_wait3A_206 : memref<640x64xf32, #tpu.memory_space<hbm>>)
      tpu.yield
    }) : () -> ()
    return
  }
}

#map = affine_map<(d0, d1) -> (0, 0)>
#map1 = affine_map<(d0, d1) -> (0, 0, 0, 0)>
#map2 = affine_map<(d0, d1) -> (0, 0, 0)>
module attributes {stable_mosaic.version = 14 : i64} {
  func.func @_sc_spmm_body(%arg0: i32, %arg1: i32, %arg2: memref<20000x64xf32, #tpu.memory_space<hbm>>, %arg3: memref<2x16x160x125xi32, #tpu.memory_space<hbm>>, %arg4: memref<16x160x125xi32, #tpu.memory_space<hbm>>, %arg5: memref<640x64xf32, #tpu.memory_space<hbm>>, %arg6: memref<10240x128xf32, #tpu.memory_space<hbm>>, %arg7: memref<160x125xi32, #tpu.memory_space<vmem>>, %arg8: memref<160x125xi32, #tpu.memory_space<vmem>>, %arg9: memref<4x125x64xf32, #tpu.memory_space<vmem>>, %arg10: memref<10240x64xf32, #tpu.memory_space<vmem_shared>>, %arg11: memref<!tpu.dma_semaphore, #tpu.memory_space<semaphore_mem>>, %arg12: memref<!tpu.dma_semaphore, #tpu.memory_space<semaphore_mem>>, %arg13: memref<!tpu.dma_semaphore, #tpu.memory_space<semaphore_mem>>, %arg14: memref<!tpu.dma_semaphore, #tpu.memory_space<semaphore_mem>>, %arg15: memref<!tpu.dma_semaphore, #tpu.memory_space<semaphore_mem>>) attributes {dimension_semantics = [#tpu.dimension_semantics<core_parallel>, #tpu.dimension_semantics<subcore_parallel>], iteration_bounds = array<i64: 2, 16>, scalar_prefetch = 0 : i64, scratch_operands = 9 : i64, tpu.core_type = #tpu.core_type<sc_vector_subcore>, window_params = [{transform_indices = #map}, {transform_indices = #map1}, {transform_indices = #map2}, {transform_indices = #map}, {transform_indices = #map}]} {
    "tpu.region"() ({
      %run_scoped3A = tpu.sem_alloc : memref<!tpu.dma_semaphore, #tpu.memory_space<semaphore_mem>>
      %dma_start3A_203 = arith.constant 0 : i32
      %dma_start3A_204 = arith.constant 0 : i32
      %dma_start3A_205 = tpu.memref_slice %arg3[%arg0, %arg1, %dma_start3A_203, %dma_start3A_204] : memref<2x16x160x125xi32, #tpu.memory_space<hbm>> -> memref<1x1x160x125xi32, #tpu.memory_space<hbm>>
      %dma_start3A_206 = tpu.memref_squeeze %dma_start3A_205 : memref<1x1x160x125xi32, #tpu.memory_space<hbm>> -> memref<160x125xi32, #tpu.memory_space<hbm>>
      %dma_start3A_207 = arith.constant 0 : i32
      %dma_start3A_208 = arith.constant 0 : i32
      %dma_start3A_209 = tpu.memref_slice %arg3[%arg0, %arg1, %dma_start3A_207, %dma_start3A_208] : memref<2x16x160x125xi32, #tpu.memory_space<hbm>> -> memref<1x1x160x125xi32, #tpu.memory_space<hbm>>
      %dma_start3A_210 = tpu.memref_squeeze %dma_start3A_209 : memref<1x1x160x125xi32, #tpu.memory_space<hbm>> -> memref<160x125xi32, #tpu.memory_space<hbm>>
      tpu.enqueue_dma source(%dma_start3A_210 : memref<160x125xi32, #tpu.memory_space<hbm>>) target(%arg7 : memref<160x125xi32, #tpu.memory_space<vmem>>) target_semaphore(%run_scoped3A : memref<!tpu.dma_semaphore, #tpu.memory_space<semaphore_mem>>)
      %dma_wait3A_211 = arith.constant 0 : i32
      %dma_wait3A_212 = arith.constant 0 : i32
      %dma_wait3A_213 = tpu.memref_slice %arg3[%arg0, %arg1, %dma_wait3A_211, %dma_wait3A_212] : memref<2x16x160x125xi32, #tpu.memory_space<hbm>> -> memref<1x1x160x125xi32, #tpu.memory_space<hbm>>
      %dma_wait3A_214 = tpu.memref_squeeze %dma_wait3A_213 : memref<1x1x160x125xi32, #tpu.memory_space<hbm>> -> memref<160x125xi32, #tpu.memory_space<hbm>>
      %dma_wait3A_215 = arith.constant 0 : i32
      %dma_wait3A_216 = arith.constant 0 : i32
      %dma_wait3A_217 = tpu.memref_slice %arg3[%arg0, %arg1, %dma_wait3A_215, %dma_wait3A_216] : memref<2x16x160x125xi32, #tpu.memory_space<hbm>> -> memref<1x1x160x125xi32, #tpu.memory_space<hbm>>
      %dma_wait3A_218 = tpu.memref_squeeze %dma_wait3A_217 : memref<1x1x160x125xi32, #tpu.memory_space<hbm>> -> memref<160x125xi32, #tpu.memory_space<hbm>>
      tpu.wait_dma2 semaphore(%run_scoped3A : memref<!tpu.dma_semaphore, #tpu.memory_space<semaphore_mem>>) src(%dma_wait3A_218 : memref<160x125xi32, #tpu.memory_space<hbm>>) dst(%arg7 : memref<160x125xi32, #tpu.memory_space<vmem>>)
      tpu.yield
    }) : () -> ()
    "tpu.region"() ({
      %run_scoped3A = tpu.sem_alloc : memref<!tpu.dma_semaphore, #tpu.memory_space<semaphore_mem>>
      %dma_start3A_203 = arith.constant 0 : i32
      %dma_start3A_204 = arith.constant 0 : i32
      %dma_start3A_205 = tpu.memref_slice %arg4[%arg1, %dma_start3A_203, %dma_start3A_204] : memref<16x160x125xi32, #tpu.memory_space<hbm>> -> memref<1x160x125xi32, #tpu.memory_space<hbm>>
      %dma_start3A_206 = tpu.memref_squeeze %dma_start3A_205 : memref<1x160x125xi32, #tpu.memory_space<hbm>> -> memref<160x125xi32, #tpu.memory_space<hbm>>
      %dma_start3A_207 = arith.constant 0 : i32
      %dma_start3A_208 = arith.constant 0 : i32
      %dma_start3A_209 = tpu.memref_slice %arg4[%arg1, %dma_start3A_207, %dma_start3A_208] : memref<16x160x125xi32, #tpu.memory_space<hbm>> -> memref<1x160x125xi32, #tpu.memory_space<hbm>>
      %dma_start3A_210 = tpu.memref_squeeze %dma_start3A_209 : memref<1x160x125xi32, #tpu.memory_space<hbm>> -> memref<160x125xi32, #tpu.memory_space<hbm>>
      tpu.enqueue_dma source(%dma_start3A_210 : memref<160x125xi32, #tpu.memory_space<hbm>>) target(%arg8 : memref<160x125xi32, #tpu.memory_space<vmem>>) target_semaphore(%run_scoped3A : memref<!tpu.dma_semaphore, #tpu.memory_space<semaphore_mem>>)
      %dma_wait3A_211 = arith.constant 0 : i32
      %dma_wait3A_212 = arith.constant 0 : i32
      %dma_wait3A_213 = tpu.memref_slice %arg4[%arg1, %dma_wait3A_211, %dma_wait3A_212] : memref<16x160x125xi32, #tpu.memory_space<hbm>> -> memref<1x160x125xi32, #tpu.memory_space<hbm>>
      %dma_wait3A_214 = tpu.memref_squeeze %dma_wait3A_213 : memref<1x160x125xi32, #tpu.memory_space<hbm>> -> memref<160x125xi32, #tpu.memory_space<hbm>>
      %dma_wait3A_215 = arith.constant 0 : i32
      %dma_wait3A_216 = arith.constant 0 : i32
      %dma_wait3A_217 = tpu.memref_slice %arg4[%arg1, %dma_wait3A_215, %dma_wait3A_216] : memref<16x160x125xi32, #tpu.memory_space<hbm>> -> memref<1x160x125xi32, #tpu.memory_space<hbm>>
      %dma_wait3A_218 = tpu.memref_squeeze %dma_wait3A_217 : memref<1x160x125xi32, #tpu.memory_space<hbm>> -> memref<160x125xi32, #tpu.memory_space<hbm>>
      tpu.wait_dma2 semaphore(%run_scoped3A : memref<!tpu.dma_semaphore, #tpu.memory_space<semaphore_mem>>) src(%dma_wait3A_218 : memref<160x125xi32, #tpu.memory_space<hbm>>) dst(%arg8 : memref<160x125xi32, #tpu.memory_space<vmem>>)
      tpu.yield
    }) : () -> ()
    %mul3A = arith.constant 640 : i32
    %mul3A_0 = arith.muli %arg1, %mul3A : i32
    "tpu.region"() ({
      %run_scoped3A = tpu.sem_alloc : memref<!tpu.dma_semaphore, #tpu.memory_space<semaphore_mem>>
      %dma_start3A_203 = arith.constant 0 : i32
      %dma_start3A_204 = tpu.memref_slice %arg10[%mul3A_0, %dma_start3A_203] : memref<10240x64xf32, #tpu.memory_space<vmem_shared>> -> memref<640x64xf32, #tpu.memory_space<vmem_shared>>
      tpu.enqueue_dma source(%arg5 : memref<640x64xf32, #tpu.memory_space<hbm>>) target(%dma_start3A_204 : memref<640x64xf32, #tpu.memory_space<vmem_shared>>) target_semaphore(%run_scoped3A : memref<!tpu.dma_semaphore, #tpu.memory_space<semaphore_mem>>)
      %dma_wait3A_205 = arith.constant 0 : i32
      %dma_wait3A_206 = tpu.memref_slice %arg10[%mul3A_0, %dma_wait3A_205] : memref<10240x64xf32, #tpu.memory_space<vmem_shared>> -> memref<640x64xf32, #tpu.memory_space<vmem_shared>>
      tpu.wait_dma2 semaphore(%run_scoped3A : memref<!tpu.dma_semaphore, #tpu.memory_space<semaphore_mem>>) src(%arg5 : memref<640x64xf32, #tpu.memory_space<hbm>>) dst(%dma_wait3A_206 : memref<640x64xf32, #tpu.memory_space<vmem_shared>>)
      tpu.yield
    }) : () -> ()
    %barrier3A = arith.constant 0 : index
    tpu.barrier barrier_id(%barrier3A)
    %dma_start3A = arith.constant 0 : i32
    %dma_start3A_1 = arith.constant 0 : i32
    %dma_start3A_2 = arith.constant 0 : i32
    %dma_start3A_3 = arith.constant 0 : i32
    %dma_start3A_4 = tpu.memref_slice %arg9[%dma_start3A_1, %dma_start3A_2, %dma_start3A_3] : memref<4x125x64xf32, #tpu.memory_space<vmem>> -> memref<1x125x64xf32, #tpu.memory_space<vmem>>
    %dma_start3A_5 = tpu.memref_squeeze %dma_start3A_4 : memref<1x125x64xf32, #tpu.memory_space<vmem>> -> memref<125x64xf32, #tpu.memory_space<vmem>>
    %dma_start3A_6 = arith.constant 0 : i32
    %dma_start3A_7 = tpu.memref_slice %arg7[%dma_start3A, %dma_start3A_6] : memref<160x125xi32, #tpu.memory_space<vmem>> -> memref<1x125xi32, #tpu.memory_space<vmem>>
    %dma_start3A_8 = tpu.memref_squeeze %dma_start3A_7 : memref<1x125xi32, #tpu.memory_space<vmem>> -> memref<125xi32, #tpu.memory_space<vmem>>
    %dma_start3A_9 = arith.constant 0 : i32
    %dma_start3A_10 = arith.constant 0 : i32
    %dma_start3A_11 = tpu.memref_slice %arg2[%dma_start3A_9, %dma_start3A_10] : memref<20000x64xf32, #tpu.memory_space<hbm>> -> memref<20000x64xf32, #tpu.memory_space<hbm>>
    tpu.enqueue_indirect_dma source(%dma_start3A_11 : memref<20000x64xf32, #tpu.memory_space<hbm>>) target(%dma_start3A_5 : memref<125x64xf32, #tpu.memory_space<vmem>>) offsets(%dma_start3A_8 : memref<125xi32, #tpu.memory_space<vmem>>) semaphore(%arg11 : memref<!tpu.dma_semaphore, #tpu.memory_space<semaphore_mem>>)
    %dma_start3A_12 = arith.constant 1 : i32
    %dma_start3A_13 = arith.constant 1 : i32
    %dma_start3A_14 = arith.constant 0 : i32
    %dma_start3A_15 = arith.constant 0 : i32
    %dma_start3A_16 = tpu.memref_slice %arg9[%dma_start3A_13, %dma_start3A_14, %dma_start3A_15] : memref<4x125x64xf32, #tpu.memory_space<vmem>> -> memref<1x125x64xf32, #tpu.memory_space<vmem>>
    %dma_start3A_17 = tpu.memref_squeeze %dma_start3A_16 : memref<1x125x64xf32, #tpu.memory_space<vmem>> -> memref<125x64xf32, #tpu.memory_space<vmem>>
    %dma_start3A_18 = arith.constant 0 : i32
    %dma_start3A_19 = tpu.memref_slice %arg7[%dma_start3A_12, %dma_start3A_18] : memref<160x125xi32, #tpu.memory_space<vmem>> -> memref<1x125xi32, #tpu.memory_space<vmem>>
    %dma_start3A_20 = tpu.memref_squeeze %dma_start3A_19 : memref<1x125xi32, #tpu.memory_space<vmem>> -> memref<125xi32, #tpu.memory_space<vmem>>
    %dma_start3A_21 = arith.constant 0 : i32
    %dma_start3A_22 = arith.constant 0 : i32
    %dma_start3A_23 = tpu.memref_slice %arg2[%dma_start3A_21, %dma_start3A_22] : memref<20000x64xf32, #tpu.memory_space<hbm>> -> memref<20000x64xf32, #tpu.memory_space<hbm>>
    tpu.enqueue_indirect_dma source(%dma_start3A_23 : memref<20000x64xf32, #tpu.memory_space<hbm>>) target(%dma_start3A_17 : memref<125x64xf32, #tpu.memory_space<vmem>>) offsets(%dma_start3A_20 : memref<125xi32, #tpu.memory_space<vmem>>) semaphore(%arg12 : memref<!tpu.dma_semaphore, #tpu.memory_space<semaphore_mem>>)
    %dma_start3A_24 = arith.constant 2 : i32
    %dma_start3A_25 = arith.constant 2 : i32
    %dma_start3A_26 = arith.constant 0 : i32
    %dma_start3A_27 = arith.constant 0 : i32
    %dma_start3A_28 = tpu.memref_slice %arg9[%dma_start3A_25, %dma_start3A_26, %dma_start3A_27] : memref<4x125x64xf32, #tpu.memory_space<vmem>> -> memref<1x125x64xf32, #tpu.memory_space<vmem>>
    %dma_start3A_29 = tpu.memref_squeeze %dma_start3A_28 : memref<1x125x64xf32, #tpu.memory_space<vmem>> -> memref<125x64xf32, #tpu.memory_space<vmem>>
    %dma_start3A_30 = arith.constant 0 : i32
    %dma_start3A_31 = tpu.memref_slice %arg7[%dma_start3A_24, %dma_start3A_30] : memref<160x125xi32, #tpu.memory_space<vmem>> -> memref<1x125xi32, #tpu.memory_space<vmem>>
    %dma_start3A_32 = tpu.memref_squeeze %dma_start3A_31 : memref<1x125xi32, #tpu.memory_space<vmem>> -> memref<125xi32, #tpu.memory_space<vmem>>
    %dma_start3A_33 = arith.constant 0 : i32
    %dma_start3A_34 = arith.constant 0 : i32
    %dma_start3A_35 = tpu.memref_slice %arg2[%dma_start3A_33, %dma_start3A_34] : memref<20000x64xf32, #tpu.memory_space<hbm>> -> memref<20000x64xf32, #tpu.memory_space<hbm>>
    tpu.enqueue_indirect_dma source(%dma_start3A_35 : memref<20000x64xf32, #tpu.memory_space<hbm>>) target(%dma_start3A_29 : memref<125x64xf32, #tpu.memory_space<vmem>>) offsets(%dma_start3A_32 : memref<125xi32, #tpu.memory_space<vmem>>) semaphore(%arg13 : memref<!tpu.dma_semaphore, #tpu.memory_space<semaphore_mem>>)
    %scan3A = arith.constant 0 : i32
    %scan3A_36 = arith.constant 0 : i32
    %scan3A_37 = arith.constant 39 : i32
    %scan3A_38 = arith.addi %scan3A_36, %scan3A_37 : i32
    %scan3A_39 = arith.constant 1 : i32
    scf.for %scan3A_203 = %scan3A_36 to %scan3A_38 step %scan3A_39  : i32 {
      %mul3A_204 = arith.constant 4 : i32
      %mul3A_205 = arith.muli %mul3A_204, %scan3A_203 : i32
      %add3A = arith.constant 0 : i32
      %add3A_206 = arith.addi %mul3A_205, %add3A : i32
      %dma_wait3A_207 = arith.constant 0 : i32
      %dma_wait3A_208 = arith.constant 0 : i32
      %dma_wait3A_209 = arith.constant 0 : i32
      %dma_wait3A_210 = tpu.memref_slice %arg9[%dma_wait3A_207, %dma_wait3A_208, %dma_wait3A_209] : memref<4x125x64xf32, #tpu.memory_space<vmem>> -> memref<1x125x64xf32, #tpu.memory_space<vmem>>
      %dma_wait3A_211 = tpu.memref_squeeze %dma_wait3A_210 : memref<1x125x64xf32, #tpu.memory_space<vmem>> -> memref<125x64xf32, #tpu.memory_space<vmem>>
      %dma_wait3A_212 = arith.constant 0 : i32
      %dma_wait3A_213 = tpu.memref_slice %arg7[%add3A_206, %dma_wait3A_212] : memref<160x125xi32, #tpu.memory_space<vmem>> -> memref<1x125xi32, #tpu.memory_space<vmem>>
      %dma_wait3A_214 = tpu.memref_squeeze %dma_wait3A_213 : memref<1x125xi32, #tpu.memory_space<vmem>> -> memref<125xi32, #tpu.memory_space<vmem>>
      %dma_wait3A_215 = arith.constant 0 : i32
      %dma_wait3A_216 = arith.constant 0 : i32
      %dma_wait3A_217 = tpu.memref_slice %arg2[%dma_wait3A_215, %dma_wait3A_216] : memref<20000x64xf32, #tpu.memory_space<hbm>> -> memref<20000x64xf32, #tpu.memory_space<hbm>>
      tpu.wait_indirect_dma semaphore(%arg11 : memref<!tpu.dma_semaphore, #tpu.memory_space<semaphore_mem>>) src(%dma_wait3A_217 : memref<20000x64xf32, #tpu.memory_space<hbm>>) dst(%dma_wait3A_211 : memref<125x64xf32, #tpu.memory_space<vmem>>)
      %dma_start3A_218 = arith.constant 0 : i32
      %dma_start3A_219 = arith.constant 0 : i32
      %dma_start3A_220 = arith.constant 0 : i32
      %dma_start3A_221 = tpu.memref_slice %arg9[%dma_start3A_218, %dma_start3A_219, %dma_start3A_220] : memref<4x125x64xf32, #tpu.memory_space<vmem>> -> memref<1x125x64xf32, #tpu.memory_space<vmem>>
      %dma_start3A_222 = tpu.memref_squeeze %dma_start3A_221 : memref<1x125x64xf32, #tpu.memory_space<vmem>> -> memref<125x64xf32, #tpu.memory_space<vmem>>
      %dma_start3A_223 = arith.constant 0 : i32
      %dma_start3A_224 = tpu.memref_slice %arg8[%add3A_206, %dma_start3A_223] : memref<160x125xi32, #tpu.memory_space<vmem>> -> memref<1x125xi32, #tpu.memory_space<vmem>>
      %dma_start3A_225 = tpu.memref_squeeze %dma_start3A_224 : memref<1x125xi32, #tpu.memory_space<vmem>> -> memref<125xi32, #tpu.memory_space<vmem>>
      %dma_start3A_226 = arith.constant 0 : i32
      %dma_start3A_227 = arith.constant 0 : i32
      %dma_start3A_228 = tpu.memref_slice %arg10[%dma_start3A_226, %dma_start3A_227] : memref<10240x64xf32, #tpu.memory_space<vmem_shared>> -> memref<10240x64xf32, #tpu.memory_space<vmem_shared>>
      tpu.enqueue_indirect_dma source(%dma_start3A_222 : memref<125x64xf32, #tpu.memory_space<vmem>>) target(%dma_start3A_228 : memref<10240x64xf32, #tpu.memory_space<vmem_shared>>) offsets(%dma_start3A_225 : memref<125xi32, #tpu.memory_space<vmem>>) semaphore(%arg15 : memref<!tpu.dma_semaphore, #tpu.memory_space<semaphore_mem>>) {add = true}
      %add3A_229 = arith.constant 3 : i32
      %add3A_230 = arith.addi %add3A_206, %add3A_229 : i32
      %dma_start3A_231 = arith.constant 3 : i32
      %dma_start3A_232 = arith.constant 0 : i32
      %dma_start3A_233 = arith.constant 0 : i32
      %dma_start3A_234 = tpu.memref_slice %arg9[%dma_start3A_231, %dma_start3A_232, %dma_start3A_233] : memref<4x125x64xf32, #tpu.memory_space<vmem>> -> memref<1x125x64xf32, #tpu.memory_space<vmem>>
      %dma_start3A_235 = tpu.memref_squeeze %dma_start3A_234 : memref<1x125x64xf32, #tpu.memory_space<vmem>> -> memref<125x64xf32, #tpu.memory_space<vmem>>
      %dma_start3A_236 = arith.constant 0 : i32
      %dma_start3A_237 = tpu.memref_slice %arg7[%add3A_230, %dma_start3A_236] : memref<160x125xi32, #tpu.memory_space<vmem>> -> memref<1x125xi32, #tpu.memory_space<vmem>>
      %dma_start3A_238 = tpu.memref_squeeze %dma_start3A_237 : memref<1x125xi32, #tpu.memory_space<vmem>> -> memref<125xi32, #tpu.memory_space<vmem>>
      %dma_start3A_239 = arith.constant 0 : i32
      %dma_start3A_240 = arith.constant 0 : i32
      %dma_start3A_241 = tpu.memref_slice %arg2[%dma_start3A_239, %dma_start3A_240] : memref<20000x64xf32, #tpu.memory_space<hbm>> -> memref<20000x64xf32, #tpu.memory_space<hbm>>
      tpu.enqueue_indirect_dma source(%dma_start3A_241 : memref<20000x64xf32, #tpu.memory_space<hbm>>) target(%dma_start3A_235 : memref<125x64xf32, #tpu.memory_space<vmem>>) offsets(%dma_start3A_238 : memref<125xi32, #tpu.memory_space<vmem>>) semaphore(%arg14 : memref<!tpu.dma_semaphore, #tpu.memory_space<semaphore_mem>>)
      %dma_wait3A_242 = arith.constant 0 : i32
      %dma_wait3A_243 = arith.constant 0 : i32
      %dma_wait3A_244 = arith.constant 0 : i32
      %dma_wait3A_245 = tpu.memref_slice %arg9[%dma_wait3A_242, %dma_wait3A_243, %dma_wait3A_244] : memref<4x125x64xf32, #tpu.memory_space<vmem>> -> memref<1x125x64xf32, #tpu.memory_space<vmem>>
      %dma_wait3A_246 = tpu.memref_squeeze %dma_wait3A_245 : memref<1x125x64xf32, #tpu.memory_space<vmem>> -> memref<125x64xf32, #tpu.memory_space<vmem>>
      %dma_wait3A_247 = arith.constant 0 : i32
      %dma_wait3A_248 = tpu.memref_slice %arg8[%add3A_206, %dma_wait3A_247] : memref<160x125xi32, #tpu.memory_space<vmem>> -> memref<1x125xi32, #tpu.memory_space<vmem>>
      %dma_wait3A_249 = tpu.memref_squeeze %dma_wait3A_248 : memref<1x125xi32, #tpu.memory_space<vmem>> -> memref<125xi32, #tpu.memory_space<vmem>>
      %dma_wait3A_250 = arith.constant 0 : i32
      %dma_wait3A_251 = arith.constant 0 : i32
      %dma_wait3A_252 = tpu.memref_slice %arg10[%dma_wait3A_250, %dma_wait3A_251] : memref<10240x64xf32, #tpu.memory_space<vmem_shared>> -> memref<10240x64xf32, #tpu.memory_space<vmem_shared>>
      tpu.wait_indirect_dma semaphore(%arg15 : memref<!tpu.dma_semaphore, #tpu.memory_space<semaphore_mem>>) src(%dma_wait3A_246 : memref<125x64xf32, #tpu.memory_space<vmem>>) dst(%dma_wait3A_252 : memref<10240x64xf32, #tpu.memory_space<vmem_shared>>)
      %mul3A_253 = arith.constant 4 : i32
      %mul3A_254 = arith.muli %mul3A_253, %scan3A_203 : i32
      %add3A_255 = arith.constant 1 : i32
      %add3A_256 = arith.addi %mul3A_254, %add3A_255 : i32
      %dma_wait3A_257 = arith.constant 1 : i32
      %dma_wait3A_258 = arith.constant 0 : i32
      %dma_wait3A_259 = arith.constant 0 : i32
      %dma_wait3A_260 = tpu.memref_slice %arg9[%dma_wait3A_257, %dma_wait3A_258, %dma_wait3A_259] : memref<4x125x64xf32, #tpu.memory_space<vmem>> -> memref<1x125x64xf32, #tpu.memory_space<vmem>>
      %dma_wait3A_261 = tpu.memref_squeeze %dma_wait3A_260 : memref<1x125x64xf32, #tpu.memory_space<vmem>> -> memref<125x64xf32, #tpu.memory_space<vmem>>
      %dma_wait3A_262 = arith.constant 0 : i32
      %dma_wait3A_263 = tpu.memref_slice %arg7[%add3A_256, %dma_wait3A_262] : memref<160x125xi32, #tpu.memory_space<vmem>> -> memref<1x125xi32, #tpu.memory_space<vmem>>
      %dma_wait3A_264 = tpu.memref_squeeze %dma_wait3A_263 : memref<1x125xi32, #tpu.memory_space<vmem>> -> memref<125xi32, #tpu.memory_space<vmem>>
      %dma_wait3A_265 = arith.constant 0 : i32
      %dma_wait3A_266 = arith.constant 0 : i32
      %dma_wait3A_267 = tpu.memref_slice %arg2[%dma_wait3A_265, %dma_wait3A_266] : memref<20000x64xf32, #tpu.memory_space<hbm>> -> memref<20000x64xf32, #tpu.memory_space<hbm>>
      tpu.wait_indirect_dma semaphore(%arg12 : memref<!tpu.dma_semaphore, #tpu.memory_space<semaphore_mem>>) src(%dma_wait3A_267 : memref<20000x64xf32, #tpu.memory_space<hbm>>) dst(%dma_wait3A_261 : memref<125x64xf32, #tpu.memory_space<vmem>>)
      %dma_start3A_268 = arith.constant 1 : i32
      %dma_start3A_269 = arith.constant 0 : i32
      %dma_start3A_270 = arith.constant 0 : i32
      %dma_start3A_271 = tpu.memref_slice %arg9[%dma_start3A_268, %dma_start3A_269, %dma_start3A_270] : memref<4x125x64xf32, #tpu.memory_space<vmem>> -> memref<1x125x64xf32, #tpu.memory_space<vmem>>
      %dma_start3A_272 = tpu.memref_squeeze %dma_start3A_271 : memref<1x125x64xf32, #tpu.memory_space<vmem>> -> memref<125x64xf32, #tpu.memory_space<vmem>>
      %dma_start3A_273 = arith.constant 0 : i32
      %dma_start3A_274 = tpu.memref_slice %arg8[%add3A_256, %dma_start3A_273] : memref<160x125xi32, #tpu.memory_space<vmem>> -> memref<1x125xi32, #tpu.memory_space<vmem>>
      %dma_start3A_275 = tpu.memref_squeeze %dma_start3A_274 : memref<1x125xi32, #tpu.memory_space<vmem>> -> memref<125xi32, #tpu.memory_space<vmem>>
      %dma_start3A_276 = arith.constant 0 : i32
      %dma_start3A_277 = arith.constant 0 : i32
      %dma_start3A_278 = tpu.memref_slice %arg10[%dma_start3A_276, %dma_start3A_277] : memref<10240x64xf32, #tpu.memory_space<vmem_shared>> -> memref<10240x64xf32, #tpu.memory_space<vmem_shared>>
      tpu.enqueue_indirect_dma source(%dma_start3A_272 : memref<125x64xf32, #tpu.memory_space<vmem>>) target(%dma_start3A_278 : memref<10240x64xf32, #tpu.memory_space<vmem_shared>>) offsets(%dma_start3A_275 : memref<125xi32, #tpu.memory_space<vmem>>) semaphore(%arg15 : memref<!tpu.dma_semaphore, #tpu.memory_space<semaphore_mem>>) {add = true}
      %add3A_279 = arith.constant 3 : i32
      %add3A_280 = arith.addi %add3A_256, %add3A_279 : i32
      %dma_start3A_281 = arith.constant 0 : i32
      %dma_start3A_282 = arith.constant 0 : i32
      %dma_start3A_283 = arith.constant 0 : i32
      %dma_start3A_284 = tpu.memref_slice %arg9[%dma_start3A_281, %dma_start3A_282, %dma_start3A_283] : memref<4x125x64xf32, #tpu.memory_space<vmem>> -> memref<1x125x64xf32, #tpu.memory_space<vmem>>
      %dma_start3A_285 = tpu.memref_squeeze %dma_start3A_284 : memref<1x125x64xf32, #tpu.memory_space<vmem>> -> memref<125x64xf32, #tpu.memory_space<vmem>>
      %dma_start3A_286 = arith.constant 0 : i32
      %dma_start3A_287 = tpu.memref_slice %arg7[%add3A_280, %dma_start3A_286] : memref<160x125xi32, #tpu.memory_space<vmem>> -> memref<1x125xi32, #tpu.memory_space<vmem>>
      %dma_start3A_288 = tpu.memref_squeeze %dma_start3A_287 : memref<1x125xi32, #tpu.memory_space<vmem>> -> memref<125xi32, #tpu.memory_space<vmem>>
      %dma_start3A_289 = arith.constant 0 : i32
      %dma_start3A_290 = arith.constant 0 : i32
      %dma_start3A_291 = tpu.memref_slice %arg2[%dma_start3A_289, %dma_start3A_290] : memref<20000x64xf32, #tpu.memory_space<hbm>> -> memref<20000x64xf32, #tpu.memory_space<hbm>>
      tpu.enqueue_indirect_dma source(%dma_start3A_291 : memref<20000x64xf32, #tpu.memory_space<hbm>>) target(%dma_start3A_285 : memref<125x64xf32, #tpu.memory_space<vmem>>) offsets(%dma_start3A_288 : memref<125xi32, #tpu.memory_space<vmem>>) semaphore(%arg11 : memref<!tpu.dma_semaphore, #tpu.memory_space<semaphore_mem>>)
      %dma_wait3A_292 = arith.constant 1 : i32
      %dma_wait3A_293 = arith.constant 0 : i32
      %dma_wait3A_294 = arith.constant 0 : i32
      %dma_wait3A_295 = tpu.memref_slice %arg9[%dma_wait3A_292, %dma_wait3A_293, %dma_wait3A_294] : memref<4x125x64xf32, #tpu.memory_space<vmem>> -> memref<1x125x64xf32, #tpu.memory_space<vmem>>
      %dma_wait3A_296 = tpu.memref_squeeze %dma_wait3A_295 : memref<1x125x64xf32, #tpu.memory_space<vmem>> -> memref<125x64xf32, #tpu.memory_space<vmem>>
      %dma_wait3A_297 = arith.constant 0 : i32
      %dma_wait3A_298 = tpu.memref_slice %arg8[%add3A_256, %dma_wait3A_297] : memref<160x125xi32, #tpu.memory_space<vmem>> -> memref<1x125xi32, #tpu.memory_space<vmem>>
      %dma_wait3A_299 = tpu.memref_squeeze %dma_wait3A_298 : memref<1x125xi32, #tpu.memory_space<vmem>> -> memref<125xi32, #tpu.memory_space<vmem>>
      %dma_wait3A_300 = arith.constant 0 : i32
      %dma_wait3A_301 = arith.constant 0 : i32
      %dma_wait3A_302 = tpu.memref_slice %arg10[%dma_wait3A_300, %dma_wait3A_301] : memref<10240x64xf32, #tpu.memory_space<vmem_shared>> -> memref<10240x64xf32, #tpu.memory_space<vmem_shared>>
      tpu.wait_indirect_dma semaphore(%arg15 : memref<!tpu.dma_semaphore, #tpu.memory_space<semaphore_mem>>) src(%dma_wait3A_296 : memref<125x64xf32, #tpu.memory_space<vmem>>) dst(%dma_wait3A_302 : memref<10240x64xf32, #tpu.memory_space<vmem_shared>>)
      %mul3A_303 = arith.constant 4 : i32
      %mul3A_304 = arith.muli %mul3A_303, %scan3A_203 : i32
      %add3A_305 = arith.constant 2 : i32
      %add3A_306 = arith.addi %mul3A_304, %add3A_305 : i32
      %dma_wait3A_307 = arith.constant 2 : i32
      %dma_wait3A_308 = arith.constant 0 : i32
      %dma_wait3A_309 = arith.constant 0 : i32
      %dma_wait3A_310 = tpu.memref_slice %arg9[%dma_wait3A_307, %dma_wait3A_308, %dma_wait3A_309] : memref<4x125x64xf32, #tpu.memory_space<vmem>> -> memref<1x125x64xf32, #tpu.memory_space<vmem>>
      %dma_wait3A_311 = tpu.memref_squeeze %dma_wait3A_310 : memref<1x125x64xf32, #tpu.memory_space<vmem>> -> memref<125x64xf32, #tpu.memory_space<vmem>>
      %dma_wait3A_312 = arith.constant 0 : i32
      %dma_wait3A_313 = tpu.memref_slice %arg7[%add3A_306, %dma_wait3A_312] : memref<160x125xi32, #tpu.memory_space<vmem>> -> memref<1x125xi32, #tpu.memory_space<vmem>>
      %dma_wait3A_314 = tpu.memref_squeeze %dma_wait3A_313 : memref<1x125xi32, #tpu.memory_space<vmem>> -> memref<125xi32, #tpu.memory_space<vmem>>
      %dma_wait3A_315 = arith.constant 0 : i32
      %dma_wait3A_316 = arith.constant 0 : i32
      %dma_wait3A_317 = tpu.memref_slice %arg2[%dma_wait3A_315, %dma_wait3A_316] : memref<20000x64xf32, #tpu.memory_space<hbm>> -> memref<20000x64xf32, #tpu.memory_space<hbm>>
      tpu.wait_indirect_dma semaphore(%arg13 : memref<!tpu.dma_semaphore, #tpu.memory_space<semaphore_mem>>) src(%dma_wait3A_317 : memref<20000x64xf32, #tpu.memory_space<hbm>>) dst(%dma_wait3A_311 : memref<125x64xf32, #tpu.memory_space<vmem>>)
      %dma_start3A_318 = arith.constant 2 : i32
      %dma_start3A_319 = arith.constant 0 : i32
      %dma_start3A_320 = arith.constant 0 : i32
      %dma_start3A_321 = tpu.memref_slice %arg9[%dma_start3A_318, %dma_start3A_319, %dma_start3A_320] : memref<4x125x64xf32, #tpu.memory_space<vmem>> -> memref<1x125x64xf32, #tpu.memory_space<vmem>>
      %dma_start3A_322 = tpu.memref_squeeze %dma_start3A_321 : memref<1x125x64xf32, #tpu.memory_space<vmem>> -> memref<125x64xf32, #tpu.memory_space<vmem>>
      %dma_start3A_323 = arith.constant 0 : i32
      %dma_start3A_324 = tpu.memref_slice %arg8[%add3A_306, %dma_start3A_323] : memref<160x125xi32, #tpu.memory_space<vmem>> -> memref<1x125xi32, #tpu.memory_space<vmem>>
      %dma_start3A_325 = tpu.memref_squeeze %dma_start3A_324 : memref<1x125xi32, #tpu.memory_space<vmem>> -> memref<125xi32, #tpu.memory_space<vmem>>
      %dma_start3A_326 = arith.constant 0 : i32
      %dma_start3A_327 = arith.constant 0 : i32
      %dma_start3A_328 = tpu.memref_slice %arg10[%dma_start3A_326, %dma_start3A_327] : memref<10240x64xf32, #tpu.memory_space<vmem_shared>> -> memref<10240x64xf32, #tpu.memory_space<vmem_shared>>
      tpu.enqueue_indirect_dma source(%dma_start3A_322 : memref<125x64xf32, #tpu.memory_space<vmem>>) target(%dma_start3A_328 : memref<10240x64xf32, #tpu.memory_space<vmem_shared>>) offsets(%dma_start3A_325 : memref<125xi32, #tpu.memory_space<vmem>>) semaphore(%arg15 : memref<!tpu.dma_semaphore, #tpu.memory_space<semaphore_mem>>) {add = true}
      %add3A_329 = arith.constant 3 : i32
      %add3A_330 = arith.addi %add3A_306, %add3A_329 : i32
      %dma_start3A_331 = arith.constant 1 : i32
      %dma_start3A_332 = arith.constant 0 : i32
      %dma_start3A_333 = arith.constant 0 : i32
      %dma_start3A_334 = tpu.memref_slice %arg9[%dma_start3A_331, %dma_start3A_332, %dma_start3A_333] : memref<4x125x64xf32, #tpu.memory_space<vmem>> -> memref<1x125x64xf32, #tpu.memory_space<vmem>>
      %dma_start3A_335 = tpu.memref_squeeze %dma_start3A_334 : memref<1x125x64xf32, #tpu.memory_space<vmem>> -> memref<125x64xf32, #tpu.memory_space<vmem>>
      %dma_start3A_336 = arith.constant 0 : i32
      %dma_start3A_337 = tpu.memref_slice %arg7[%add3A_330, %dma_start3A_336] : memref<160x125xi32, #tpu.memory_space<vmem>> -> memref<1x125xi32, #tpu.memory_space<vmem>>
      %dma_start3A_338 = tpu.memref_squeeze %dma_start3A_337 : memref<1x125xi32, #tpu.memory_space<vmem>> -> memref<125xi32, #tpu.memory_space<vmem>>
      %dma_start3A_339 = arith.constant 0 : i32
      %dma_start3A_340 = arith.constant 0 : i32
      %dma_start3A_341 = tpu.memref_slice %arg2[%dma_start3A_339, %dma_start3A_340] : memref<20000x64xf32, #tpu.memory_space<hbm>> -> memref<20000x64xf32, #tpu.memory_space<hbm>>
      tpu.enqueue_indirect_dma source(%dma_start3A_341 : memref<20000x64xf32, #tpu.memory_space<hbm>>) target(%dma_start3A_335 : memref<125x64xf32, #tpu.memory_space<vmem>>) offsets(%dma_start3A_338 : memref<125xi32, #tpu.memory_space<vmem>>) semaphore(%arg12 : memref<!tpu.dma_semaphore, #tpu.memory_space<semaphore_mem>>)
      %dma_wait3A_342 = arith.constant 2 : i32
      %dma_wait3A_343 = arith.constant 0 : i32
      %dma_wait3A_344 = arith.constant 0 : i32
      %dma_wait3A_345 = tpu.memref_slice %arg9[%dma_wait3A_342, %dma_wait3A_343, %dma_wait3A_344] : memref<4x125x64xf32, #tpu.memory_space<vmem>> -> memref<1x125x64xf32, #tpu.memory_space<vmem>>
      %dma_wait3A_346 = tpu.memref_squeeze %dma_wait3A_345 : memref<1x125x64xf32, #tpu.memory_space<vmem>> -> memref<125x64xf32, #tpu.memory_space<vmem>>
      %dma_wait3A_347 = arith.constant 0 : i32
      %dma_wait3A_348 = tpu.memref_slice %arg8[%add3A_306, %dma_wait3A_347] : memref<160x125xi32, #tpu.memory_space<vmem>> -> memref<1x125xi32, #tpu.memory_space<vmem>>
      %dma_wait3A_349 = tpu.memref_squeeze %dma_wait3A_348 : memref<1x125xi32, #tpu.memory_space<vmem>> -> memref<125xi32, #tpu.memory_space<vmem>>
      %dma_wait3A_350 = arith.constant 0 : i32
      %dma_wait3A_351 = arith.constant 0 : i32
      %dma_wait3A_352 = tpu.memref_slice %arg10[%dma_wait3A_350, %dma_wait3A_351] : memref<10240x64xf32, #tpu.memory_space<vmem_shared>> -> memref<10240x64xf32, #tpu.memory_space<vmem_shared>>
      tpu.wait_indirect_dma semaphore(%arg15 : memref<!tpu.dma_semaphore, #tpu.memory_space<semaphore_mem>>) src(%dma_wait3A_346 : memref<125x64xf32, #tpu.memory_space<vmem>>) dst(%dma_wait3A_352 : memref<10240x64xf32, #tpu.memory_space<vmem_shared>>)
      %mul3A_353 = arith.constant 4 : i32
      %mul3A_354 = arith.muli %mul3A_353, %scan3A_203 : i32
      %add3A_355 = arith.constant 3 : i32
      %add3A_356 = arith.addi %mul3A_354, %add3A_355 : i32
      %dma_wait3A_357 = arith.constant 3 : i32
      %dma_wait3A_358 = arith.constant 0 : i32
      %dma_wait3A_359 = arith.constant 0 : i32
      %dma_wait3A_360 = tpu.memref_slice %arg9[%dma_wait3A_357, %dma_wait3A_358, %dma_wait3A_359] : memref<4x125x64xf32, #tpu.memory_space<vmem>> -> memref<1x125x64xf32, #tpu.memory_space<vmem>>
      %dma_wait3A_361 = tpu.memref_squeeze %dma_wait3A_360 : memref<1x125x64xf32, #tpu.memory_space<vmem>> -> memref<125x64xf32, #tpu.memory_space<vmem>>
      %dma_wait3A_362 = arith.constant 0 : i32
      %dma_wait3A_363 = tpu.memref_slice %arg7[%add3A_356, %dma_wait3A_362] : memref<160x125xi32, #tpu.memory_space<vmem>> -> memref<1x125xi32, #tpu.memory_space<vmem>>
      %dma_wait3A_364 = tpu.memref_squeeze %dma_wait3A_363 : memref<1x125xi32, #tpu.memory_space<vmem>> -> memref<125xi32, #tpu.memory_space<vmem>>
      %dma_wait3A_365 = arith.constant 0 : i32
      %dma_wait3A_366 = arith.constant 0 : i32
      %dma_wait3A_367 = tpu.memref_slice %arg2[%dma_wait3A_365, %dma_wait3A_366] : memref<20000x64xf32, #tpu.memory_space<hbm>> -> memref<20000x64xf32, #tpu.memory_space<hbm>>
      tpu.wait_indirect_dma semaphore(%arg14 : memref<!tpu.dma_semaphore, #tpu.memory_space<semaphore_mem>>) src(%dma_wait3A_367 : memref<20000x64xf32, #tpu.memory_space<hbm>>) dst(%dma_wait3A_361 : memref<125x64xf32, #tpu.memory_space<vmem>>)
      %dma_start3A_368 = arith.constant 3 : i32
      %dma_start3A_369 = arith.constant 0 : i32
      %dma_start3A_370 = arith.constant 0 : i32
      %dma_start3A_371 = tpu.memref_slice %arg9[%dma_start3A_368, %dma_start3A_369, %dma_start3A_370] : memref<4x125x64xf32, #tpu.memory_space<vmem>> -> memref<1x125x64xf32, #tpu.memory_space<vmem>>
      %dma_start3A_372 = tpu.memref_squeeze %dma_start3A_371 : memref<1x125x64xf32, #tpu.memory_space<vmem>> -> memref<125x64xf32, #tpu.memory_space<vmem>>
      %dma_start3A_373 = arith.constant 0 : i32
      %dma_start3A_374 = tpu.memref_slice %arg8[%add3A_356, %dma_start3A_373] : memref<160x125xi32, #tpu.memory_space<vmem>> -> memref<1x125xi32, #tpu.memory_space<vmem>>
      %dma_start3A_375 = tpu.memref_squeeze %dma_start3A_374 : memref<1x125xi32, #tpu.memory_space<vmem>> -> memref<125xi32, #tpu.memory_space<vmem>>
      %dma_start3A_376 = arith.constant 0 : i32
      %dma_start3A_377 = arith.constant 0 : i32
      %dma_start3A_378 = tpu.memref_slice %arg10[%dma_start3A_376, %dma_start3A_377] : memref<10240x64xf32, #tpu.memory_space<vmem_shared>> -> memref<10240x64xf32, #tpu.memory_space<vmem_shared>>
      tpu.enqueue_indirect_dma source(%dma_start3A_372 : memref<125x64xf32, #tpu.memory_space<vmem>>) target(%dma_start3A_378 : memref<10240x64xf32, #tpu.memory_space<vmem_shared>>) offsets(%dma_start3A_375 : memref<125xi32, #tpu.memory_space<vmem>>) semaphore(%arg15 : memref<!tpu.dma_semaphore, #tpu.memory_space<semaphore_mem>>) {add = true}
      %add3A_379 = arith.constant 3 : i32
      %add3A_380 = arith.addi %add3A_356, %add3A_379 : i32
      %dma_start3A_381 = arith.constant 2 : i32
      %dma_start3A_382 = arith.constant 0 : i32
      %dma_start3A_383 = arith.constant 0 : i32
      %dma_start3A_384 = tpu.memref_slice %arg9[%dma_start3A_381, %dma_start3A_382, %dma_start3A_383] : memref<4x125x64xf32, #tpu.memory_space<vmem>> -> memref<1x125x64xf32, #tpu.memory_space<vmem>>
      %dma_start3A_385 = tpu.memref_squeeze %dma_start3A_384 : memref<1x125x64xf32, #tpu.memory_space<vmem>> -> memref<125x64xf32, #tpu.memory_space<vmem>>
      %dma_start3A_386 = arith.constant 0 : i32
      %dma_start3A_387 = tpu.memref_slice %arg7[%add3A_380, %dma_start3A_386] : memref<160x125xi32, #tpu.memory_space<vmem>> -> memref<1x125xi32, #tpu.memory_space<vmem>>
      %dma_start3A_388 = tpu.memref_squeeze %dma_start3A_387 : memref<1x125xi32, #tpu.memory_space<vmem>> -> memref<125xi32, #tpu.memory_space<vmem>>
      %dma_start3A_389 = arith.constant 0 : i32
      %dma_start3A_390 = arith.constant 0 : i32
      %dma_start3A_391 = tpu.memref_slice %arg2[%dma_start3A_389, %dma_start3A_390] : memref<20000x64xf32, #tpu.memory_space<hbm>> -> memref<20000x64xf32, #tpu.memory_space<hbm>>
      tpu.enqueue_indirect_dma source(%dma_start3A_391 : memref<20000x64xf32, #tpu.memory_space<hbm>>) target(%dma_start3A_385 : memref<125x64xf32, #tpu.memory_space<vmem>>) offsets(%dma_start3A_388 : memref<125xi32, #tpu.memory_space<vmem>>) semaphore(%arg13 : memref<!tpu.dma_semaphore, #tpu.memory_space<semaphore_mem>>)
      %dma_wait3A_392 = arith.constant 3 : i32
      %dma_wait3A_393 = arith.constant 0 : i32
      %dma_wait3A_394 = arith.constant 0 : i32
      %dma_wait3A_395 = tpu.memref_slice %arg9[%dma_wait3A_392, %dma_wait3A_393, %dma_wait3A_394] : memref<4x125x64xf32, #tpu.memory_space<vmem>> -> memref<1x125x64xf32, #tpu.memory_space<vmem>>
      %dma_wait3A_396 = tpu.memref_squeeze %dma_wait3A_395 : memref<1x125x64xf32, #tpu.memory_space<vmem>> -> memref<125x64xf32, #tpu.memory_space<vmem>>
      %dma_wait3A_397 = arith.constant 0 : i32
      %dma_wait3A_398 = tpu.memref_slice %arg8[%add3A_356, %dma_wait3A_397] : memref<160x125xi32, #tpu.memory_space<vmem>> -> memref<1x125xi32, #tpu.memory_space<vmem>>
      %dma_wait3A_399 = tpu.memref_squeeze %dma_wait3A_398 : memref<1x125xi32, #tpu.memory_space<vmem>> -> memref<125xi32, #tpu.memory_space<vmem>>
      %dma_wait3A_400 = arith.constant 0 : i32
      %dma_wait3A_401 = arith.constant 0 : i32
      %dma_wait3A_402 = tpu.memref_slice %arg10[%dma_wait3A_400, %dma_wait3A_401] : memref<10240x64xf32, #tpu.memory_space<vmem_shared>> -> memref<10240x64xf32, #tpu.memory_space<vmem_shared>>
      tpu.wait_indirect_dma semaphore(%arg15 : memref<!tpu.dma_semaphore, #tpu.memory_space<semaphore_mem>>) src(%dma_wait3A_396 : memref<125x64xf32, #tpu.memory_space<vmem>>) dst(%dma_wait3A_402 : memref<10240x64xf32, #tpu.memory_space<vmem_shared>>)
    }
    %scan3A_40 = arith.constant 39 : i32
    %dma_wait3A = arith.constant 156 : i32
    %dma_wait3A_41 = arith.constant 0 : i32
    %dma_wait3A_42 = arith.constant 0 : i32
    %dma_wait3A_43 = arith.constant 0 : i32
    %dma_wait3A_44 = tpu.memref_slice %arg9[%dma_wait3A_41, %dma_wait3A_42, %dma_wait3A_43] : memref<4x125x64xf32, #tpu.memory_space<vmem>> -> memref<1x125x64xf32, #tpu.memory_space<vmem>>
    %dma_wait3A_45 = tpu.memref_squeeze %dma_wait3A_44 : memref<1x125x64xf32, #tpu.memory_space<vmem>> -> memref<125x64xf32, #tpu.memory_space<vmem>>
    %dma_wait3A_46 = arith.constant 0 : i32
    %dma_wait3A_47 = tpu.memref_slice %arg7[%dma_wait3A, %dma_wait3A_46] : memref<160x125xi32, #tpu.memory_space<vmem>> -> memref<1x125xi32, #tpu.memory_space<vmem>>
    %dma_wait3A_48 = tpu.memref_squeeze %dma_wait3A_47 : memref<1x125xi32, #tpu.memory_space<vmem>> -> memref<125xi32, #tpu.memory_space<vmem>>
    %dma_wait3A_49 = arith.constant 0 : i32
    %dma_wait3A_50 = arith.constant 0 : i32
    %dma_wait3A_51 = tpu.memref_slice %arg2[%dma_wait3A_49, %dma_wait3A_50] : memref<20000x64xf32, #tpu.memory_space<hbm>> -> memref<20000x64xf32, #tpu.memory_space<hbm>>
    tpu.wait_indirect_dma semaphore(%arg11 : memref<!tpu.dma_semaphore, #tpu.memory_space<semaphore_mem>>) src(%dma_wait3A_51 : memref<20000x64xf32, #tpu.memory_space<hbm>>) dst(%dma_wait3A_45 : memref<125x64xf32, #tpu.memory_space<vmem>>)
    %dma_start3A_52 = arith.constant 0 : i32
    %dma_start3A_53 = arith.constant 156 : i32
    %dma_start3A_54 = arith.constant 0 : i32
    %dma_start3A_55 = arith.constant 0 : i32
    %dma_start3A_56 = tpu.memref_slice %arg9[%dma_start3A_52, %dma_start3A_54, %dma_start3A_55] : memref<4x125x64xf32, #tpu.memory_space<vmem>> -> memref<1x125x64xf32, #tpu.memory_space<vmem>>
    %dma_start3A_57 = tpu.memref_squeeze %dma_start3A_56 : memref<1x125x64xf32, #tpu.memory_space<vmem>> -> memref<125x64xf32, #tpu.memory_space<vmem>>
    %dma_start3A_58 = arith.constant 0 : i32
    %dma_start3A_59 = tpu.memref_slice %arg8[%dma_start3A_53, %dma_start3A_58] : memref<160x125xi32, #tpu.memory_space<vmem>> -> memref<1x125xi32, #tpu.memory_space<vmem>>
    %dma_start3A_60 = tpu.memref_squeeze %dma_start3A_59 : memref<1x125xi32, #tpu.memory_space<vmem>> -> memref<125xi32, #tpu.memory_space<vmem>>
    %dma_start3A_61 = arith.constant 0 : i32
    %dma_start3A_62 = arith.constant 0 : i32
    %dma_start3A_63 = tpu.memref_slice %arg10[%dma_start3A_61, %dma_start3A_62] : memref<10240x64xf32, #tpu.memory_space<vmem_shared>> -> memref<10240x64xf32, #tpu.memory_space<vmem_shared>>
    tpu.enqueue_indirect_dma source(%dma_start3A_57 : memref<125x64xf32, #tpu.memory_space<vmem>>) target(%dma_start3A_63 : memref<10240x64xf32, #tpu.memory_space<vmem_shared>>) offsets(%dma_start3A_60 : memref<125xi32, #tpu.memory_space<vmem>>) semaphore(%arg15 : memref<!tpu.dma_semaphore, #tpu.memory_space<semaphore_mem>>) {add = true}
    %dma_start3A_64 = arith.constant 159 : i32
    %dma_start3A_65 = arith.constant 3 : i32
    %dma_start3A_66 = arith.constant 0 : i32
    %dma_start3A_67 = arith.constant 0 : i32
    %dma_start3A_68 = tpu.memref_slice %arg9[%dma_start3A_65, %dma_start3A_66, %dma_start3A_67] : memref<4x125x64xf32, #tpu.memory_space<vmem>> -> memref<1x125x64xf32, #tpu.memory_space<vmem>>
    %dma_start3A_69 = tpu.memref_squeeze %dma_start3A_68 : memref<1x125x64xf32, #tpu.memory_space<vmem>> -> memref<125x64xf32, #tpu.memory_space<vmem>>
    %dma_start3A_70 = arith.constant 0 : i32
    %dma_start3A_71 = tpu.memref_slice %arg7[%dma_start3A_64, %dma_start3A_70] : memref<160x125xi32, #tpu.memory_space<vmem>> -> memref<1x125xi32, #tpu.memory_space<vmem>>
    %dma_start3A_72 = tpu.memref_squeeze %dma_start3A_71 : memref<1x125xi32, #tpu.memory_space<vmem>> -> memref<125xi32, #tpu.memory_space<vmem>>
    %dma_start3A_73 = arith.constant 0 : i32
    %dma_start3A_74 = arith.constant 0 : i32
    %dma_start3A_75 = tpu.memref_slice %arg2[%dma_start3A_73, %dma_start3A_74] : memref<20000x64xf32, #tpu.memory_space<hbm>> -> memref<20000x64xf32, #tpu.memory_space<hbm>>
    tpu.enqueue_indirect_dma source(%dma_start3A_75 : memref<20000x64xf32, #tpu.memory_space<hbm>>) target(%dma_start3A_69 : memref<125x64xf32, #tpu.memory_space<vmem>>) offsets(%dma_start3A_72 : memref<125xi32, #tpu.memory_space<vmem>>) semaphore(%arg14 : memref<!tpu.dma_semaphore, #tpu.memory_space<semaphore_mem>>)
    %dma_wait3A_76 = arith.constant 0 : i32
    %dma_wait3A_77 = arith.constant 156 : i32
    %dma_wait3A_78 = arith.constant 0 : i32
    %dma_wait3A_79 = arith.constant 0 : i32
    %dma_wait3A_80 = tpu.memref_slice %arg9[%dma_wait3A_76, %dma_wait3A_78, %dma_wait3A_79] : memref<4x125x64xf32, #tpu.memory_space<vmem>> -> memref<1x125x64xf32, #tpu.memory_space<vmem>>
    %dma_wait3A_81 = tpu.memref_squeeze %dma_wait3A_80 : memref<1x125x64xf32, #tpu.memory_space<vmem>> -> memref<125x64xf32, #tpu.memory_space<vmem>>
    %dma_wait3A_82 = arith.constant 0 : i32
    %dma_wait3A_83 = tpu.memref_slice %arg8[%dma_wait3A_77, %dma_wait3A_82] : memref<160x125xi32, #tpu.memory_space<vmem>> -> memref<1x125xi32, #tpu.memory_space<vmem>>
    %dma_wait3A_84 = tpu.memref_squeeze %dma_wait3A_83 : memref<1x125xi32, #tpu.memory_space<vmem>> -> memref<125xi32, #tpu.memory_space<vmem>>
    %dma_wait3A_85 = arith.constant 0 : i32
    %dma_wait3A_86 = arith.constant 0 : i32
    %dma_wait3A_87 = tpu.memref_slice %arg10[%dma_wait3A_85, %dma_wait3A_86] : memref<10240x64xf32, #tpu.memory_space<vmem_shared>> -> memref<10240x64xf32, #tpu.memory_space<vmem_shared>>
    tpu.wait_indirect_dma semaphore(%arg15 : memref<!tpu.dma_semaphore, #tpu.memory_space<semaphore_mem>>) src(%dma_wait3A_81 : memref<125x64xf32, #tpu.memory_space<vmem>>) dst(%dma_wait3A_87 : memref<10240x64xf32, #tpu.memory_space<vmem_shared>>)
    %dma_wait3A_88 = arith.constant 157 : i32
    %dma_wait3A_89 = arith.constant 1 : i32
    %dma_wait3A_90 = arith.constant 0 : i32
    %dma_wait3A_91 = arith.constant 0 : i32
    %dma_wait3A_92 = tpu.memref_slice %arg9[%dma_wait3A_89, %dma_wait3A_90, %dma_wait3A_91] : memref<4x125x64xf32, #tpu.memory_space<vmem>> -> memref<1x125x64xf32, #tpu.memory_space<vmem>>
    %dma_wait3A_93 = tpu.memref_squeeze %dma_wait3A_92 : memref<1x125x64xf32, #tpu.memory_space<vmem>> -> memref<125x64xf32, #tpu.memory_space<vmem>>
    %dma_wait3A_94 = arith.constant 0 : i32
    %dma_wait3A_95 = tpu.memref_slice %arg7[%dma_wait3A_88, %dma_wait3A_94] : memref<160x125xi32, #tpu.memory_space<vmem>> -> memref<1x125xi32, #tpu.memory_space<vmem>>
    %dma_wait3A_96 = tpu.memref_squeeze %dma_wait3A_95 : memref<1x125xi32, #tpu.memory_space<vmem>> -> memref<125xi32, #tpu.memory_space<vmem>>
    %dma_wait3A_97 = arith.constant 0 : i32
    %dma_wait3A_98 = arith.constant 0 : i32
    %dma_wait3A_99 = tpu.memref_slice %arg2[%dma_wait3A_97, %dma_wait3A_98] : memref<20000x64xf32, #tpu.memory_space<hbm>> -> memref<20000x64xf32, #tpu.memory_space<hbm>>
    tpu.wait_indirect_dma semaphore(%arg12 : memref<!tpu.dma_semaphore, #tpu.memory_space<semaphore_mem>>) src(%dma_wait3A_99 : memref<20000x64xf32, #tpu.memory_space<hbm>>) dst(%dma_wait3A_93 : memref<125x64xf32, #tpu.memory_space<vmem>>)
    %dma_start3A_100 = arith.constant 1 : i32
    %dma_start3A_101 = arith.constant 157 : i32
    %dma_start3A_102 = arith.constant 0 : i32
    %dma_start3A_103 = arith.constant 0 : i32
    %dma_start3A_104 = tpu.memref_slice %arg9[%dma_start3A_100, %dma_start3A_102, %dma_start3A_103] : memref<4x125x64xf32, #tpu.memory_space<vmem>> -> memref<1x125x64xf32, #tpu.memory_space<vmem>>
    %dma_start3A_105 = tpu.memref_squeeze %dma_start3A_104 : memref<1x125x64xf32, #tpu.memory_space<vmem>> -> memref<125x64xf32, #tpu.memory_space<vmem>>
    %dma_start3A_106 = arith.constant 0 : i32
    %dma_start3A_107 = tpu.memref_slice %arg8[%dma_start3A_101, %dma_start3A_106] : memref<160x125xi32, #tpu.memory_space<vmem>> -> memref<1x125xi32, #tpu.memory_space<vmem>>
    %dma_start3A_108 = tpu.memref_squeeze %dma_start3A_107 : memref<1x125xi32, #tpu.memory_space<vmem>> -> memref<125xi32, #tpu.memory_space<vmem>>
    %dma_start3A_109 = arith.constant 0 : i32
    %dma_start3A_110 = arith.constant 0 : i32
    %dma_start3A_111 = tpu.memref_slice %arg10[%dma_start3A_109, %dma_start3A_110] : memref<10240x64xf32, #tpu.memory_space<vmem_shared>> -> memref<10240x64xf32, #tpu.memory_space<vmem_shared>>
    tpu.enqueue_indirect_dma source(%dma_start3A_105 : memref<125x64xf32, #tpu.memory_space<vmem>>) target(%dma_start3A_111 : memref<10240x64xf32, #tpu.memory_space<vmem_shared>>) offsets(%dma_start3A_108 : memref<125xi32, #tpu.memory_space<vmem>>) semaphore(%arg15 : memref<!tpu.dma_semaphore, #tpu.memory_space<semaphore_mem>>) {add = true}
    %dma_wait3A_112 = arith.constant 1 : i32
    %dma_wait3A_113 = arith.constant 157 : i32
    %dma_wait3A_114 = arith.constant 0 : i32
    %dma_wait3A_115 = arith.constant 0 : i32
    %dma_wait3A_116 = tpu.memref_slice %arg9[%dma_wait3A_112, %dma_wait3A_114, %dma_wait3A_115] : memref<4x125x64xf32, #tpu.memory_space<vmem>> -> memref<1x125x64xf32, #tpu.memory_space<vmem>>
    %dma_wait3A_117 = tpu.memref_squeeze %dma_wait3A_116 : memref<1x125x64xf32, #tpu.memory_space<vmem>> -> memref<125x64xf32, #tpu.memory_space<vmem>>
    %dma_wait3A_118 = arith.constant 0 : i32
    %dma_wait3A_119 = tpu.memref_slice %arg8[%dma_wait3A_113, %dma_wait3A_118] : memref<160x125xi32, #tpu.memory_space<vmem>> -> memref<1x125xi32, #tpu.memory_space<vmem>>
    %dma_wait3A_120 = tpu.memref_squeeze %dma_wait3A_119 : memref<1x125xi32, #tpu.memory_space<vmem>> -> memref<125xi32, #tpu.memory_space<vmem>>
    %dma_wait3A_121 = arith.constant 0 : i32
    %dma_wait3A_122 = arith.constant 0 : i32
    %dma_wait3A_123 = tpu.memref_slice %arg10[%dma_wait3A_121, %dma_wait3A_122] : memref<10240x64xf32, #tpu.memory_space<vmem_shared>> -> memref<10240x64xf32, #tpu.memory_space<vmem_shared>>
    tpu.wait_indirect_dma semaphore(%arg15 : memref<!tpu.dma_semaphore, #tpu.memory_space<semaphore_mem>>) src(%dma_wait3A_117 : memref<125x64xf32, #tpu.memory_space<vmem>>) dst(%dma_wait3A_123 : memref<10240x64xf32, #tpu.memory_space<vmem_shared>>)
    %dma_wait3A_124 = arith.constant 158 : i32
    %dma_wait3A_125 = arith.constant 2 : i32
    %dma_wait3A_126 = arith.constant 0 : i32
    %dma_wait3A_127 = arith.constant 0 : i32
    %dma_wait3A_128 = tpu.memref_slice %arg9[%dma_wait3A_125, %dma_wait3A_126, %dma_wait3A_127] : memref<4x125x64xf32, #tpu.memory_space<vmem>> -> memref<1x125x64xf32, #tpu.memory_space<vmem>>
    %dma_wait3A_129 = tpu.memref_squeeze %dma_wait3A_128 : memref<1x125x64xf32, #tpu.memory_space<vmem>> -> memref<125x64xf32, #tpu.memory_space<vmem>>
    %dma_wait3A_130 = arith.constant 0 : i32
    %dma_wait3A_131 = tpu.memref_slice %arg7[%dma_wait3A_124, %dma_wait3A_130] : memref<160x125xi32, #tpu.memory_space<vmem>> -> memref<1x125xi32, #tpu.memory_space<vmem>>
    %dma_wait3A_132 = tpu.memref_squeeze %dma_wait3A_131 : memref<1x125xi32, #tpu.memory_space<vmem>> -> memref<125xi32, #tpu.memory_space<vmem>>
    %dma_wait3A_133 = arith.constant 0 : i32
    %dma_wait3A_134 = arith.constant 0 : i32
    %dma_wait3A_135 = tpu.memref_slice %arg2[%dma_wait3A_133, %dma_wait3A_134] : memref<20000x64xf32, #tpu.memory_space<hbm>> -> memref<20000x64xf32, #tpu.memory_space<hbm>>
    tpu.wait_indirect_dma semaphore(%arg13 : memref<!tpu.dma_semaphore, #tpu.memory_space<semaphore_mem>>) src(%dma_wait3A_135 : memref<20000x64xf32, #tpu.memory_space<hbm>>) dst(%dma_wait3A_129 : memref<125x64xf32, #tpu.memory_space<vmem>>)
    %dma_start3A_136 = arith.constant 2 : i32
    %dma_start3A_137 = arith.constant 158 : i32
    %dma_start3A_138 = arith.constant 0 : i32
    %dma_start3A_139 = arith.constant 0 : i32
    %dma_start3A_140 = tpu.memref_slice %arg9[%dma_start3A_136, %dma_start3A_138, %dma_start3A_139] : memref<4x125x64xf32, #tpu.memory_space<vmem>> -> memref<1x125x64xf32, #tpu.memory_space<vmem>>
    %dma_start3A_141 = tpu.memref_squeeze %dma_start3A_140 : memref<1x125x64xf32, #tpu.memory_space<vmem>> -> memref<125x64xf32, #tpu.memory_space<vmem>>
    %dma_start3A_142 = arith.constant 0 : i32
    %dma_start3A_143 = tpu.memref_slice %arg8[%dma_start3A_137, %dma_start3A_142] : memref<160x125xi32, #tpu.memory_space<vmem>> -> memref<1x125xi32, #tpu.memory_space<vmem>>
    %dma_start3A_144 = tpu.memref_squeeze %dma_start3A_143 : memref<1x125xi32, #tpu.memory_space<vmem>> -> memref<125xi32, #tpu.memory_space<vmem>>
    %dma_start3A_145 = arith.constant 0 : i32
    %dma_start3A_146 = arith.constant 0 : i32
    %dma_start3A_147 = tpu.memref_slice %arg10[%dma_start3A_145, %dma_start3A_146] : memref<10240x64xf32, #tpu.memory_space<vmem_shared>> -> memref<10240x64xf32, #tpu.memory_space<vmem_shared>>
    tpu.enqueue_indirect_dma source(%dma_start3A_141 : memref<125x64xf32, #tpu.memory_space<vmem>>) target(%dma_start3A_147 : memref<10240x64xf32, #tpu.memory_space<vmem_shared>>) offsets(%dma_start3A_144 : memref<125xi32, #tpu.memory_space<vmem>>) semaphore(%arg15 : memref<!tpu.dma_semaphore, #tpu.memory_space<semaphore_mem>>) {add = true}
    %dma_wait3A_148 = arith.constant 2 : i32
    %dma_wait3A_149 = arith.constant 158 : i32
    %dma_wait3A_150 = arith.constant 0 : i32
    %dma_wait3A_151 = arith.constant 0 : i32
    %dma_wait3A_152 = tpu.memref_slice %arg9[%dma_wait3A_148, %dma_wait3A_150, %dma_wait3A_151] : memref<4x125x64xf32, #tpu.memory_space<vmem>> -> memref<1x125x64xf32, #tpu.memory_space<vmem>>
    %dma_wait3A_153 = tpu.memref_squeeze %dma_wait3A_152 : memref<1x125x64xf32, #tpu.memory_space<vmem>> -> memref<125x64xf32, #tpu.memory_space<vmem>>
    %dma_wait3A_154 = arith.constant 0 : i32
    %dma_wait3A_155 = tpu.memref_slice %arg8[%dma_wait3A_149, %dma_wait3A_154] : memref<160x125xi32, #tpu.memory_space<vmem>> -> memref<1x125xi32, #tpu.memory_space<vmem>>
    %dma_wait3A_156 = tpu.memref_squeeze %dma_wait3A_155 : memref<1x125xi32, #tpu.memory_space<vmem>> -> memref<125xi32, #tpu.memory_space<vmem>>
    %dma_wait3A_157 = arith.constant 0 : i32
    %dma_wait3A_158 = arith.constant 0 : i32
    %dma_wait3A_159 = tpu.memref_slice %arg10[%dma_wait3A_157, %dma_wait3A_158] : memref<10240x64xf32, #tpu.memory_space<vmem_shared>> -> memref<10240x64xf32, #tpu.memory_space<vmem_shared>>
    tpu.wait_indirect_dma semaphore(%arg15 : memref<!tpu.dma_semaphore, #tpu.memory_space<semaphore_mem>>) src(%dma_wait3A_153 : memref<125x64xf32, #tpu.memory_space<vmem>>) dst(%dma_wait3A_159 : memref<10240x64xf32, #tpu.memory_space<vmem_shared>>)
    %dma_wait3A_160 = arith.constant 159 : i32
    %dma_wait3A_161 = arith.constant 3 : i32
    %dma_wait3A_162 = arith.constant 0 : i32
    %dma_wait3A_163 = arith.constant 0 : i32
    %dma_wait3A_164 = tpu.memref_slice %arg9[%dma_wait3A_161, %dma_wait3A_162, %dma_wait3A_163] : memref<4x125x64xf32, #tpu.memory_space<vmem>> -> memref<1x125x64xf32, #tpu.memory_space<vmem>>
    %dma_wait3A_165 = tpu.memref_squeeze %dma_wait3A_164 : memref<1x125x64xf32, #tpu.memory_space<vmem>> -> memref<125x64xf32, #tpu.memory_space<vmem>>
    %dma_wait3A_166 = arith.constant 0 : i32
    %dma_wait3A_167 = tpu.memref_slice %arg7[%dma_wait3A_160, %dma_wait3A_166] : memref<160x125xi32, #tpu.memory_space<vmem>> -> memref<1x125xi32, #tpu.memory_space<vmem>>
    %dma_wait3A_168 = tpu.memref_squeeze %dma_wait3A_167 : memref<1x125xi32, #tpu.memory_space<vmem>> -> memref<125xi32, #tpu.memory_space<vmem>>
    %dma_wait3A_169 = arith.constant 0 : i32
    %dma_wait3A_170 = arith.constant 0 : i32
    %dma_wait3A_171 = tpu.memref_slice %arg2[%dma_wait3A_169, %dma_wait3A_170] : memref<20000x64xf32, #tpu.memory_space<hbm>> -> memref<20000x64xf32, #tpu.memory_space<hbm>>
    tpu.wait_indirect_dma semaphore(%arg14 : memref<!tpu.dma_semaphore, #tpu.memory_space<semaphore_mem>>) src(%dma_wait3A_171 : memref<20000x64xf32, #tpu.memory_space<hbm>>) dst(%dma_wait3A_165 : memref<125x64xf32, #tpu.memory_space<vmem>>)
    %dma_start3A_172 = arith.constant 3 : i32
    %dma_start3A_173 = arith.constant 159 : i32
    %dma_start3A_174 = arith.constant 0 : i32
    %dma_start3A_175 = arith.constant 0 : i32
    %dma_start3A_176 = tpu.memref_slice %arg9[%dma_start3A_172, %dma_start3A_174, %dma_start3A_175] : memref<4x125x64xf32, #tpu.memory_space<vmem>> -> memref<1x125x64xf32, #tpu.memory_space<vmem>>
    %dma_start3A_177 = tpu.memref_squeeze %dma_start3A_176 : memref<1x125x64xf32, #tpu.memory_space<vmem>> -> memref<125x64xf32, #tpu.memory_space<vmem>>
    %dma_start3A_178 = arith.constant 0 : i32
    %dma_start3A_179 = tpu.memref_slice %arg8[%dma_start3A_173, %dma_start3A_178] : memref<160x125xi32, #tpu.memory_space<vmem>> -> memref<1x125xi32, #tpu.memory_space<vmem>>
    %dma_start3A_180 = tpu.memref_squeeze %dma_start3A_179 : memref<1x125xi32, #tpu.memory_space<vmem>> -> memref<125xi32, #tpu.memory_space<vmem>>
    %dma_start3A_181 = arith.constant 0 : i32
    %dma_start3A_182 = arith.constant 0 : i32
    %dma_start3A_183 = tpu.memref_slice %arg10[%dma_start3A_181, %dma_start3A_182] : memref<10240x64xf32, #tpu.memory_space<vmem_shared>> -> memref<10240x64xf32, #tpu.memory_space<vmem_shared>>
    tpu.enqueue_indirect_dma source(%dma_start3A_177 : memref<125x64xf32, #tpu.memory_space<vmem>>) target(%dma_start3A_183 : memref<10240x64xf32, #tpu.memory_space<vmem_shared>>) offsets(%dma_start3A_180 : memref<125xi32, #tpu.memory_space<vmem>>) semaphore(%arg15 : memref<!tpu.dma_semaphore, #tpu.memory_space<semaphore_mem>>) {add = true}
    %dma_wait3A_184 = arith.constant 3 : i32
    %dma_wait3A_185 = arith.constant 159 : i32
    %dma_wait3A_186 = arith.constant 0 : i32
    %dma_wait3A_187 = arith.constant 0 : i32
    %dma_wait3A_188 = tpu.memref_slice %arg9[%dma_wait3A_184, %dma_wait3A_186, %dma_wait3A_187] : memref<4x125x64xf32, #tpu.memory_space<vmem>> -> memref<1x125x64xf32, #tpu.memory_space<vmem>>
    %dma_wait3A_189 = tpu.memref_squeeze %dma_wait3A_188 : memref<1x125x64xf32, #tpu.memory_space<vmem>> -> memref<125x64xf32, #tpu.memory_space<vmem>>
    %dma_wait3A_190 = arith.constant 0 : i32
    %dma_wait3A_191 = tpu.memref_slice %arg8[%dma_wait3A_185, %dma_wait3A_190] : memref<160x125xi32, #tpu.memory_space<vmem>> -> memref<1x125xi32, #tpu.memory_space<vmem>>
    %dma_wait3A_192 = tpu.memref_squeeze %dma_wait3A_191 : memref<1x125xi32, #tpu.memory_space<vmem>> -> memref<125xi32, #tpu.memory_space<vmem>>
    %dma_wait3A_193 = arith.constant 0 : i32
    %dma_wait3A_194 = arith.constant 0 : i32
    %dma_wait3A_195 = tpu.memref_slice %arg10[%dma_wait3A_193, %dma_wait3A_194] : memref<10240x64xf32, #tpu.memory_space<vmem_shared>> -> memref<10240x64xf32, #tpu.memory_space<vmem_shared>>
    tpu.wait_indirect_dma semaphore(%arg15 : memref<!tpu.dma_semaphore, #tpu.memory_space<semaphore_mem>>) src(%dma_wait3A_189 : memref<125x64xf32, #tpu.memory_space<vmem>>) dst(%dma_wait3A_195 : memref<10240x64xf32, #tpu.memory_space<vmem_shared>>)
    %barrier3A_196 = arith.constant 0 : index
    tpu.barrier barrier_id(%barrier3A_196)
    %mul3A_197 = arith.constant 640 : i32
    %mul3A_198 = arith.muli %arg1, %mul3A_197 : i32
    %mul3A_199 = arith.constant 640 : i32
    %mul3A_200 = arith.muli %arg1, %mul3A_199 : i32
    %mul3A_201 = arith.constant 64 : i32
    %mul3A_202 = arith.muli %arg0, %mul3A_201 : i32
    "tpu.region"() ({
      %run_scoped3A = tpu.sem_alloc : memref<!tpu.dma_semaphore, #tpu.memory_space<semaphore_mem>>
      %dma_start3A_203 = tpu.memref_slice %arg6[%mul3A_200, %mul3A_202] : memref<10240x128xf32, #tpu.memory_space<hbm>> -> memref<640x64xf32, #tpu.memory_space<hbm>>
      %dma_start3A_204 = arith.constant 0 : i32
      %dma_start3A_205 = tpu.memref_slice %arg10[%mul3A_198, %dma_start3A_204] : memref<10240x64xf32, #tpu.memory_space<vmem_shared>> -> memref<640x64xf32, #tpu.memory_space<vmem_shared>>
      tpu.enqueue_dma source(%dma_start3A_205 : memref<640x64xf32, #tpu.memory_space<vmem_shared>>) target(%dma_start3A_203 : memref<640x64xf32, #tpu.memory_space<hbm>>) target_semaphore(%run_scoped3A : memref<!tpu.dma_semaphore, #tpu.memory_space<semaphore_mem>>)
      %dma_wait3A_206 = tpu.memref_slice %arg6[%mul3A_200, %mul3A_202] : memref<10240x128xf32, #tpu.memory_space<hbm>> -> memref<640x64xf32, #tpu.memory_space<hbm>>
      %dma_wait3A_207 = arith.constant 0 : i32
      %dma_wait3A_208 = tpu.memref_slice %arg10[%mul3A_198, %dma_wait3A_207] : memref<10240x64xf32, #tpu.memory_space<vmem_shared>> -> memref<640x64xf32, #tpu.memory_space<vmem_shared>>
      tpu.wait_dma2 semaphore(%run_scoped3A : memref<!tpu.dma_semaphore, #tpu.memory_space<semaphore_mem>>) src(%dma_wait3A_208 : memref<640x64xf32, #tpu.memory_space<vmem_shared>>) dst(%dma_wait3A_206 : memref<640x64xf32, #tpu.memory_space<hbm>>)
      tpu.yield
    }) : () -> ()
    return
  }
}

module attributes {stable_mosaic.version = 14 : i64} {
  func.func @_klayer_body(%arg0: i32, %arg1: memref<2000x128xf32, #tpu.memory_space<vmem>>, %arg2: memref<2000x128xf32, #tpu.memory_space<vmem>>, %arg3: memref<2000x1xf32, #tpu.memory_space<vmem>>, %arg4: memref<128x128xf32, #tpu.memory_space<vmem>>, %arg5: memref<1x128xf32, #tpu.memory_space<vmem>>, %arg6: memref<1x1xf32, #tpu.memory_space<vmem>>, %arg7: memref<2000x128xf32, #tpu.memory_space<vmem>>) attributes {dimension_semantics = [#tpu.dimension_semantics<arbitrary>], iteration_bounds = array<i64: 5>, scalar_prefetch = 0 : i64, scratch_operands = 0 : i64, tpu.core_type = #tpu.core_type<tc>, window_params = [{transform_indices = @transform_0, window_bounds = array<i64: 2000, 128>}, {transform_indices = @transform_1, window_bounds = array<i64: 2000, 128>}, {transform_indices = @transform_2, window_bounds = array<i64: 2000, 1>}, {pipeline_mode = #tpu.pipeline_mode<synchronous>, transform_indices = @transform_3, window_bounds = array<i64: 128, 128>}, {pipeline_mode = #tpu.pipeline_mode<synchronous>, transform_indices = @transform_4, window_bounds = array<i64: 1, 128>}, {pipeline_mode = #tpu.pipeline_mode<synchronous>, transform_indices = @transform_5, window_bounds = array<i64: 1, 1>}, {transform_indices = @transform_6, window_bounds = array<i64: 2000, 128>}]} {
    %get3A = arith.constant 0 : index
    %get3A_0 = arith.constant 0 : index
    %get3A_1 = vector.load %arg3[%get3A, %get3A_0] : memref<2000x1xf32, #tpu.memory_space<vmem>>, vector<2000x1xf32>
    %get3A_2 = arith.constant 0 : index
    %get3A_3 = arith.constant 0 : index
    %get3A_4 = vector.load %arg1[%get3A_2, %get3A_3] : memref<2000x128xf32, #tpu.memory_space<vmem>>, vector<2000x128xf32>
    %get3A_5 = arith.constant 0 : index
    %get3A_6 = arith.constant 0 : index
    %get3A_7 = vector.load %arg2[%get3A_5, %get3A_6] : memref<2000x128xf32, #tpu.memory_space<vmem>>, vector<2000x128xf32>
    %add3A = arith.addf %get3A_4, %get3A_7 : vector<2000x128xf32>
    %mul3A = vector.broadcast %get3A_1 : vector<2000x1xf32> to vector<2000x128xf32>
    %mul3A_8 = arith.mulf %mul3A, %add3A : vector<2000x128xf32>
    %get3A_9 = arith.constant 0 : index
    %get3A_10 = arith.constant 0 : index
    %get3A_11 = vector.load %arg4[%get3A_9, %get3A_10] : memref<128x128xf32, #tpu.memory_space<vmem>>, vector<128x128xf32>
    %dot_general3A = arith.constant dense<0.000000e+00> : vector<2000x128xf32>
    %dot_general3A_12 = tpu.matmul %mul3A_8, %get3A_11, %dot_general3A {dimension_numbers = #tpu.dot_dimension_numbers<[1], [0], [0], [1], [0, 0, 1, 1], [], []>, transpose_lhs_hint = false} : vector<2000x128xf32>, vector<128x128xf32>, vector<2000x128xf32> -> vector<2000x128xf32>
    %get3A_13 = arith.constant 0 : index
    %get3A_14 = arith.constant 0 : index
    %get3A_15 = vector.load %arg5[%get3A_13, %get3A_14] : memref<1x128xf32, #tpu.memory_space<vmem>>, vector<1x128xf32>
    %add3A_16 = vector.broadcast %get3A_15 : vector<1x128xf32> to vector<2000x128xf32>
    %add3A_17 = arith.addf %dot_general3A_12, %add3A_16 : vector<2000x128xf32>
    %get3A_18 = arith.constant 0 : index
    %get3A_19 = arith.constant 0 : index
    %get3A_20 = vector.load %arg6[%get3A_18, %get3A_19] : memref<1x1xf32, #tpu.memory_space<vmem>>, vector<1x1xf32>
    %get3A_21 = vector.extract %get3A_20[0, 0] : f32 from vector<1x1xf32>
    %gt3A = arith.constant 0.000000e+00 : f32
    %gt3A_22 = vector.broadcast %gt3A : f32 to vector<2000x128xf32>
    %gt3A_23 = arith.cmpf ogt, %add3A_17, %gt3A_22 : vector<2000x128xf32>
    %mul3A_24 = vector.broadcast %get3A_21 : f32 to vector<2000x128xf32>
    %mul3A_25 = arith.mulf %mul3A_24, %add3A_17 : vector<2000x128xf32>
    %select_n3A = arith.select %gt3A_23, %add3A_17, %mul3A_25 : vector<2000x128xi1>, vector<2000x128xf32>
    %mul3A_26 = vector.broadcast %get3A_1 : vector<2000x1xf32> to vector<2000x128xf32>
    %mul3A_27 = arith.mulf %select_n3A, %mul3A_26 : vector<2000x128xf32>
    %swap3A = arith.constant 0 : index
    %swap3A_28 = arith.constant 0 : index
    %swap3A_29 = vector.load %arg7[%swap3A, %swap3A_28] : memref<2000x128xf32, #tpu.memory_space<vmem>>, vector<2000x128xf32>
    tpu.vector_store %arg7[%swap3A, %swap3A_28], %mul3A_27 {strides = array<i32>} : memref<2000x128xf32, #tpu.memory_space<vmem>>, vector<2000x128xf32>,
    return
  }
  func.func @transform_0(%arg0: i32) -> (i32, i32) {
    %c0_i32 = arith.constant 0 : i32
    %c0_i32_0 = arith.constant 0 : i32
    return %arg0, %c0_i32 : i32, i32
  }
  func.func @transform_1(%arg0: i32) -> (i32, i32) {
    %c0_i32 = arith.constant 0 : i32
    %c0_i32_0 = arith.constant 0 : i32
    return %arg0, %c0_i32 : i32, i32
  }
  func.func @transform_2(%arg0: i32) -> (i32, i32) {
    %c0_i32 = arith.constant 0 : i32
    %c0_i32_0 = arith.constant 0 : i32
    return %arg0, %c0_i32 : i32, i32
  }
  func.func @transform_3(%arg0: i32) -> (i32, i32) {
    %c0_i32 = arith.constant 0 : i32
    %c0_i32_0 = arith.constant 0 : i32
    %c0_i32_1 = arith.constant 0 : i32
    return %c0_i32, %c0_i32_0 : i32, i32
  }
  func.func @transform_4(%arg0: i32) -> (i32, i32) {
    %c0_i32 = arith.constant 0 : i32
    %c0_i32_0 = arith.constant 0 : i32
    %c0_i32_1 = arith.constant 0 : i32
    return %c0_i32, %c0_i32_0 : i32, i32
  }
  func.func @transform_5(%arg0: i32) -> (i32, i32) {
    %c0_i32 = arith.constant 0 : i32
    %c0_i32_0 = arith.constant 0 : i32
    %c0_i32_1 = arith.constant 0 : i32
    return %c0_i32, %c0_i32_0 : i32, i32
  }
  func.func @transform_6(%arg0: i32) -> (i32, i32) {
    %c0_i32 = arith.constant 0 : i32
    %c0_i32_0 = arith.constant 0 : i32
    return %arg0, %c0_i32 : i32, i32
  }
}

module attributes {stable_mosaic.version = 14 : i64} {
  func.func @_k0_body(%arg0: i32, %arg1: memref<2000x128xf32, #tpu.memory_space<vmem>>, %arg2: memref<2000x128xf32, #tpu.memory_space<vmem>>, %arg3: memref<2000x1xf32, #tpu.memory_space<vmem>>, %arg4: memref<2000x128xf32, #tpu.memory_space<vmem>>) attributes {dimension_semantics = [#tpu.dimension_semantics<arbitrary>], iteration_bounds = array<i64: 5>, scalar_prefetch = 0 : i64, scratch_operands = 0 : i64, tpu.core_type = #tpu.core_type<tc>, window_params = [{transform_indices = @transform_0, window_bounds = array<i64: 2000, 128>}, {transform_indices = @transform_1, window_bounds = array<i64: 2000, 128>}, {transform_indices = @transform_2, window_bounds = array<i64: 2000, 1>}, {transform_indices = @transform_3, window_bounds = array<i64: 2000, 128>}]} {
    %get3A = arith.constant 0 : index
    %get3A_0 = arith.constant 0 : index
    %get3A_1 = vector.load %arg1[%get3A, %get3A_0] : memref<2000x128xf32, #tpu.memory_space<vmem>>, vector<2000x1xf32>
    %get3A_2 = arith.constant 0 : index
    %get3A_3 = arith.constant 16 : index
    %get3A_4 = vector.load %arg1[%get3A_2, %get3A_3] : memref<2000x128xf32, #tpu.memory_space<vmem>>, vector<2000x1xf32>
    %add3A = arith.addf %get3A_1, %get3A_4 : vector<2000x1xf32>
    %add3A_5 = arith.constant 1.000000e+00 : f32
    %add3A_6 = vector.broadcast %add3A_5 : f32 to vector<2000x1xf32>
    %add3A_7 = arith.addf %add3A, %add3A_6 : vector<2000x1xf32>
    %rsqrt3A = math.rsqrt %add3A_7 : vector<2000x1xf32>
    %swap3A = arith.constant 0 : index
    %swap3A_8 = arith.constant 0 : index
    %swap3A_9 = vector.load %arg3[%swap3A, %swap3A_8] : memref<2000x1xf32, #tpu.memory_space<vmem>>, vector<2000x1xf32>
    tpu.vector_store %arg3[%swap3A, %swap3A_8], %rsqrt3A {strides = array<i32>} : memref<2000x1xf32, #tpu.memory_space<vmem>>, vector<2000x1xf32>,
    %get3A_10 = arith.constant 0 : index
    %get3A_11 = arith.constant 0 : index
    %get3A_12 = vector.load %arg2[%get3A_10, %get3A_11] : memref<2000x128xf32, #tpu.memory_space<vmem>>, vector<2000x128xf32>
    %mul3A = vector.broadcast %rsqrt3A : vector<2000x1xf32> to vector<2000x128xf32>
    %mul3A_13 = arith.mulf %get3A_12, %mul3A : vector<2000x128xf32>
    %swap3A_14 = arith.constant 0 : index
    %swap3A_15 = arith.constant 0 : index
    %swap3A_16 = vector.load %arg4[%swap3A_14, %swap3A_15] : memref<2000x128xf32, #tpu.memory_space<vmem>>, vector<2000x128xf32>
    tpu.vector_store %arg4[%swap3A_14, %swap3A_15], %mul3A_13 {strides = array<i32>} : memref<2000x128xf32, #tpu.memory_space<vmem>>, vector<2000x128xf32>,
    return
  }
  func.func @transform_0(%arg0: i32) -> (i32, i32) {
    %c0_i32 = arith.constant 0 : i32
    %c0_i32_0 = arith.constant 0 : i32
    return %arg0, %c0_i32 : i32, i32
  }
  func.func @transform_1(%arg0: i32) -> (i32, i32) {
    %c0_i32 = arith.constant 0 : i32
    %c0_i32_0 = arith.constant 0 : i32
    return %arg0, %c0_i32 : i32, i32
  }
  func.func @transform_2(%arg0: i32) -> (i32, i32) {
    %c0_i32 = arith.constant 0 : i32
    %c0_i32_0 = arith.constant 0 : i32
    return %arg0, %c0_i32 : i32, i32
  }
  func.func @transform_3(%arg0: i32) -> (i32, i32) {
    %c0_i32 = arith.constant 0 : i32
    %c0_i32_0 = arith.constant 0 : i32
    return %arg0, %c0_i32 : i32, i32
  }
}

module attributes {stable_mosaic.version = 14 : i64} {
  func.func @_kfinal_body(%arg0: i32, %arg1: memref<2000x128xf32, #tpu.memory_space<vmem>>, %arg2: memref<2000x128xf32, #tpu.memory_space<vmem>>, %arg3: memref<2000x1xf32, #tpu.memory_space<vmem>>, %arg4: memref<128x128xf32, #tpu.memory_space<vmem>>, %arg5: memref<1x128xf32, #tpu.memory_space<vmem>>, %arg6: memref<2000x1xi32, #tpu.memory_space<vmem>>, %arg7: memref<128x10xf32, #tpu.memory_space<vmem>>, %arg8: memref<1x10xf32, #tpu.memory_space<vmem>>, %arg9: memref<64x10xf32, #tpu.memory_space<vmem>>, %arg10: memref<64x128xf32, #tpu.memory_space<vmem>>, %arg11: memref<64x1xf32, #tpu.memory_space<vmem>>) attributes {dimension_semantics = [#tpu.dimension_semantics<arbitrary>], iteration_bounds = array<i64: 5>, scalar_prefetch = 0 : i64, scratch_operands = 2 : i64, tpu.core_type = #tpu.core_type<tc>, window_params = [{transform_indices = @transform_0, window_bounds = array<i64: 2000, 128>}, {transform_indices = @transform_1, window_bounds = array<i64: 2000, 128>}, {transform_indices = @transform_2, window_bounds = array<i64: 2000, 1>}, {pipeline_mode = #tpu.pipeline_mode<synchronous>, transform_indices = @transform_3, window_bounds = array<i64: 128, 128>}, {pipeline_mode = #tpu.pipeline_mode<synchronous>, transform_indices = @transform_4, window_bounds = array<i64: 1, 128>}, {transform_indices = @transform_5, window_bounds = array<i64: 2000, 1>}, {pipeline_mode = #tpu.pipeline_mode<synchronous>, transform_indices = @transform_6, window_bounds = array<i64: 128, 10>}, {pipeline_mode = #tpu.pipeline_mode<synchronous>, transform_indices = @transform_7, window_bounds = array<i64: 1, 10>}, {pipeline_mode = #tpu.pipeline_mode<synchronous>, transform_indices = @transform_8, window_bounds = array<i64: 64, 10>}]} {
    %eq3A = arith.constant 0 : i32
    %eq3A_0 = arith.cmpi eq, %arg0, %eq3A : i32
    %convert_element_type3A = arith.extui %eq3A_0 : i1 to i32
    %cond3A = arith.constant 0 : i32
    %cond3A_1 = arith.cmpi ne, %convert_element_type3A, %cond3A : i32
    scf.if %cond3A_1 {
      %broadcast_in_dim3A_50 = arith.constant 0.000000e+00 : f32
      %broadcast_in_dim3A_51 = vector.broadcast %broadcast_in_dim3A_50 : f32 to vector<64x128xf32>
      %swap3A_52 = arith.constant 0 : index
      %swap3A_53 = arith.constant 0 : index
      %swap3A_54 = vector.load %arg10[%swap3A_52, %swap3A_53] : memref<64x128xf32, #tpu.memory_space<vmem>>, vector<64x128xf32>
      tpu.vector_store %arg10[%swap3A_52, %swap3A_53], %broadcast_in_dim3A_51 {strides = array<i32>} : memref<64x128xf32, #tpu.memory_space<vmem>>, vector<64x128xf32>,
      %broadcast_in_dim3A_55 = arith.constant 0.000000e+00 : f32
      %broadcast_in_dim3A_56 = vector.broadcast %broadcast_in_dim3A_55 : f32 to vector<64x1xf32>
      %swap3A_57 = arith.constant 0 : index
      %swap3A_58 = arith.constant 0 : index
      %swap3A_59 = vector.load %arg11[%swap3A_57, %swap3A_58] : memref<64x1xf32, #tpu.memory_space<vmem>>, vector<64x1xf32>
      tpu.vector_store %arg11[%swap3A_57, %swap3A_58], %broadcast_in_dim3A_56 {strides = array<i32>} : memref<64x1xf32, #tpu.memory_space<vmem>>, vector<64x1xf32>,
    } else {
    }
    %get3A = arith.constant 0 : index
    %get3A_2 = arith.constant 0 : index
    %get3A_3 = vector.load %arg3[%get3A, %get3A_2] : memref<2000x1xf32, #tpu.memory_space<vmem>>, vector<2000x1xf32>
    %get3A_4 = arith.constant 0 : index
    %get3A_5 = arith.constant 0 : index
    %get3A_6 = vector.load %arg1[%get3A_4, %get3A_5] : memref<2000x128xf32, #tpu.memory_space<vmem>>, vector<2000x128xf32>
    %get3A_7 = arith.constant 0 : index
    %get3A_8 = arith.constant 0 : index
    %get3A_9 = vector.load %arg2[%get3A_7, %get3A_8] : memref<2000x128xf32, #tpu.memory_space<vmem>>, vector<2000x128xf32>
    %add3A = arith.addf %get3A_6, %get3A_9 : vector<2000x128xf32>
    %mul3A = vector.broadcast %get3A_3 : vector<2000x1xf32> to vector<2000x128xf32>
    %mul3A_10 = arith.mulf %mul3A, %add3A : vector<2000x128xf32>
    %get3A_11 = arith.constant 0 : index
    %get3A_12 = arith.constant 0 : index
    %get3A_13 = vector.load %arg4[%get3A_11, %get3A_12] : memref<128x128xf32, #tpu.memory_space<vmem>>, vector<128x128xf32>
    %dot_general3A = arith.constant dense<0.000000e+00> : vector<2000x128xf32>
    %dot_general3A_14 = tpu.matmul %mul3A_10, %get3A_13, %dot_general3A {dimension_numbers = #tpu.dot_dimension_numbers<[1], [0], [0], [1], [0, 0, 1, 1], [], []>, transpose_lhs_hint = false} : vector<2000x128xf32>, vector<128x128xf32>, vector<2000x128xf32> -> vector<2000x128xf32>
    %get3A_15 = arith.constant 0 : index
    %get3A_16 = arith.constant 0 : index
    %get3A_17 = vector.load %arg5[%get3A_15, %get3A_16] : memref<1x128xf32, #tpu.memory_space<vmem>>, vector<1x128xf32>
    %add3A_18 = vector.broadcast %get3A_17 : vector<1x128xf32> to vector<2000x128xf32>
    %add3A_19 = arith.addf %dot_general3A_14, %add3A_18 : vector<2000x128xf32>
    %get3A_20 = arith.constant 0 : index
    %get3A_21 = arith.constant 0 : index
    %get3A_22 = vector.load %arg6[%get3A_20, %get3A_21] : memref<2000x1xi32, #tpu.memory_space<vmem>>, vector<2000x1xi32>
    %iota3A = tpu.iota {dimensions = array<i32: 1>} : vector<2000x64xi32>
    %eq3A_23 = vector.broadcast %get3A_22 : vector<2000x1xi32> to vector<2000x64xi32>
    %eq3A_24 = arith.cmpi eq, %eq3A_23, %iota3A : vector<2000x64xi32>
    %convert_element_type3A_25 = arith.extui %eq3A_24 : vector<2000x64xi1> to vector<2000x64xi32>
    %convert_element_type3A_26 = arith.sitofp %convert_element_type3A_25 : vector<2000x64xi32> to vector<2000x64xf32>
    %get3A_27 = arith.constant 0 : index
    %get3A_28 = arith.constant 0 : index
    %get3A_29 = vector.load %arg10[%get3A_27, %get3A_28] : memref<64x128xf32, #tpu.memory_space<vmem>>, vector<64x128xf32>
    %dot_general3A_30 = arith.constant dense<0.000000e+00> : vector<64x128xf32>
    %dot_general3A_31 = tpu.matmul %convert_element_type3A_26, %add3A_19, %dot_general3A_30 {dimension_numbers = #tpu.dot_dimension_numbers<[0], [0], [1], [1], [0, 1, 1, 1], [], []>, transpose_lhs_hint = false} : vector<2000x64xf32>, vector<2000x128xf32>, vector<64x128xf32> -> vector<64x128xf32>
    %add3A_32 = arith.addf %get3A_29, %dot_general3A_31 : vector<64x128xf32>
    %swap3A = arith.constant 0 : index
    %swap3A_33 = arith.constant 0 : index
    %swap3A_34 = vector.load %arg10[%swap3A, %swap3A_33] : memref<64x128xf32, #tpu.memory_space<vmem>>, vector<64x128xf32>
    tpu.vector_store %arg10[%swap3A, %swap3A_33], %add3A_32 {strides = array<i32>} : memref<64x128xf32, #tpu.memory_space<vmem>>, vector<64x128xf32>,
    %get3A_35 = arith.constant 0 : index
    %get3A_36 = arith.constant 0 : index
    %get3A_37 = vector.load %arg11[%get3A_35, %get3A_36] : memref<64x1xf32, #tpu.memory_space<vmem>>, vector<64x1xf32>
    %broadcast_in_dim3A = arith.constant 1.000000e+00 : f32
    %broadcast_in_dim3A_38 = vector.broadcast %broadcast_in_dim3A : f32 to vector<2000x1xf32>
    %dot_general3A_39 = arith.constant dense<0.000000e+00> : vector<64x1xf32>
    %dot_general3A_40 = tpu.matmul %convert_element_type3A_26, %broadcast_in_dim3A_38, %dot_general3A_39 {dimension_numbers = #tpu.dot_dimension_numbers<[0], [0], [1], [1], [0, 1, 1, 1], [], []>, transpose_lhs_hint = false} : vector<2000x64xf32>, vector<2000x1xf32>, vector<64x1xf32> -> vector<64x1xf32>
    %add3A_41 = arith.addf %get3A_37, %dot_general3A_40 : vector<64x1xf32>
    %swap3A_42 = arith.constant 0 : index
    %swap3A_43 = arith.constant 0 : index
    %swap3A_44 = vector.load %arg11[%swap3A_42, %swap3A_43] : memref<64x1xf32, #tpu.memory_space<vmem>>, vector<64x1xf32>
    tpu.vector_store %arg11[%swap3A_42, %swap3A_43], %add3A_41 {strides = array<i32>} : memref<64x1xf32, #tpu.memory_space<vmem>>, vector<64x1xf32>,
    %eq3A_45 = arith.constant 4 : i32
    %eq3A_46 = arith.cmpi eq, %arg0, %eq3A_45 : i32
    %convert_element_type3A_47 = arith.extui %eq3A_46 : i1 to i32
    %cond3A_48 = arith.constant 0 : i32
    %cond3A_49 = arith.cmpi ne, %convert_element_type3A_47, %cond3A_48 : i32
    scf.if %cond3A_49 {
      %get3A_50 = arith.constant 0 : index
      %get3A_51 = arith.constant 0 : index
      %get3A_52 = vector.load %arg10[%get3A_50, %get3A_51] : memref<64x128xf32, #tpu.memory_space<vmem>>, vector<64x128xf32>
      %get3A_53 = arith.constant 0 : index
      %get3A_54 = arith.constant 0 : index
      %get3A_55 = vector.load %arg11[%get3A_53, %get3A_54] : memref<64x1xf32, #tpu.memory_space<vmem>>, vector<64x1xf32>
      %max3A = arith.constant 1.000000e+00 : f32
      %max3A_56 = vector.broadcast %max3A : f32 to vector<64x1xf32>
      %max3A_57 = arith.maximumf %get3A_55, %max3A_56 : vector<64x1xf32>
      %div3A = vector.broadcast %max3A_57 : vector<64x1xf32> to vector<64x128xf32>
      %div3A_58 = arith.divf %get3A_52, %div3A : vector<64x128xf32>
      %get3A_59 = arith.constant 0 : index
      %get3A_60 = arith.constant 0 : index
      %get3A_61 = vector.load %arg7[%get3A_59, %get3A_60] : memref<128x10xf32, #tpu.memory_space<vmem>>, vector<128x10xf32>
      %dot_general3A_62 = arith.constant dense<0.000000e+00> : vector<64x10xf32>
      %dot_general3A_63 = tpu.matmul %div3A_58, %get3A_61, %dot_general3A_62 {dimension_numbers = #tpu.dot_dimension_numbers<[1], [0], [0], [1], [0, 0, 1, 1], [], []>, transpose_lhs_hint = false} : vector<64x128xf32>, vector<128x10xf32>, vector<64x10xf32> -> vector<64x10xf32>
      %get3A_64 = arith.constant 0 : index
      %get3A_65 = arith.constant 0 : index
      %get3A_66 = vector.load %arg8[%get3A_64, %get3A_65] : memref<1x10xf32, #tpu.memory_space<vmem>>, vector<1x10xf32>
      %add3A_67 = vector.broadcast %get3A_66 : vector<1x10xf32> to vector<64x10xf32>
      %add3A_68 = arith.addf %dot_general3A_63, %add3A_67 : vector<64x10xf32>
      %reduce_max3A = arith.constant dense<0xFF800000> : vector<64xf32>
      %reduce_max3A_69 = vector.multi_reduction <maximumf>, %add3A_68, %reduce_max3A [1] : vector<64x10xf32> to vector<64xf32>
      %broadcast_in_dim3A_70 = vector.shape_cast %reduce_max3A_69 : vector<64xf32> to vector<64x1xf32>
      %sub3A = vector.broadcast %broadcast_in_dim3A_70 : vector<64x1xf32> to vector<64x10xf32>
      %sub3A_71 = arith.subf %add3A_68, %sub3A : vector<64x10xf32>
      %exp3A = math.exp %sub3A_71 : vector<64x10xf32>
      %reduce_sum3A = arith.constant dense<0.000000e+00> : vector<64xf32>
      %reduce_sum3A_72 = vector.multi_reduction <add>, %exp3A, %reduce_sum3A [1] : vector<64x10xf32> to vector<64xf32>
      %broadcast_in_dim3A_73 = vector.shape_cast %reduce_sum3A_72 : vector<64xf32> to vector<64x1xf32>
      %log3A = math.log %broadcast_in_dim3A_73 : vector<64x1xf32>
      %add3A_74 = arith.addf %log3A, %broadcast_in_dim3A_70 : vector<64x1xf32>
      %sub3A_75 = vector.broadcast %add3A_74 : vector<64x1xf32> to vector<64x10xf32>
      %sub3A_76 = arith.subf %add3A_68, %sub3A_75 : vector<64x10xf32>
      %swap3A_77 = arith.constant 0 : index
      %swap3A_78 = arith.constant 0 : index
      %swap3A_79 = vector.load %arg9[%swap3A_77, %swap3A_78] : memref<64x10xf32, #tpu.memory_space<vmem>>, vector<64x10xf32>
      tpu.vector_store %arg9[%swap3A_77, %swap3A_78], %sub3A_76 {strides = array<i32>} : memref<64x10xf32, #tpu.memory_space<vmem>>, vector<64x10xf32>,
    } else {
    }
    return
  }
  func.func @transform_0(%arg0: i32) -> (i32, i32) {
    %c0_i32 = arith.constant 0 : i32
    %c0_i32_0 = arith.constant 0 : i32
    return %arg0, %c0_i32 : i32, i32
  }
  func.func @transform_1(%arg0: i32) -> (i32, i32) {
    %c0_i32 = arith.constant 0 : i32
    %c0_i32_0 = arith.constant 0 : i32
    return %arg0, %c0_i32 : i32, i32
  }
  func.func @transform_2(%arg0: i32) -> (i32, i32) {
    %c0_i32 = arith.constant 0 : i32
    %c0_i32_0 = arith.constant 0 : i32
    return %arg0, %c0_i32 : i32, i32
  }
  func.func @transform_3(%arg0: i32) -> (i32, i32) {
    %c0_i32 = arith.constant 0 : i32
    %c0_i32_0 = arith.constant 0 : i32
    %c0_i32_1 = arith.constant 0 : i32
    return %c0_i32, %c0_i32_0 : i32, i32
  }
  func.func @transform_4(%arg0: i32) -> (i32, i32) {
    %c0_i32 = arith.constant 0 : i32
    %c0_i32_0 = arith.constant 0 : i32
    %c0_i32_1 = arith.constant 0 : i32
    return %c0_i32, %c0_i32_0 : i32, i32
  }
  func.func @transform_5(%arg0: i32) -> (i32, i32) {
    %c0_i32 = arith.constant 0 : i32
    %c0_i32_0 = arith.constant 0 : i32
    return %arg0, %c0_i32 : i32, i32
  }
  func.func @transform_6(%arg0: i32) -> (i32, i32) {
    %c0_i32 = arith.constant 0 : i32
    %c0_i32_0 = arith.constant 0 : i32
    %c0_i32_1 = arith.constant 0 : i32
    return %c0_i32, %c0_i32_0 : i32, i32
  }
  func.func @transform_7(%arg0: i32) -> (i32, i32) {
    %c0_i32 = arith.constant 0 : i32
    %c0_i32_0 = arith.constant 0 : i32
    %c0_i32_1 = arith.constant 0 : i32
    return %c0_i32, %c0_i32_0 : i32, i32
  }
  func.func @transform_8(%arg0: i32) -> (i32, i32) {
    %c0_i32 = arith.constant 0 : i32
    %c0_i32_0 = arith.constant 0 : i32
    %c0_i32_1 = arith.constant 0 : i32
    return %c0_i32, %c0_i32_0 : i32, i32
  }
}

</mosaic_0001>

<sc_bundles>
// kernel: kernel.10.cloned.1.call-start
scs
__scs_entry_jumppad:
0x0: {  	(pc) =	sbr.rel $0x88, $3  }
0x1: {  	(tag) =	ssettag $0x0;
	lr =	simm.s32 $0x1  }
0x2: {  	[smem:$0x3F94] =	sst lr;
	_ =	strace $0xD0000000  }
0x3: {  	_ = 	snop  }
0x4: {  	_ = 	snop  }
0x5: {  	_ = 	snop  }
0x6: {  	_ = 	snop  }
0x7: {  	_ = 	snop  }
__scs_overlays_trampoline_lowered:
0x8: {  	[smem:$0x3FA3] =	sst s0  }
0x9: {  	[smem:$0x3FA4] =	sst s1  }
0xa: {  	[smem:$0x3FA5] =	sst s2  }
0xb: {  	[smem:$0x3FA6] =	sst s3  }
0xc: {  	[smem:$0x3FA7] =	sst s4  }
0xd: {  	[smem:$0x3FA8] =	sst s5  }
0xe: {  	[smem:$0x3FA9] =	sst s6  }
0xf: {  	[smem:$0x3FAA] =	sst s7  }
0x10: {  	[smem:$0x3FAB] =	sst s8  }
0x11: {  	[smem:$0x3FAC] =	sst s9;
	s0 =	simm.s32 @!p0 $0x0  }
0x12: {  	s1 =	sld [smem:$0x3F92];
	s0 =	simm.s32 @p0 $0x1  }
0x13: {  	[smem:$0x3FAD] =	sst s0;
	s0 =	simm.s32 @!p1 $0x0  }
0x14: {  	s2 =	sld [smem:$0x3F91];
	s0 =	simm.s32 @p1 $0x1  }
0x15: {  	[smem:$0x3FAE] =	sst s0;
	s0 =	simm.s32 @!p2 $0x0  }
0x16: {  	s3 =	sld [smem:$0x3FDB];
	s0 =	simm.s32 @p2 $0x1  }
0x17: {  	s4 =	simm.s32 $0x1BF5;
	[smem:$0x3FB0] =	sst s0  }
0x18: {  	s0 =	sld [smem:$0x3F93];
	_ =	swait.ge [sflag:s4], $0x0  }
0x19: {  	s7 =	sld [smem:$0x3F94]  }
0x1a: {  	s8 =	sadd.s32 $0xFFFFE003, lr  }
0x1b: {  	s9 =	sadd.s32 $0xFFFFFEF7, lr;
	s5 =	simm.s32 $0xFFFFFFFF;
	p2 =	slt.u32 s8, $0xFFFFF086  }
0x1c: {  	p1 =	slt.u32 s9, $0xF7A;
	s5 =	simm.s32 @!p2 $0x0  }
0x1d: {  	s5 =	simm.s32 @p1 $0x1;
	p0 =	seq.s32 s7, s2  }
0x1e: {  	s7 =	smul.u32 @!p0 $0xF7A, s2;
	p2 =	seq.s32 @!p0 s5, $0x0  }
0x1f: {  	s9 =	smul.u32 $0xF7A, s1;
	s8 =	simm.s32 @!p0 $0x1BF5;
	p2 =	por !p2, p0  }
0x20: {  	[sflag:s8] =	ssyncset.s32 @!p0 $0xFFFFF086;
	s6 =	sadd.s32 @!p0 s3, s7;
	s7 =	simm.s32 @!p0 $0x108  }
0x21: {  	s3 =	sadd.s32 s3, s9;
	s6 =	sadd.s32 @!p0 $0x88, s6;
	s7 =	simm.s32 @p2 $0x1082  }
0x22: {  	[simem:s7], [sflag:s8] =	dma.local @!p0 [hbm:s6], $0xF7A  }
0x23: {  	s9 =	sor.u32 $0xD0000000, s2;
	s6 =	simm.s32 $0x108;
	_ =	swait.ge @!p0 [sflag:s8], $0x0  }
0x24: {  	s3 =	sadd.s32 $0x88, s3;
	s6 =	simm.s32 @!p1 $0x1082;
	[sflag:s4] =	ssyncset.s32 $0xFFFFF086  }
0x25: {  	[simem:s6], [sflag:s4] =	dma.local [hbm:s3], $0xF7A  }
0x26: {  	[smem:$0x3F94] =	sst s1;
	(tag) =	ssettag s2;
	_ =	strace s9  }
0x27: {  	s1 =	sld [smem:$0x3FA4]  }
0x28: {  	s2 =	sld [smem:$0x3FA5]  }
0x29: {  	s4 =	sld [smem:$0x3FA7]  }
0x2a: {  	p0 =	seq.s32 s5, $0x0;
	s5 =	sld [smem:$0x3FA8]  }
0x2b: {  	s6 =	sld [smem:$0x3FA9]  }
0x2c: {  	s7 =	sld [smem:$0x3FAA]  }
0x2d: {  	s3 =	simm.s32 $0x108;
	s8 =	sld [smem:$0x3FAB]  }
0x2e: {  	s3 =	simm.s32 @!p0 $0x1082;
	s9 =	sld [smem:$0x3FAC]  }
0x2f: {  	lr =	sadd.s32 s0, s3;
	s0 =	sld [smem:$0x3FA3]  }
0x30: {  	s3 =	sld [smem:$0x3FA6]  }
0x31: {  	[smem:$0x3FAF] =	sst s10  }
0x32: {  	s10 =	sld [smem:$0x3FAD];
	_ =	sdelay $0x3  }
0x33: {  	p0 =	seq.s32 s10, $0x1;
	s10 =	sld [smem:$0x3FAF];
	_ =	sdelay $0x3  }
0x34: {  	[smem:$0x3FAF] =	sst s10  }
0x35: {  	s10 =	sld [smem:$0x3FAE];
	_ =	sdelay $0x3  }
0x36: {  	p1 =	seq.s32 s10, $0x1;
	s10 =	sld [smem:$0x3FAF];
	_ =	sdelay $0x3  }
0x37: {  	[smem:$0x3FAF] =	sst s10  }
0x38: {  	s10 =	sld [smem:$0x3FB0]  }
0x39: {  	_ = 	snop;
	(pc) =	sbr.ind lr, $3  }
0x3a: {  	_ = 	snop  }
0x3b: {  	_ = 	snop  }
0x3c: {  	p2 =	seq.s32 s10, $0x1;
	s10 =	sld [smem:$0x3FAF]  }
0x3d: {  	_ =	shalt  }
0x3e: {  	_ =	shalt  }
0x3f: {  	_ =	shalt  }
0x40: {  	_ =	shalt  }
0x41: {  	_ =	shalt  }
0x42: {  	_ =	shalt  }
0x43: {  	_ =	shalt  }
0x44: {  	_ =	shalt  }
0x45: {  	_ =	shalt  }
0x46: {  	_ =	shalt  }
0x47: {  	_ =	shalt  }
0x48: {  	_ =	shalt  }
0x49: {  	_ =	shalt  }
0x4a: {  	_ =	shalt  }
0x4b: {  	_ =	shalt  }
0x4c: {  	_ =	shalt  }
0x4d: {  	_ =	shalt  }
0x4e: {  	_ =	shalt  }
0x4f: {  	_ =	shalt  }
0x50: {  	_ =	shalt  }
0x51: {  	_ =	shalt  }
0x52: {  	_ =	shalt  }
0x53: {  	_ =	shalt  }
0x54: {  	_ =	shalt  }
0x55: {  	_ =	shalt  }
0x56: {  	_ =	shalt  }
0x57: {  	_ =	shalt  }
0x58: {  	_ =	shalt  }
0x59: {  	_ =	shalt  }
0x5a: {  	_ =	shalt  }
0x5b: {  	_ =	shalt  }
0x5c: {  	_ =	shalt  }
0x5d: {  	_ =	shalt  }
0x5e: {  	_ =	shalt  }
0x5f: {  	_ =	shalt  }
0x60: {  	_ =	shalt  }
0x61: {  	_ =	shalt  }
0x62: {  	_ =	shalt  }
0x63: {  	_ =	shalt  }
0x64: {  	_ =	shalt  }
0x65: {  	_ =	shalt  }
0x66: {  	_ =	shalt  }
0x67: {  	_ =	shalt  }
0x68: {  	_ =	shalt  }
0x69: {  	_ =	shalt  }
0x6a: {  	_ =	shalt  }
0x6b: {  	_ =	shalt  }
0x6c: {  	_ =	shalt  }
0x6d: {  	_ =	shalt  }
0x6e: {  	_ =	shalt  }
0x6f: {  	_ =	shalt  }
0x70: {  	_ =	shalt  }
0x71: {  	_ =	shalt  }
0x72: {  	_ =	shalt  }
0x73: {  	_ =	shalt  }
0x74: {  	_ =	shalt  }
0x75: {  	_ =	shalt  }
0x76: {  	_ =	shalt  }
0x77: {  	_ =	shalt  }
0x78: {  	_ =	shalt  }
0x79: {  	_ =	shalt  }
0x7a: {  	_ =	shalt  }
0x7b: {  	_ =	shalt  }
0x7c: {  	_ =	shalt  }
0x7d: {  	_ =	shalt  }
0x7e: {  	_ =	shalt  }
0x7f: {  	_ =	shalt  }
0x80: {  	_ =	shalt  }
0x81: {  	_ =	shalt  }
0x82: {  	_ =	shalt  }
0x83: {  	_ =	shalt  }
0x84: {  	_ =	shalt  }
0x85: {  	_ =	shalt  }
0x86: {  	_ =	shalt  }
0x87: {  	_ =	shalt  }
.Lfunc_end0:
.L_simem_size_0:
called_computation_lowered:
.L_overlay_start_0:
0x88: {  	s2 =	sld [smem:$0x3FD9]  }
0x89: {  	s3 =	sld [smem:$0x3FFE];
	_ =	sdelay $0x1  }
0x8a: {  	s1 =	srdreg.scid  }
0x8b: {  	s0 =	sand.u32 $0x1, s1  }
0x8c: {  	s17 =	sshll.u32 s0, $0xA;
	s2 =	sadd.s32 s3, s2  }
0x8d: {  	s2 =	sadd.s32 s2, s17  }
0x8e: {  	[smem:$0x3FBB] =	sst s2  }
0x8f: {  	_ = 	snop  }
0x90: {  	s2 =	sld [smem:$0x3FD0];
	(tm) =	ssettm $0x1  }
0x91: {  	s18 =	sld [smem:$0x3FFB];
	_ =	sdelay $0x3  }
0x92: {  	_ =	strace s18  }
0x93: {  	s3 =	sld [smem:$0x3FFC];
	_ =	sdelay $0x3  }
0x94: {  	_ =	strace s3  }
0x95: {  	s3 =	sld [smem:$0x3FFD];
	_ =	sdelay $0x3  }
0x96: {  	_ =	strace s3  }
0x97: {  	_ =	strace $0x8FFFFFFF  }
0x98: {  	s19 =	sld [smem:$0x3FDB];
	_ =	sdelay $0x1  }
0x99: {  	s4 =	simm.s32 $_scs_section_size  }
0x9a: {  	s5 =	simm.s32 $_size__tile_overlayer_lowered;
	s6 =	simm.s32 $_tile_overlayer_lowered  }
0x9b: {  	s22 =	simm.s32 $0x1BFF;
	s21 =	sshll.u32 s6, $0x1;
	s3 =	sadd.s32 s4, s19  }
0x9c: {  	s7 =	simm.s32 $0x0;
	s20 =	sshll.u32 s5, $0x1;
	s5 =	sadd.s32 s21, s3  }
0x9d: {  	[timem:s7], [sflag:s22] =	dma.local [hbm:s5], s20  }
0x9e: {  	_ =	swait.ge [sflag:s22], s20  }
0x9f: {  	s4 =	ssub.s32 $0x0, s20;
	[sflag:s22] =	ssyncset.done $0x0  }
0xa0: {  	[sflag:s22] =	ssyncadd.s32 s4;
	_ =	sdelay $0x1  }
0xa1: {  	s23 =	simm.s32 $0x1B8B  }
0xa2: {  	_ =	swait.ge [sflag:s23], $0x1  }
0xa3: {  	[sflag:s23] =	ssyncset.done $0x0  }
0xa4: {  	s25 =	simm.s32 $0x1B8E;
	s24 =	sld [smem:$0x3FFE];
	[sflag:s23] =	ssyncadd.s32 $0xFFFFFFFF  }
0xa5: {  	s26 =	simm.s32 $execute0_lowered;
	[smem:$0x3FD2] =	sst s25  }
0xa6: {  	s5 =	sshll.u32 s26, $0x1;
	_ =	strace $0x80000046;
	[dreg:$0x1] =	wrdreg $0xFFFFFFFF  }
0xa7: {  	s28 =	simm.s32 $_size_execute0_lowered;
	s3 =	sadd.s32 s3, s5;
	[dreg:$0x0] =	wrdreg $0x0  }
0xa8: {  	s5 =	sshll.u32 s28, $0x1;
	[dreg:$0x2] =	wrdreg s3  }
0xa9: {  	[dreg:$0x3] =	wrdreg s5  }
0xaa: {  	[dreg:$0x4] =	wrdreg $0xC0  }
0xab: {  	_ =	task [dreg:s7], $0x5FFFF  }
0xac: {  	[dreg:$0x1] =	wrdreg $0xFFFFFFFF  }
0xad: {  	[dreg:$0x0] =	wrdreg $0x60  }
0xae: {  	[dreg:$0x2] =	wrdreg s24  }
0xaf: {  	[dreg:$0x3] =	wrdreg s2  }
0xb0: {  	[dreg:$0x4] =	wrdreg $0x2FD00  }
0xb1: {  	[dreg:$0x5] =	wrdreg $0x9  }
0xb2: {  	_ =	task.clear_ibuf [dreg:s7], $0x6FFFF;
	_ =	strace $0x90000046  }
0xb3: {  	s29 =	simm.s32 $0x9;
	_ =	strace $0x80000048  }
0xb4: {  	_ =	swait.ge [sflag:s29], $0x1  }
0xb5: {  	[sflag:s29] =	ssyncadd.s32 $0xFFFFFFFF  }
0xb6: {  	_ =	strace $0x90000048  }
0xb7: {  	_ =	sfence  }
0xb8: {  	s30 =	sld [smem:$0x0];
	_ =	sdelay $0x2  }
0xb9: {  	s31 =	sshll.u32 s1, $0xD;
	s1 =	sshrl.u32 s1, $0x2  }
0xba: {  	s3 =	sand.u32 $0x4000, s31;
	s1 =	sadd.s32 s1, s30  }
0xbb: {  	s0 =	sor.u32 s3, s0;
	s1 =	sshll.u32 s1, $0x11  }
0xbc: {  	s0 =	sor.u32 s1, s0  }
0xbd: {  	s0 =	sadd.s32 $0x8F2B, s0  }
0xbe: {  	[sflag:s0] =	ssyncadd.remote.s32 $0x1  }
0xbf: {  	_ =	sfence.sel $0xFFFF  }
0xc0: {  	[dreg:$0x0] =	wrdreg $0xFFFFFFFF;
	(pc) =	sbr.abs _section_cstart, $3  }
0xc1: {  	[dreg:$0x1] =	wrdreg $0xFFFFFFFF  }
0xc2: {  	_ =	task.clear_ibuf [dreg:s7], $0x2FFFF;
	_ =	strace $0x9FFFFFFF  }
0xc3: {  	(tm) =	ssettm $0x7FFFFFFF  }
tec
execute0_lowered:
.L_overlay_start_1:
0x0: {  	(tag) =	ssettag $0x1  }
0x1: {  	s6 =	rddreg [dreg:$0x0]  }
0x2: {  	s2 =	rddreg [dreg:$0x1]  }
0x3: {  	s0 =	srdreg.scid;
	s3 =	rddreg [dreg:$0x2]  }
0x4: {  	s4 =	simm.s32 $0x0;
	s12 =	simm.s32 $0x2800;
	s13 =	simm.s32 $0x7D  }
0x5: {  	s14 =	simm.s32 $0x10;
	s15 =	simm.s32 $0x2;
	s16 =	simm.s32 $0x0  }
0x6: {  	s5 =	sand.u32 $0x1, s0;
	s0 =	stileid.u32;
	[smem:$0x7FF] =	sst s4  }
0x7: {  	s7 =	sshll.u32 s5, $0x4;
	s9 =	smul.u32 $0x14000, s0;
	s28 =	ssub.s32 $0x2, s5  }
0x8: {  	s10 =	smul.u32 $0xA000, s0;
	s5 =	sadd.s32 $0xE400, s6;
	s1 =	sor.u32 s0, s7  }
0x9: {  	s31 =	sshll.u32 s0, $0x6;
	s29 =	sshrl.u32 s28, $0x1;
	s8 =	smul.u32 $0x500, s1  }
0xa: {  	s1 =	rddreg [dreg:$0x3];
	_ =	strace $0x80000047;
	s7 =	sor.u32 s7, s9  }
0xb: {  	s9 =	ssub.s32 s28, s29;
	s30 =	sshrl.u32 s10, $0x2;
	s7 =	sshrl.u32 s7, $0x3  }
0xc: {  	s10 =	sadd.s32 s30, s3;
	s9 =	smax.u32 s9, $0x1;
	s8 =	sadd.s32 s8, s6  }
0xd: {  	s11 =	sadd.s32 s7, s6;
	s6 =	sor.u32 $0x1C01, s31;
	s10 =	sshrl.u32 s10, $0x3  }
0xe: {  	s7 =	sadd.s32 $0x4400, s8;
	s8 =	sadd.s32 $0xEA00, s11;
	s11 =	simm.s32 $0x1  }
.LBB2_1:
0xf: {  	[spmem:s10], [sflag:s6] =	dma.local [hbm:s5], $0x500  }
0x10: {  	_ =	swait.ge [sflag:s11], $0x500  }
0x11: {  	[sflag:s11] =	ssyncset.done $0x0  }
0x12: {  	[sflag:s11] =	ssyncadd.s32 $0xFFFFFB00  }
0x13: {  	[tilespmem:s4], [sflag:$0x1] =	stream.linear.gather [hbm4b:s7+s4], $0x2800, $0x38;
	[tilespmem:$0x57D0] =	vst v63  }
0x14: {  	_ =	swait.ge [sflag:s11], $0x2800  }
0x15: {  	[sflag:s11] =	ssyncset.done $0x0  }
0x16: {  	[sflag:s11] =	ssyncadd.s32 $0xFFFFD800  }
0x17: {  	[tilespmem:s12], [sflag:$0x1] =	stream.linear.gather [hbm4b:s2+s4], $0x7D0, $0x38;
	[tilespmem:$0x57D0] =	vst v63  }
0x18: {  	_ =	swait.ge [sflag:s11], $0x7D0  }
0x19: {  	[sflag:s11] =	ssyncset.done $0x0  }
0x1a: {  	[sflag:s11] =	ssyncadd.s32 $0xFFFFF830  }
0x1b: {  	s17 =	simm.s32 $0x0;
	[bflag:$0x0] =	sbarrier.arrive $0xFFFF  }
0x1c: {  	[spmem:s3] =	stream.indirect.scatter.add.f32 [tilespmem:s12], [sflag:$0x1], $0x10, s17, s13, $0xb8;
	[tilespmem:$0x57D0] =	vst v63  }
0x1d: {  	_ =	swait.ge [sflag:s11], $0x7D0  }
0x1e: {  	s17 =	simm.s32 $0x200;
	[sflag:s11] =	ssyncset.done $0x0  }
.LBB2_2:
0x1f: {  	s18 =	sshra.s32 s17, $0x2;
	[sflag:s11] =	ssyncadd.s32 $0xFFFFF830;
	p0 =	sne.s32 s17, $0x9E00  }
0x20: {  	[spmem:s3] =	stream.indirect.scatter.add.f32 [tilespmem:s12], [sflag:$0x1], $0x10, s18, s13, $0xb8;
	[tilespmem:$0x57D0] =	vst v63  }
.Ltmp0:
0x21: {  	_ = 	snop;
	(pc) =	sbr.rel @p0 .LBB2_2-.Ltmp0, $4  }
0x22: {  	_ = 	snop  }
0x23: {  	s17 =	sadd.s32 $0x200, s17  }
0x24: {  	_ =	swait.ge [sflag:s11], $0x7D0  }
0x25: {  	[sflag:s11] =	ssyncset.done $0x0  }
0x26: {  	s16 =	sadd.s32 $0x1, s16  }
0x27: {  	[sflag:s11] =	ssyncadd.s32 $0xFFFFF830;
	p0 =	sne.s32 s16, s9  }
.Ltmp1:
0x28: {  	[bflag:$0x0] =	sbarrier.arrive $0xFFFF;
	(pc) =	sbr.rel @p0 .LBB2_1-.Ltmp1, $4  }
0x29: {  	[hbm:s8@s14], [sflag:s6] =	dma.strided [spmem:s10@s15], $0x500, s11, $0x2   }
0x2a: {  	_ =	swait.ge [sflag:s11], $0x500  }
0x2b: {  	[sflag:s11] =	ssyncset.done $0x0  }
0x2c: {  	[sflag:s11] =	ssyncadd.s32 $0xFFFFFB00  }
0x2d: {  	_ =	sfence.sel $0x180000  }
0x2e: {  	[bflag:$0x0] =	sbarrier.arrive $0xFFFF  }
0x2f: {  	p0 =	sne.s32 s0, $0x0;
	_ =	strace $0x90000047  }
0x30: {  	s0 =	sadd.s32 @!p0 $0x100000, s1;
	[bflag:$0x2] =	sbarrier.arrive $0xFFFF  }
0x31: {  	[sflag:s0] =	ssyncadd.tile.s32 @!p0 $0x1;
	_ =	shalt  }
.Lfunc_end2:
_tile_overlayer_lowered:
.L_overlay_start_2:
0x32: {  	(tag) =	ssettag $0x2  }
0x33: {  	s0 =	rddreg [dreg:$0x0];
	s2 =	stileid.u32  }
0x34: {  	s1 =	rddreg [dreg:$0x1];
	p0 =	sne.s32 s2, $0x0  }
0x35: {  	s3 =	rddreg [dreg:$0x2];
	[bflag:$0x3] =	sbarrier.arrive $0xFFFF;
	s2 =	simm.s32 @!p0 $0x1C01  }
0x36: {  	[timem:s3], [sflag:s2] =	dma.local @!p0 [hbm:s0], s1  }
0x37: {  	s0 =	simm.s32 @!p0 $0x1  }
0x38: {  	_ =	swait.ge @!p0 [sflag:s0], s1  }
0x39: {  	s1 =	ssub.s32 @!p0 $0x0, s1;
	[sflag:s0] =	ssyncset.done @!p0 $0x0  }
0x3a: {  	[sflag:s0] =	ssyncadd.s32 @!p0 s1  }
0x3b: {  	[bflag:$0x3] =	sbarrier.arrive $0xFFFF  }
0x3c: {  	_ =	shalt  }

// kernel: kernel.13.cloned.1.call-start
scs
__scs_entry_jumppad:
0x0: {  	(pc) =	sbr.rel $0x88, $3  }
0x1: {  	(tag) =	ssettag $0x0;
	lr =	simm.s32 $0x1  }
0x2: {  	[smem:$0x3F94] =	sst lr;
	_ =	strace $0xD0000000  }
0x3: {  	_ = 	snop  }
0x4: {  	_ = 	snop  }
0x5: {  	_ = 	snop  }
0x6: {  	_ = 	snop  }
0x7: {  	_ = 	snop  }
__scs_overlays_trampoline_lowered:
0x8: {  	[smem:$0x3FA3] =	sst s0  }
0x9: {  	[smem:$0x3FA4] =	sst s1  }
0xa: {  	[smem:$0x3FA5] =	sst s2  }
0xb: {  	[smem:$0x3FA6] =	sst s3  }
0xc: {  	[smem:$0x3FA7] =	sst s4  }
0xd: {  	[smem:$0x3FA8] =	sst s5  }
0xe: {  	[smem:$0x3FA9] =	sst s6  }
0xf: {  	[smem:$0x3FAA] =	sst s7  }
0x10: {  	[smem:$0x3FAB] =	sst s8  }
0x11: {  	[smem:$0x3FAC] =	sst s9;
	s0 =	simm.s32 @!p0 $0x0  }
0x12: {  	s1 =	sld [smem:$0x3F92];
	s0 =	simm.s32 @p0 $0x1  }
0x13: {  	[smem:$0x3FAD] =	sst s0;
	s0 =	simm.s32 @!p1 $0x0  }
0x14: {  	s2 =	sld [smem:$0x3F91];
	s0 =	simm.s32 @p1 $0x1  }
0x15: {  	[smem:$0x3FAE] =	sst s0;
	s0 =	simm.s32 @!p2 $0x0  }
0x16: {  	s3 =	sld [smem:$0x3FDB];
	s0 =	simm.s32 @p2 $0x1  }
0x17: {  	s4 =	simm.s32 $0x1BF5;
	[smem:$0x3FB0] =	sst s0  }
0x18: {  	s0 =	sld [smem:$0x3F93];
	_ =	swait.ge [sflag:s4], $0x0  }
0x19: {  	s7 =	sld [smem:$0x3F94]  }
0x1a: {  	s8 =	sadd.s32 $0xFFFFE003, lr  }
0x1b: {  	s9 =	sadd.s32 $0xFFFFFEF7, lr;
	s5 =	simm.s32 $0xFFFFFFFF;
	p2 =	slt.u32 s8, $0xFFFFF086  }
0x1c: {  	p1 =	slt.u32 s9, $0xF7A;
	s5 =	simm.s32 @!p2 $0x0  }
0x1d: {  	s5 =	simm.s32 @p1 $0x1;
	p0 =	seq.s32 s7, s2  }
0x1e: {  	s7 =	smul.u32 @!p0 $0xF7A, s2;
	p2 =	seq.s32 @!p0 s5, $0x0  }
0x1f: {  	s9 =	smul.u32 $0xF7A, s1;
	s8 =	simm.s32 @!p0 $0x1BF5;
	p2 =	por !p2, p0  }
0x20: {  	[sflag:s8] =	ssyncset.s32 @!p0 $0xFFFFF086;
	s6 =	sadd.s32 @!p0 s3, s7;
	s7 =	simm.s32 @!p0 $0x108  }
0x21: {  	s3 =	sadd.s32 s3, s9;
	s6 =	sadd.s32 @!p0 $0x88, s6;
	s7 =	simm.s32 @p2 $0x1082  }
0x22: {  	[simem:s7], [sflag:s8] =	dma.local @!p0 [hbm:s6], $0xF7A  }
0x23: {  	s9 =	sor.u32 $0xD0000000, s2;
	s6 =	simm.s32 $0x108;
	_ =	swait.ge @!p0 [sflag:s8], $0x0  }
0x24: {  	s3 =	sadd.s32 $0x88, s3;
	s6 =	simm.s32 @!p1 $0x1082;
	[sflag:s4] =	ssyncset.s32 $0xFFFFF086  }
0x25: {  	[simem:s6], [sflag:s4] =	dma.local [hbm:s3], $0xF7A  }
0x26: {  	[smem:$0x3F94] =	sst s1;
	(tag) =	ssettag s2;
	_ =	strace s9  }
0x27: {  	s1 =	sld [smem:$0x3FA4]  }
0x28: {  	s2 =	sld [smem:$0x3FA5]  }
0x29: {  	s4 =	sld [smem:$0x3FA7]  }
0x2a: {  	p0 =	seq.s32 s5, $0x0;
	s5 =	sld [smem:$0x3FA8]  }
0x2b: {  	s6 =	sld [smem:$0x3FA9]  }
0x2c: {  	s7 =	sld [smem:$0x3FAA]  }
0x2d: {  	s3 =	simm.s32 $0x108;
	s8 =	sld [smem:$0x3FAB]  }
0x2e: {  	s3 =	simm.s32 @!p0 $0x1082;
	s9 =	sld [smem:$0x3FAC]  }
0x2f: {  	lr =	sadd.s32 s0, s3;
	s0 =	sld [smem:$0x3FA3]  }
0x30: {  	s3 =	sld [smem:$0x3FA6]  }
0x31: {  	[smem:$0x3FAF] =	sst s10  }
0x32: {  	s10 =	sld [smem:$0x3FAD];
	_ =	sdelay $0x3  }
0x33: {  	p0 =	seq.s32 s10, $0x1;
	s10 =	sld [smem:$0x3FAF];
	_ =	sdelay $0x3  }
0x34: {  	[smem:$0x3FAF] =	sst s10  }
0x35: {  	s10 =	sld [smem:$0x3FAE];
	_ =	sdelay $0x3  }
0x36: {  	p1 =	seq.s32 s10, $0x1;
	s10 =	sld [smem:$0x3FAF];
	_ =	sdelay $0x3  }
0x37: {  	[smem:$0x3FAF] =	sst s10  }
0x38: {  	s10 =	sld [smem:$0x3FB0]  }
0x39: {  	_ = 	snop;
	(pc) =	sbr.ind lr, $3  }
0x3a: {  	_ = 	snop  }
0x3b: {  	_ = 	snop  }
0x3c: {  	p2 =	seq.s32 s10, $0x1;
	s10 =	sld [smem:$0x3FAF]  }
0x3d: {  	_ =	shalt  }
0x3e: {  	_ =	shalt  }
0x3f: {  	_ =	shalt  }
0x40: {  	_ =	shalt  }
0x41: {  	_ =	shalt  }
0x42: {  	_ =	shalt  }
0x43: {  	_ =	shalt  }
0x44: {  	_ =	shalt  }
0x45: {  	_ =	shalt  }
0x46: {  	_ =	shalt  }
0x47: {  	_ =	shalt  }
0x48: {  	_ =	shalt  }
0x49: {  	_ =	shalt  }
0x4a: {  	_ =	shalt  }
0x4b: {  	_ =	shalt  }
0x4c: {  	_ =	shalt  }
0x4d: {  	_ =	shalt  }
0x4e: {  	_ =	shalt  }
0x4f: {  	_ =	shalt  }
0x50: {  	_ =	shalt  }
0x51: {  	_ =	shalt  }
0x52: {  	_ =	shalt  }
0x53: {  	_ =	shalt  }
0x54: {  	_ =	shalt  }
0x55: {  	_ =	shalt  }
0x56: {  	_ =	shalt  }
0x57: {  	_ =	shalt  }
0x58: {  	_ =	shalt  }
0x59: {  	_ =	shalt  }
0x5a: {  	_ =	shalt  }
0x5b: {  	_ =	shalt  }
0x5c: {  	_ =	shalt  }
0x5d: {  	_ =	shalt  }
0x5e: {  	_ =	shalt  }
0x5f: {  	_ =	shalt  }
0x60: {  	_ =	shalt  }
0x61: {  	_ =	shalt  }
0x62: {  	_ =	shalt  }
0x63: {  	_ =	shalt  }
0x64: {  	_ =	shalt  }
0x65: {  	_ =	shalt  }
0x66: {  	_ =	shalt  }
0x67: {  	_ =	shalt  }
0x68: {  	_ =	shalt  }
0x69: {  	_ =	shalt  }
0x6a: {  	_ =	shalt  }
0x6b: {  	_ =	shalt  }
0x6c: {  	_ =	shalt  }
0x6d: {  	_ =	shalt  }
0x6e: {  	_ =	shalt  }
0x6f: {  	_ =	shalt  }
0x70: {  	_ =	shalt  }
0x71: {  	_ =	shalt  }
0x72: {  	_ =	shalt  }
0x73: {  	_ =	shalt  }
0x74: {  	_ =	shalt  }
0x75: {  	_ =	shalt  }
0x76: {  	_ =	shalt  }
0x77: {  	_ =	shalt  }
0x78: {  	_ =	shalt  }
0x79: {  	_ =	shalt  }
0x7a: {  	_ =	shalt  }
0x7b: {  	_ =	shalt  }
0x7c: {  	_ =	shalt  }
0x7d: {  	_ =	shalt  }
0x7e: {  	_ =	shalt  }
0x7f: {  	_ =	shalt  }
0x80: {  	_ =	shalt  }
0x81: {  	_ =	shalt  }
0x82: {  	_ =	shalt  }
0x83: {  	_ =	shalt  }
0x84: {  	_ =	shalt  }
0x85: {  	_ =	shalt  }
0x86: {  	_ =	shalt  }
0x87: {  	_ =	shalt  }
.Lfunc_end0:
.L_simem_size_0:
called_computation.1_lowered:
.L_overlay_start_0:
0x88: {  	s2 =	sld [smem:$0x3FD9]  }
0x89: {  	s3 =	sld [smem:$0x3FFE];
	_ =	sdelay $0x1  }
0x8a: {  	s1 =	srdreg.scid  }
0x8b: {  	s0 =	sand.u32 $0x1, s1  }
0x8c: {  	s16 =	sshll.u32 s0, $0xA;
	s2 =	sadd.s32 s3, s2  }
0x8d: {  	s2 =	sadd.s32 s2, s16  }
0x8e: {  	[smem:$0x3FBB] =	sst s2  }
0x8f: {  	_ = 	snop  }
0x90: {  	(tm) =	ssettm $0x1  }
0x91: {  	s17 =	sld [smem:$0x3FFB];
	_ =	sdelay $0x3  }
0x92: {  	_ =	strace s17  }
0x93: {  	s2 =	sld [smem:$0x3FFC];
	_ =	sdelay $0x3  }
0x94: {  	_ =	strace s2  }
0x95: {  	s2 =	sld [smem:$0x3FFD];
	_ =	sdelay $0x3  }
0x96: {  	_ =	strace s2  }
0x97: {  	_ =	strace $0x8FFFFFFF  }
0x98: {  	s18 =	sld [smem:$0x3FDB];
	_ =	sdelay $0x1  }
0x99: {  	s19 =	simm.s32 $_scs_section_size  }
0x9a: {  	s4 =	simm.s32 $_size__tile_overlayer_lowered;
	s5 =	simm.s32 $_tile_overlayer_lowered  }
0x9b: {  	s22 =	simm.s32 $0x1BFF;
	s21 =	sshll.u32 s5, $0x1;
	s2 =	sadd.s32 s19, s18  }
0x9c: {  	s6 =	simm.s32 $0x0;
	s20 =	sshll.u32 s4, $0x1;
	s4 =	sadd.s32 s21, s2  }
0x9d: {  	[timem:s6], [sflag:s22] =	dma.local [hbm:s4], s20  }
0x9e: {  	_ =	swait.ge [sflag:s22], s20  }
0x9f: {  	s3 =	ssub.s32 $0x0, s20;
	[sflag:s22] =	ssyncset.done $0x0  }
0xa0: {  	[sflag:s22] =	ssyncadd.s32 s3;
	_ =	sdelay $0x1  }
0xa1: {  	s23 =	simm.s32 $0x1B8B  }
0xa2: {  	_ =	swait.ge [sflag:s23], $0x1  }
0xa3: {  	[sflag:s23] =	ssyncset.done $0x0  }
0xa4: {  	s25 =	simm.s32 $0x1B8E;
	s24 =	sld [smem:$0x3FFE];
	[sflag:s23] =	ssyncadd.s32 $0xFFFFFFFF  }
0xa5: {  	s26 =	simm.s32 $execute0_lowered;
	[smem:$0x3FD2] =	sst s25  }
0xa6: {  	s4 =	sshll.u32 s26, $0x1;
	_ =	strace $0x80000049;
	[dreg:$0x1] =	wrdreg $0xFFFFFFFF  }
0xa7: {  	s28 =	simm.s32 $_size_execute0_lowered;
	s2 =	sadd.s32 s2, s4;
	[dreg:$0x0] =	wrdreg $0x0  }
0xa8: {  	s4 =	sshll.u32 s28, $0x1;
	[dreg:$0x2] =	wrdreg s2  }
0xa9: {  	[dreg:$0x3] =	wrdreg s4  }
0xaa: {  	[dreg:$0x4] =	wrdreg $0xC0  }
0xab: {  	_ =	task [dreg:s6], $0x5FFFF  }
0xac: {  	[dreg:$0x1] =	wrdreg $0xFFFFFFFF  }
0xad: {  	[dreg:$0x0] =	wrdreg $0x60  }
0xae: {  	[dreg:$0x2] =	wrdreg s24  }
0xaf: {  	[dreg:$0x3] =	wrdreg $0x11D000  }
0xb0: {  	[dreg:$0x4] =	wrdreg $0x9  }
0xb1: {  	_ =	task.clear_ibuf [dreg:s6], $0x5FFFF;
	_ =	strace $0x90000049  }
0xb2: {  	s29 =	simm.s32 $0x9;
	_ =	strace $0x8000004B  }
0xb3: {  	_ =	swait.ge [sflag:s29], $0x1  }
0xb4: {  	[sflag:s29] =	ssyncadd.s32 $0xFFFFFFFF  }
0xb5: {  	_ =	strace $0x9000004B  }
0xb6: {  	_ =	sfence  }
0xb7: {  	s30 =	sld [smem:$0x0];
	_ =	sdelay $0x2  }
0xb8: {  	s31 =	sshll.u32 s1, $0xD;
	s1 =	sshrl.u32 s1, $0x2  }
0xb9: {  	s3 =	sand.u32 $0x4000, s31;
	s1 =	sadd.s32 s1, s30  }
0xba: {  	s0 =	sor.u32 s3, s0;
	s1 =	sshll.u32 s1, $0x11  }
0xbb: {  	s0 =	sor.u32 s1, s0  }
0xbc: {  	s0 =	sadd.s32 $0x8F2B, s0  }
0xbd: {  	[sflag:s0] =	ssyncadd.remote.s32 $0x1  }
0xbe: {  	_ =	sfence.sel $0xFFFF  }
0xbf: {  	[dreg:$0x0] =	wrdreg $0xFFFFFFFF;
	(pc) =	sbr.abs _section_cstart, $3  }
0xc0: {  	[dreg:$0x1] =	wrdreg $0xFFFFFFFF  }
0xc1: {  	_ =	task.clear_ibuf [dreg:s6], $0x2FFFF;
	_ =	strace $0x9FFFFFFF  }
0xc2: {  	(tm) =	ssettm $0x7FFFFFFF  }
0xc3: {  	_ =	shalt  }
tec
execute0_lowered:
.L_overlay_start_1:
0x0: {  	(tag) =	ssettag $0x1  }
0x1: {  	s0 =	rddreg [dreg:$0x0];
	s1 =	srdreg.scid  }
0x2: {  	s12 =	stileid.u32;
	s2 =	rddreg [dreg:$0x1];
	s3 =	simm.s32 $0x0  }
0x3: {  	s14 =	simm.s32 $0x7D;
	s15 =	simm.s32 $0xA000;
	s17 =	simm.s32 $0xBF40  }
0x4: {  	s19 =	simm.s32 $0xDE80;
	s20 =	simm.s32 $0x1;
	s21 =	simm.s32 $0xFDC0  }
0x5: {  	s22 =	simm.s32 $0x5;
	s23 =	simm.s32 $0x2;
	s24 =	simm.s32 $0x3  }
0x6: {  	s28 =	simm.s32 $0x4F80;
	s29 =	simm.s32 $0x9E80;
	s5 =	smul.u32 $0x5000, s12  }
0x7: {  	s30 =	simm.s32 $0x9F00;
	s31 =	simm.s32 $0x9F80;
	s7 =	smul.u32 $0x14000, s12  }
0x8: {  	s1 =	sand.u32 $0x1, s1;
	[smem:$0x7FF] =	sst s3;
	s9 =	smul.u32 $0x28000, s12  }
0x9: {  	s4 =	sadd.s32 $0x4400, s0;
	s26 =	sshll.u32 s12, $0x6;
	s6 =	smul.u32 $0x50000, s1  }
0xa: {  	_ =	strace $0x8000004A;
	s25 =	sshll.u32 s1, $0x6;
	s1 =	ssub.s32 $0x2, s1  }
0xb: {  	s12 =	sor.u32 $0x1C06, s26;
	s7 =	sor.u32 s25, s7;
	s10 =	sshrl.u32 s1, $0x1  }
0xc: {  	s9 =	sshrl.u32 s9, $0x2;
	s25 =	simm.s32 $0x4;
	s6 =	sadd.s32 s5, s6  }
0xd: {  	s5 =	sshrl.u32 s5, $0x3;
	s7 =	sshrl.u32 s7, $0x3;
	s1 =	ssub.s32 s1, s10  }
0xe: {  	s11 =	sadd.s32 s9, s2;
	s10 =	simm.s32 $0x6;
	s6 =	sshrl.u32 s6, $0x3  }
0xf: {  	s8 =	sadd.s32 s5, s0;
	s5 =	sadd.s32 $0x2B600, s0;
	s9 =	smax.u32 s1, $0x1  }
0x10: {  	s13 =	sshrl.u32 s11, $0x3;
	s1 =	simm.s32 $0x10;
	s11 =	simm.s32 $0x0  }
0x11: {  	s6 =	sadd.s32 s6, s0;
	s0 =	sadd.s32 s7, s0;
	s7 =	sadd.s32 $0x4AA00, s8  }
0x12: {  	s6 =	sadd.s32 $0x36A00, s6;
	s8 =	sadd.s32 $0x54A00, s0;
	s0 =	simm.s32 $0x8  }
.LBB2_1:
0x13: {  	[tilespmem:s3], [sflag:$0x6] =	stream.linear.gather [hbm4b:s6+s3], $0x5000, $0x38;
	[tilespmem:$0x1BD00] =	vst v63  }
0x14: {  	_ =	swait.ge [sflag:s10], $0x5000  }
0x15: {  	[sflag:s10] =	ssyncset.done $0x0  }
0x16: {  	s16 =	simm.s32 $0x5000;
	[sflag:s10] =	ssyncadd.s32 $0xFFFFB000  }
0x17: {  	[tilespmem:s16], [sflag:$0x6] =	stream.linear.gather [hbm4b:s7+s3], $0x5000, $0x38;
	[tilespmem:$0x1BD00] =	vst v63  }
0x18: {  	_ =	swait.ge [sflag:s10], $0x5000  }
0x19: {  	[sflag:s10] =	ssyncset.done $0x0  }
0x1a: {  	[sflag:s10] =	ssyncadd.s32 $0xFFFFB000  }
0x1b: {  	[spmem:s13], [sflag:s12] =	dma.local [hbm:s5], $0x1400  }
0x1c: {  	_ =	swait.ge [sflag:s10], $0x1400  }
0x1d: {  	[sflag:s10] =	ssyncset.done $0x0  }
0x1e: {  	[sflag:s10] =	ssyncadd.s32 $0xFFFFEC00  }
0x1f: {  	[bflag:$0x0] =	sbarrier.arrive $0xFFFF  }
0x20: {  	[tilespmem:s15], [sflag:$0x1] =	stream.indirect.gather [hbm4b:s4+s14], $0x40, s3, s14, $0xb8;
	[tilespmem:$0x1BD00] =	vst v63  }
0x21: {  	s18 =	simm.s32 $0x80  }
0x22: {  	[tilespmem:s17], [sflag:$0x2] =	stream.indirect.gather [hbm4b:s4+s14], $0x40, s18, s14, $0xb8;
	[tilespmem:$0x1BD00] =	vst v63  }
0x23: {  	s26 =	simm.s32 $0x100  }
0x24: {  	[tilespmem:s19], [sflag:$0x3] =	stream.indirect.gather [hbm4b:s4+s14], $0x40, s26, s14, $0xb8;
	[tilespmem:$0x1BD00] =	vst v63  }
0x25: {  	_ =	swait.ge [sflag:s20], $0x1F40  }
0x26: {  	[sflag:s20] =	ssyncset.done $0x0  }
0x27: {  	s18 =	simm.s32 $0x5000;
	[sflag:s20] =	ssyncadd.s32 $0xFFFFE0C0  }
0x28: {  	[spmem:s2] =	stream.indirect.scatter.add.f32 [tilespmem:s15], [sflag:$0x5], $0x40, s18, s14, $0xb8;
	[tilespmem:$0x1BD00] =	vst v63  }
0x29: {  	s26 =	simm.s32 $0x180  }
0x2a: {  	[tilespmem:s21], [sflag:$0x4] =	stream.indirect.gather [hbm4b:s4+s14], $0x40, s26, s14, $0xb8;
	[tilespmem:$0x1BD00] =	vst v63  }
0x2b: {  	_ =	swait.ge [sflag:s22], $0x1F40  }
0x2c: {  	[sflag:s22] =	ssyncset.done $0x0  }
0x2d: {  	[sflag:s22] =	ssyncadd.s32 $0xFFFFE0C0  }
0x2e: {  	_ =	swait.ge [sflag:s23], $0x1F40  }
0x2f: {  	[sflag:s23] =	ssyncset.done $0x0  }
0x30: {  	s18 =	simm.s32 $0x5080;
	[sflag:s23] =	ssyncadd.s32 $0xFFFFE0C0  }
0x31: {  	[spmem:s2] =	stream.indirect.scatter.add.f32 [tilespmem:s17], [sflag:$0x5], $0x40, s18, s14, $0xb8;
	[tilespmem:$0x1BD00] =	vst v63  }
0x32: {  	s26 =	simm.s32 $0x200  }
0x33: {  	[tilespmem:s15], [sflag:$0x1] =	stream.indirect.gather [hbm4b:s4+s14], $0x40, s26, s14, $0xb8;
	[tilespmem:$0x1BD00] =	vst v63  }
0x34: {  	_ =	swait.ge [sflag:s22], $0x1F40  }
0x35: {  	[sflag:s22] =	ssyncset.done $0x0  }
0x36: {  	[sflag:s22] =	ssyncadd.s32 $0xFFFFE0C0  }
0x37: {  	_ =	swait.ge [sflag:s24], $0x1F40  }
0x38: {  	[sflag:s24] =	ssyncset.done $0x0  }
0x39: {  	s18 =	simm.s32 $0x5100;
	[sflag:s24] =	ssyncadd.s32 $0xFFFFE0C0  }
0x3a: {  	[spmem:s2] =	stream.indirect.scatter.add.f32 [tilespmem:s19], [sflag:$0x5], $0x40, s18, s14, $0xb8;
	[tilespmem:$0x1BD00] =	vst v63  }
0x3b: {  	s26 =	simm.s32 $0x280  }
0x3c: {  	[tilespmem:s17], [sflag:$0x2] =	stream.indirect.gather [hbm4b:s4+s14], $0x40, s26, s14, $0xb8;
	[tilespmem:$0x1BD00] =	vst v63  }
0x3d: {  	_ =	swait.ge [sflag:s22], $0x1F40  }
0x3e: {  	[sflag:s22] =	ssyncset.done $0x0  }
0x3f: {  	[sflag:s22] =	ssyncadd.s32 $0xFFFFE0C0  }
0x40: {  	_ =	swait.ge [sflag:s25], $0x1F40  }
0x41: {  	[sflag:s25] =	ssyncset.done $0x0  }
0x42: {  	s18 =	simm.s32 $0x5180;
	[sflag:s25] =	ssyncadd.s32 $0xFFFFE0C0  }
0x43: {  	[spmem:s2] =	stream.indirect.scatter.add.f32 [tilespmem:s21], [sflag:$0x5], $0x40, s18, s14, $0xb8;
	[tilespmem:$0x1BD00] =	vst v63  }
0x44: {  	s26 =	simm.s32 $0x300  }
0x45: {  	[tilespmem:s19], [sflag:$0x3] =	stream.indirect.gather [hbm4b:s4+s14], $0x40, s26, s14, $0xb8;
	[tilespmem:$0x1BD00] =	vst v63  }
0x46: {  	_ =	swait.ge [sflag:s22], $0x1F40  }
0x47: {  	s16 =	simm.s32 $0x800;
	[sflag:s22] =	ssyncset.done $0x0  }
.LBB2_2:
0x48: {  	p0 =	sne.s32 s16, $0x13000  }
0x49: {  	[sflag:s22] =	ssyncadd.s32 $0xFFFFE0C0;
	s18 =	smov.u32 s16;
	s16 =	sadd.s32 $0x800, s16  }
0x4a: {  	_ = 	snop  }
0x4b: {  	_ =	swait.ge [sflag:s20], $0x1F40  }
0x4c: {  	s18 =	sshra.s32 s18, $0x2;
	[sflag:s20] =	ssyncset.done $0x0  }
0x4d: {  	s26 =	sadd.s32 $0x5000, s18;
	[sflag:s20] =	ssyncadd.s32 $0xFFFFE0C0  }
0x4e: {  	[spmem:s2] =	stream.indirect.scatter.add.f32 [tilespmem:s15], [sflag:$0x5], $0x40, s26, s14, $0xb8;
	[tilespmem:$0x1BD00] =	vst v63  }
0x4f: {  	s26 =	sadd.s32 $0x180, s18  }
0x50: {  	[tilespmem:s21], [sflag:$0x4] =	stream.indirect.gather [hbm4b:s4+s14], $0x40, s26, s14, $0xb8;
	[tilespmem:$0x1BD00] =	vst v63  }
0x51: {  	_ =	swait.ge [sflag:s22], $0x1F40  }
0x52: {  	[sflag:s22] =	ssyncset.done $0x0  }
0x53: {  	[sflag:s22] =	ssyncadd.s32 $0xFFFFE0C0  }
0x54: {  	_ =	swait.ge [sflag:s23], $0x1F40  }
0x55: {  	[sflag:s23] =	ssyncset.done $0x0  }
0x56: {  	s26 =	sadd.s32 $0x5080, s18;
	[sflag:s23] =	ssyncadd.s32 $0xFFFFE0C0  }
0x57: {  	[spmem:s2] =	stream.indirect.scatter.add.f32 [tilespmem:s17], [sflag:$0x5], $0x40, s26, s14, $0xb8;
	[tilespmem:$0x1BD00] =	vst v63  }
0x58: {  	s26 =	sadd.s32 $0x200, s18  }
0x59: {  	[tilespmem:s15], [sflag:$0x1] =	stream.indirect.gather [hbm4b:s4+s14], $0x40, s26, s14, $0xb8;
	[tilespmem:$0x1BD00] =	vst v63  }
0x5a: {  	_ =	swait.ge [sflag:s22], $0x1F40  }
0x5b: {  	[sflag:s22] =	ssyncset.done $0x0  }
0x5c: {  	[sflag:s22] =	ssyncadd.s32 $0xFFFFE0C0  }
0x5d: {  	_ =	swait.ge [sflag:s24], $0x1F40  }
0x5e: {  	[sflag:s24] =	ssyncset.done $0x0  }
0x5f: {  	s26 =	sadd.s32 $0x5100, s18;
	[sflag:s24] =	ssyncadd.s32 $0xFFFFE0C0  }
0x60: {  	[spmem:s2] =	stream.indirect.scatter.add.f32 [tilespmem:s19], [sflag:$0x5], $0x40, s26, s14, $0xb8;
	[tilespmem:$0x1BD00] =	vst v63  }
0x61: {  	s26 =	sadd.s32 $0x280, s18  }
0x62: {  	[tilespmem:s17], [sflag:$0x2] =	stream.indirect.gather [hbm4b:s4+s14], $0x40, s26, s14, $0xb8;
	[tilespmem:$0x1BD00] =	vst v63  }
0x63: {  	_ =	swait.ge [sflag:s22], $0x1F40  }
0x64: {  	[sflag:s22] =	ssyncset.done $0x0  }
0x65: {  	[sflag:s22] =	ssyncadd.s32 $0xFFFFE0C0  }
0x66: {  	_ =	swait.ge [sflag:s25], $0x1F40  }
0x67: {  	[sflag:s25] =	ssyncset.done $0x0  }
0x68: {  	s26 =	sadd.s32 $0x5180, s18;
	[sflag:s25] =	ssyncadd.s32 $0xFFFFE0C0  }
0x69: {  	[spmem:s2] =	stream.indirect.scatter.add.f32 [tilespmem:s21], [sflag:$0x5], $0x40, s26, s14, $0xb8;
	[tilespmem:$0x1BD00] =	vst v63  }
.Ltmp0:
0x6a: {  	_ = 	snop;
	(pc) =	sbr.rel @p0 .LBB2_2-.Ltmp0, $4  }
0x6b: {  	s18 =	sadd.s32 $0x300, s18  }
0x6c: {  	[tilespmem:s19], [sflag:$0x3] =	stream.indirect.gather [hbm4b:s4+s14], $0x40, s18, s14, $0xb8;
	[tilespmem:$0x1BD00] =	vst v63  }
0x6d: {  	_ =	swait.ge [sflag:s22], $0x1F40  }
0x6e: {  	[sflag:s22] =	ssyncset.done $0x0  }
0x6f: {  	[sflag:s22] =	ssyncadd.s32 $0xFFFFE0C0  }
0x70: {  	_ =	swait.ge [sflag:s20], $0x1F40  }
0x71: {  	[sflag:s20] =	ssyncset.done $0x0  }
0x72: {  	s16 =	simm.s32 $0x9E00;
	[sflag:s20] =	ssyncadd.s32 $0xFFFFE0C0  }
0x73: {  	[spmem:s2] =	stream.indirect.scatter.add.f32 [tilespmem:s15], [sflag:$0x5], $0x40, s16, s14, $0xb8;
	[tilespmem:$0x1BD00] =	vst v63  }
0x74: {  	_ = 	snop  }
0x75: {  	[tilespmem:s21], [sflag:$0x4] =	stream.indirect.gather [hbm4b:s4+s14], $0x40, s28, s14, $0xb8;
	[tilespmem:$0x1BD00] =	vst v63  }
0x76: {  	_ =	swait.ge [sflag:s22], $0x1F40  }
0x77: {  	[sflag:s22] =	ssyncset.done $0x0  }
0x78: {  	[sflag:s22] =	ssyncadd.s32 $0xFFFFE0C0  }
0x79: {  	_ =	swait.ge [sflag:s23], $0x1F40  }
0x7a: {  	[sflag:s23] =	ssyncset.done $0x0  }
0x7b: {  	[sflag:s23] =	ssyncadd.s32 $0xFFFFE0C0  }
0x7c: {  	[spmem:s2] =	stream.indirect.scatter.add.f32 [tilespmem:s17], [sflag:$0x5], $0x40, s29, s14, $0xb8;
	[tilespmem:$0x1BD00] =	vst v63  }
0x7d: {  	_ =	swait.ge [sflag:s22], $0x1F40  }
0x7e: {  	[sflag:s22] =	ssyncset.done $0x0  }
0x7f: {  	[sflag:s22] =	ssyncadd.s32 $0xFFFFE0C0  }
0x80: {  	_ =	swait.ge [sflag:s24], $0x1F40  }
0x81: {  	[sflag:s24] =	ssyncset.done $0x0  }
0x82: {  	[sflag:s24] =	ssyncadd.s32 $0xFFFFE0C0  }
0x83: {  	[spmem:s2] =	stream.indirect.scatter.add.f32 [tilespmem:s19], [sflag:$0x5], $0x40, s30, s14, $0xb8;
	[tilespmem:$0x1BD00] =	vst v63  }
0x84: {  	_ =	swait.ge [sflag:s22], $0x1F40  }
0x85: {  	[sflag:s22] =	ssyncset.done $0x0  }
0x86: {  	[sflag:s22] =	ssyncadd.s32 $0xFFFFE0C0  }
0x87: {  	_ =	swait.ge [sflag:s25], $0x1F40  }
0x88: {  	[sflag:s25] =	ssyncset.done $0x0  }
0x89: {  	[sflag:s25] =	ssyncadd.s32 $0xFFFFE0C0  }
0x8a: {  	[spmem:s2] =	stream.indirect.scatter.add.f32 [tilespmem:s21], [sflag:$0x5], $0x40, s31, s14, $0xb8;
	[tilespmem:$0x1BD00] =	vst v63  }
0x8b: {  	_ =	swait.ge [sflag:s22], $0x1F40  }
0x8c: {  	s11 =	sadd.s32 $0x1, s11;
	[sflag:s22] =	ssyncset.done $0x0  }
0x8d: {  	p0 =	sne.s32 s11, s9;
	[sflag:s22] =	ssyncadd.s32 $0xFFFFE0C0  }
.Ltmp1:
0x8e: {  	[bflag:$0x0] =	sbarrier.arrive $0xFFFF;
	(pc) =	sbr.rel @p0 .LBB2_1-.Ltmp1, $4  }
0x8f: {  	[hbm:s8@s1], [sflag:s12] =	dma.strided [spmem:s13@s0], $0x1400, s20, $0x8   }
0x90: {  	_ =	swait.ge [sflag:s10], $0x1400  }
0x91: {  	[sflag:s10] =	ssyncset.done $0x0  }
0x92: {  	[sflag:s10] =	ssyncadd.s32 $0xFFFFEC00  }
0x93: {  	_ =	sfence.sel $0x180000  }
0x94: {  	[bflag:$0x0] =	sbarrier.arrive $0xFFFF  }
0x95: {  	_ =	strace $0x9000004A  }
0x96: {  	s0 =	stileid.u32;
	[bflag:$0x2] =	sbarrier.arrive $0xFFFF  }
0x97: {  	p0 =	sne.s32 s0, $0x0;
	s0 =	rddreg [dreg:$0x2]  }
0x98: {  	s0 =	sadd.s32 @!p0 $0x100000, s0  }
0x99: {  	[sflag:s0] =	ssyncadd.tile.s32 @!p0 $0x1;
	_ =	shalt  }
.Lfunc_end2:
_tile_overlayer_lowered:
.L_overlay_start_2:
0x9a: {  	(tag) =	ssettag $0x2  }
0x9b: {  	s0 =	rddreg [dreg:$0x0];
	s2 =	stileid.u32  }
0x9c: {  	s1 =	rddreg [dreg:$0x1];
	p0 =	sne.s32 s2, $0x0  }
0x9d: {  	s3 =	rddreg [dreg:$0x2];
	[bflag:$0x3] =	sbarrier.arrive $0xFFFF;
	s2 =	simm.s32 @!p0 $0x1C06  }
0x9e: {  	[timem:s3], [sflag:s2] =	dma.local @!p0 [hbm:s0], s1  }
0x9f: {  	s0 =	simm.s32 @!p0 $0x6  }
0xa0: {  	_ =	swait.ge @!p0 [sflag:s0], s1  }
0xa1: {  	s1 =	ssub.s32 @!p0 $0x0, s1;
	[sflag:s0] =	ssyncset.done @!p0 $0x0  }
0xa2: {  	[sflag:s0] =	ssyncadd.s32 @!p0 s1  }
0xa3: {  	[bflag:$0x3] =	sbarrier.arrive $0xFFFF  }
0xa4: {  	_ =	shalt  }

// kernel: kernel.16.cloned.1.call-start
scs
__scs_entry_jumppad:
0x0: {  	(pc) =	sbr.rel $0x88, $3  }
0x1: {  	(tag) =	ssettag $0x0;
	lr =	simm.s32 $0x1  }
0x2: {  	[smem:$0x3F94] =	sst lr;
	_ =	strace $0xD0000000  }
0x3: {  	_ = 	snop  }
0x4: {  	_ = 	snop  }
0x5: {  	_ = 	snop  }
0x6: {  	_ = 	snop  }
0x7: {  	_ = 	snop  }
__scs_overlays_trampoline_lowered:
0x8: {  	[smem:$0x3FA3] =	sst s0  }
0x9: {  	[smem:$0x3FA4] =	sst s1  }
0xa: {  	[smem:$0x3FA5] =	sst s2  }
0xb: {  	[smem:$0x3FA6] =	sst s3  }
0xc: {  	[smem:$0x3FA7] =	sst s4  }
0xd: {  	[smem:$0x3FA8] =	sst s5  }
0xe: {  	[smem:$0x3FA9] =	sst s6  }
0xf: {  	[smem:$0x3FAA] =	sst s7  }
0x10: {  	[smem:$0x3FAB] =	sst s8  }
0x11: {  	[smem:$0x3FAC] =	sst s9;
	s0 =	simm.s32 @!p0 $0x0  }
0x12: {  	s1 =	sld [smem:$0x3F92];
	s0 =	simm.s32 @p0 $0x1  }
0x13: {  	[smem:$0x3FAD] =	sst s0;
	s0 =	simm.s32 @!p1 $0x0  }
0x14: {  	s2 =	sld [smem:$0x3F91];
	s0 =	simm.s32 @p1 $0x1  }
0x15: {  	[smem:$0x3FAE] =	sst s0;
	s0 =	simm.s32 @!p2 $0x0  }
0x16: {  	s3 =	sld [smem:$0x3FDB];
	s0 =	simm.s32 @p2 $0x1  }
0x17: {  	s4 =	simm.s32 $0x1BF5;
	[smem:$0x3FB0] =	sst s0  }
0x18: {  	s0 =	sld [smem:$0x3F93];
	_ =	swait.ge [sflag:s4], $0x0  }
0x19: {  	s7 =	sld [smem:$0x3F94]  }
0x1a: {  	s8 =	sadd.s32 $0xFFFFE003, lr  }
0x1b: {  	s9 =	sadd.s32 $0xFFFFFEF7, lr;
	s5 =	simm.s32 $0xFFFFFFFF;
	p2 =	slt.u32 s8, $0xFFFFF086  }
0x1c: {  	p1 =	slt.u32 s9, $0xF7A;
	s5 =	simm.s32 @!p2 $0x0  }
0x1d: {  	s5 =	simm.s32 @p1 $0x1;
	p0 =	seq.s32 s7, s2  }
0x1e: {  	s7 =	smul.u32 @!p0 $0xF7A, s2;
	p2 =	seq.s32 @!p0 s5, $0x0  }
0x1f: {  	s9 =	smul.u32 $0xF7A, s1;
	s8 =	simm.s32 @!p0 $0x1BF5;
	p2 =	por !p2, p0  }
0x20: {  	[sflag:s8] =	ssyncset.s32 @!p0 $0xFFFFF086;
	s6 =	sadd.s32 @!p0 s3, s7;
	s7 =	simm.s32 @!p0 $0x108  }
0x21: {  	s3 =	sadd.s32 s3, s9;
	s6 =	sadd.s32 @!p0 $0x88, s6;
	s7 =	simm.s32 @p2 $0x1082  }
0x22: {  	[simem:s7], [sflag:s8] =	dma.local @!p0 [hbm:s6], $0xF7A  }
0x23: {  	s9 =	sor.u32 $0xD0000000, s2;
	s6 =	simm.s32 $0x108;
	_ =	swait.ge @!p0 [sflag:s8], $0x0  }
0x24: {  	s3 =	sadd.s32 $0x88, s3;
	s6 =	simm.s32 @!p1 $0x1082;
	[sflag:s4] =	ssyncset.s32 $0xFFFFF086  }
0x25: {  	[simem:s6], [sflag:s4] =	dma.local [hbm:s3], $0xF7A  }
0x26: {  	[smem:$0x3F94] =	sst s1;
	(tag) =	ssettag s2;
	_ =	strace s9  }
0x27: {  	s1 =	sld [smem:$0x3FA4]  }
0x28: {  	s2 =	sld [smem:$0x3FA5]  }
0x29: {  	s4 =	sld [smem:$0x3FA7]  }
0x2a: {  	p0 =	seq.s32 s5, $0x0;
	s5 =	sld [smem:$0x3FA8]  }
0x2b: {  	s6 =	sld [smem:$0x3FA9]  }
0x2c: {  	s7 =	sld [smem:$0x3FAA]  }
0x2d: {  	s3 =	simm.s32 $0x108;
	s8 =	sld [smem:$0x3FAB]  }
0x2e: {  	s3 =	simm.s32 @!p0 $0x1082;
	s9 =	sld [smem:$0x3FAC]  }
0x2f: {  	lr =	sadd.s32 s0, s3;
	s0 =	sld [smem:$0x3FA3]  }
0x30: {  	s3 =	sld [smem:$0x3FA6]  }
0x31: {  	[smem:$0x3FAF] =	sst s10  }
0x32: {  	s10 =	sld [smem:$0x3FAD];
	_ =	sdelay $0x3  }
0x33: {  	p0 =	seq.s32 s10, $0x1;
	s10 =	sld [smem:$0x3FAF];
	_ =	sdelay $0x3  }
0x34: {  	[smem:$0x3FAF] =	sst s10  }
0x35: {  	s10 =	sld [smem:$0x3FAE];
	_ =	sdelay $0x3  }
0x36: {  	p1 =	seq.s32 s10, $0x1;
	s10 =	sld [smem:$0x3FAF];
	_ =	sdelay $0x3  }
0x37: {  	[smem:$0x3FAF] =	sst s10  }
0x38: {  	s10 =	sld [smem:$0x3FB0]  }
0x39: {  	_ = 	snop;
	(pc) =	sbr.ind lr, $3  }
0x3a: {  	_ = 	snop  }
0x3b: {  	_ = 	snop  }
0x3c: {  	p2 =	seq.s32 s10, $0x1;
	s10 =	sld [smem:$0x3FAF]  }
0x3d: {  	_ =	shalt  }
0x3e: {  	_ =	shalt  }
0x3f: {  	_ =	shalt  }
0x40: {  	_ =	shalt  }
0x41: {  	_ =	shalt  }
0x42: {  	_ =	shalt  }
0x43: {  	_ =	shalt  }
0x44: {  	_ =	shalt  }
0x45: {  	_ =	shalt  }
0x46: {  	_ =	shalt  }
0x47: {  	_ =	shalt  }
0x48: {  	_ =	shalt  }
0x49: {  	_ =	shalt  }
0x4a: {  	_ =	shalt  }
0x4b: {  	_ =	shalt  }
0x4c: {  	_ =	shalt  }
0x4d: {  	_ =	shalt  }
0x4e: {  	_ =	shalt  }
0x4f: {  	_ =	shalt  }
0x50: {  	_ =	shalt  }
0x51: {  	_ =	shalt  }
0x52: {  	_ =	shalt  }
0x53: {  	_ =	shalt  }
0x54: {  	_ =	shalt  }
0x55: {  	_ =	shalt  }
0x56: {  	_ =	shalt  }
0x57: {  	_ =	shalt  }
0x58: {  	_ =	shalt  }
0x59: {  	_ =	shalt  }
0x5a: {  	_ =	shalt  }
0x5b: {  	_ =	shalt  }
0x5c: {  	_ =	shalt  }
0x5d: {  	_ =	shalt  }
0x5e: {  	_ =	shalt  }
0x5f: {  	_ =	shalt  }
0x60: {  	_ =	shalt  }
0x61: {  	_ =	shalt  }
0x62: {  	_ =	shalt  }
0x63: {  	_ =	shalt  }
0x64: {  	_ =	shalt  }
0x65: {  	_ =	shalt  }
0x66: {  	_ =	shalt  }
0x67: {  	_ =	shalt  }
0x68: {  	_ =	shalt  }
0x69: {  	_ =	shalt  }
0x6a: {  	_ =	shalt  }
0x6b: {  	_ =	shalt  }
0x6c: {  	_ =	shalt  }
0x6d: {  	_ =	shalt  }
0x6e: {  	_ =	shalt  }
0x6f: {  	_ =	shalt  }
0x70: {  	_ =	shalt  }
0x71: {  	_ =	shalt  }
0x72: {  	_ =	shalt  }
0x73: {  	_ =	shalt  }
0x74: {  	_ =	shalt  }
0x75: {  	_ =	shalt  }
0x76: {  	_ =	shalt  }
0x77: {  	_ =	shalt  }
0x78: {  	_ =	shalt  }
0x79: {  	_ =	shalt  }
0x7a: {  	_ =	shalt  }
0x7b: {  	_ =	shalt  }
0x7c: {  	_ =	shalt  }
0x7d: {  	_ =	shalt  }
0x7e: {  	_ =	shalt  }
0x7f: {  	_ =	shalt  }
0x80: {  	_ =	shalt  }
0x81: {  	_ =	shalt  }
0x82: {  	_ =	shalt  }
0x83: {  	_ =	shalt  }
0x84: {  	_ =	shalt  }
0x85: {  	_ =	shalt  }
0x86: {  	_ =	shalt  }
0x87: {  	_ =	shalt  }
.Lfunc_end0:
.L_simem_size_0:
called_computation.2_lowered:
.L_overlay_start_0:
0x88: {  	s2 =	sld [smem:$0x3FD9]  }
0x89: {  	s3 =	sld [smem:$0x3FFE];
	_ =	sdelay $0x1  }
0x8a: {  	s1 =	srdreg.scid  }
0x8b: {  	s0 =	sand.u32 $0x1, s1  }
0x8c: {  	s16 =	sshll.u32 s0, $0xA;
	s2 =	sadd.s32 s3, s2  }
0x8d: {  	s2 =	sadd.s32 s2, s16  }
0x8e: {  	[smem:$0x3FBB] =	sst s2  }
0x8f: {  	_ = 	snop  }
0x90: {  	(tm) =	ssettm $0x1  }
0x91: {  	s17 =	sld [smem:$0x3FFB];
	_ =	sdelay $0x3  }
0x92: {  	_ =	strace s17  }
0x93: {  	s2 =	sld [smem:$0x3FFC];
	_ =	sdelay $0x3  }
0x94: {  	_ =	strace s2  }
0x95: {  	s2 =	sld [smem:$0x3FFD];
	_ =	sdelay $0x3  }
0x96: {  	_ =	strace s2  }
0x97: {  	_ =	strace $0x8FFFFFFF  }
0x98: {  	s18 =	sld [smem:$0x3FDB];
	_ =	sdelay $0x1  }
0x99: {  	s19 =	simm.s32 $_scs_section_size  }
0x9a: {  	s4 =	simm.s32 $_size__tile_overlayer_lowered;
	s5 =	simm.s32 $_tile_overlayer_lowered  }
0x9b: {  	s22 =	simm.s32 $0x1BFF;
	s21 =	sshll.u32 s5, $0x1;
	s2 =	sadd.s32 s19, s18  }
0x9c: {  	s6 =	simm.s32 $0x0;
	s20 =	sshll.u32 s4, $0x1;
	s4 =	sadd.s32 s21, s2  }
0x9d: {  	[timem:s6], [sflag:s22] =	dma.local [hbm:s4], s20  }
0x9e: {  	_ =	swait.ge [sflag:s22], s20  }
0x9f: {  	s3 =	ssub.s32 $0x0, s20;
	[sflag:s22] =	ssyncset.done $0x0  }
0xa0: {  	[sflag:s22] =	ssyncadd.s32 s3;
	_ =	sdelay $0x1  }
0xa1: {  	s23 =	simm.s32 $0x1B8B  }
0xa2: {  	_ =	swait.ge [sflag:s23], $0x1  }
0xa3: {  	[sflag:s23] =	ssyncset.done $0x0  }
0xa4: {  	s25 =	simm.s32 $0x1B8E;
	s24 =	sld [smem:$0x3FFE];
	[sflag:s23] =	ssyncadd.s32 $0xFFFFFFFF  }
0xa5: {  	s26 =	simm.s32 $execute0_lowered;
	[smem:$0x3FD2] =	sst s25  }
0xa6: {  	s4 =	sshll.u32 s26, $0x1;
	_ =	strace $0x8000004C;
	[dreg:$0x1] =	wrdreg $0xFFFFFFFF  }
0xa7: {  	s28 =	simm.s32 $_size_execute0_lowered;
	s2 =	sadd.s32 s2, s4;
	[dreg:$0x0] =	wrdreg $0x0  }
0xa8: {  	s4 =	sshll.u32 s28, $0x1;
	[dreg:$0x2] =	wrdreg s2  }
0xa9: {  	[dreg:$0x3] =	wrdreg s4  }
0xaa: {  	[dreg:$0x4] =	wrdreg $0xC0  }
0xab: {  	_ =	task [dreg:s6], $0x5FFFF  }
0xac: {  	[dreg:$0x1] =	wrdreg $0xFFFFFFFF  }
0xad: {  	[dreg:$0x0] =	wrdreg $0x60  }
0xae: {  	[dreg:$0x2] =	wrdreg s24  }
0xaf: {  	[dreg:$0x3] =	wrdreg $0x11D000  }
0xb0: {  	[dreg:$0x4] =	wrdreg $0x9  }
0xb1: {  	_ =	task.clear_ibuf [dreg:s6], $0x5FFFF;
	_ =	strace $0x9000004C  }
0xb2: {  	s29 =	simm.s32 $0x9;
	_ =	strace $0x8000004E  }
0xb3: {  	_ =	swait.ge [sflag:s29], $0x1  }
0xb4: {  	[sflag:s29] =	ssyncadd.s32 $0xFFFFFFFF  }
0xb5: {  	_ =	strace $0x9000004E  }
0xb6: {  	_ =	sfence  }
0xb7: {  	s30 =	sld [smem:$0x0];
	_ =	sdelay $0x2  }
0xb8: {  	s31 =	sshll.u32 s1, $0xD;
	s1 =	sshrl.u32 s1, $0x2  }
0xb9: {  	s3 =	sand.u32 $0x4000, s31;
	s1 =	sadd.s32 s1, s30  }
0xba: {  	s0 =	sor.u32 s3, s0;
	s1 =	sshll.u32 s1, $0x11  }
0xbb: {  	s0 =	sor.u32 s1, s0  }
0xbc: {  	s0 =	sadd.s32 $0x8F2B, s0  }
0xbd: {  	[sflag:s0] =	ssyncadd.remote.s32 $0x1  }
0xbe: {  	_ =	sfence.sel $0xFFFF  }
0xbf: {  	[dreg:$0x0] =	wrdreg $0xFFFFFFFF;
	(pc) =	sbr.abs _section_cstart, $3  }
0xc0: {  	[dreg:$0x1] =	wrdreg $0xFFFFFFFF  }
0xc1: {  	_ =	task.clear_ibuf [dreg:s6], $0x2FFFF;
	_ =	strace $0x9FFFFFFF  }
0xc2: {  	(tm) =	ssettm $0x7FFFFFFF  }
0xc3: {  	_ =	shalt  }
tec
execute0_lowered:
.L_overlay_start_1:
0x0: {  	(tag) =	ssettag $0x1  }
0x1: {  	s0 =	rddreg [dreg:$0x0];
	s1 =	srdreg.scid  }
0x2: {  	s12 =	stileid.u32;
	s2 =	rddreg [dreg:$0x1];
	s3 =	simm.s32 $0x0  }
0x3: {  	s14 =	simm.s32 $0x7D;
	s15 =	simm.s32 $0xA000;
	s17 =	simm.s32 $0xBF40  }
0x4: {  	s19 =	simm.s32 $0xDE80;
	s20 =	simm.s32 $0x1;
	s21 =	simm.s32 $0xFDC0  }
0x5: {  	s22 =	simm.s32 $0x5;
	s23 =	simm.s32 $0x2;
	s24 =	simm.s32 $0x3  }
0x6: {  	s28 =	simm.s32 $0x4F80;
	s29 =	simm.s32 $0x9E80;
	s5 =	smul.u32 $0x5000, s12  }
0x7: {  	s30 =	simm.s32 $0x9F00;
	s31 =	simm.s32 $0x9F80;
	s7 =	smul.u32 $0x14000, s12  }
0x8: {  	s1 =	sand.u32 $0x1, s1;
	[smem:$0x7FF] =	sst s3;
	s9 =	smul.u32 $0x28000, s12  }
0x9: {  	s4 =	sadd.s32 $0x4400, s0;
	s26 =	sshll.u32 s12, $0x6;
	s6 =	smul.u32 $0x50000, s1  }
0xa: {  	_ =	strace $0x8000004D;
	s25 =	sshll.u32 s1, $0x6;
	s1 =	ssub.s32 $0x2, s1  }
0xb: {  	s12 =	sor.u32 $0x1C06, s26;
	s7 =	sor.u32 s25, s7;
	s10 =	sshrl.u32 s1, $0x1  }
0xc: {  	s9 =	sshrl.u32 s9, $0x2;
	s25 =	simm.s32 $0x4;
	s6 =	sadd.s32 s5, s6  }
0xd: {  	s5 =	sshrl.u32 s5, $0x3;
	s7 =	sshrl.u32 s7, $0x3;
	s1 =	ssub.s32 s1, s10  }
0xe: {  	s11 =	sadd.s32 s9, s2;
	s10 =	simm.s32 $0x6;
	s6 =	sshrl.u32 s6, $0x3  }
0xf: {  	s8 =	sadd.s32 s5, s0;
	s5 =	sadd.s32 $0x2B600, s0;
	s9 =	smax.u32 s1, $0x1  }
0x10: {  	s13 =	sshrl.u32 s11, $0x3;
	s1 =	simm.s32 $0x10;
	s11 =	simm.s32 $0x0  }
0x11: {  	s6 =	sadd.s32 s6, s0;
	s0 =	sadd.s32 s7, s0;
	s7 =	sadd.s32 $0x4AA00, s8  }
0x12: {  	s6 =	sadd.s32 $0x36A00, s6;
	s8 =	sadd.s32 $0x54A00, s0;
	s0 =	simm.s32 $0x8  }
.LBB2_1:
0x13: {  	[tilespmem:s3], [sflag:$0x6] =	stream.linear.gather [hbm4b:s6+s3], $0x5000, $0x38;
	[tilespmem:$0x1BD00] =	vst v63  }
0x14: {  	_ =	swait.ge [sflag:s10], $0x5000  }
0x15: {  	[sflag:s10] =	ssyncset.done $0x0  }
0x16: {  	s16 =	simm.s32 $0x5000;
	[sflag:s10] =	ssyncadd.s32 $0xFFFFB000  }
0x17: {  	[tilespmem:s16], [sflag:$0x6] =	stream.linear.gather [hbm4b:s7+s3], $0x5000, $0x38;
	[tilespmem:$0x1BD00] =	vst v63  }
0x18: {  	_ =	swait.ge [sflag:s10], $0x5000  }
0x19: {  	[sflag:s10] =	ssyncset.done $0x0  }
0x1a: {  	[sflag:s10] =	ssyncadd.s32 $0xFFFFB000  }
0x1b: {  	[spmem:s13], [sflag:s12] =	dma.local [hbm:s5], $0x1400  }
0x1c: {  	_ =	swait.ge [sflag:s10], $0x1400  }
0x1d: {  	[sflag:s10] =	ssyncset.done $0x0  }
0x1e: {  	[sflag:s10] =	ssyncadd.s32 $0xFFFFEC00  }
0x1f: {  	[bflag:$0x0] =	sbarrier.arrive $0xFFFF  }
0x20: {  	[tilespmem:s15], [sflag:$0x1] =	stream.indirect.gather [hbm4b:s4+s14], $0x40, s3, s14, $0xb8;
	[tilespmem:$0x1BD00] =	vst v63  }
0x21: {  	s18 =	simm.s32 $0x80  }
0x22: {  	[tilespmem:s17], [sflag:$0x2] =	stream.indirect.gather [hbm4b:s4+s14], $0x40, s18, s14, $0xb8;
	[tilespmem:$0x1BD00] =	vst v63  }
0x23: {  	s26 =	simm.s32 $0x100  }
0x24: {  	[tilespmem:s19], [sflag:$0x3] =	stream.indirect.gather [hbm4b:s4+s14], $0x40, s26, s14, $0xb8;
	[tilespmem:$0x1BD00] =	vst v63  }
0x25: {  	_ =	swait.ge [sflag:s20], $0x1F40  }
0x26: {  	[sflag:s20] =	ssyncset.done $0x0  }
0x27: {  	s18 =	simm.s32 $0x5000;
	[sflag:s20] =	ssyncadd.s32 $0xFFFFE0C0  }
0x28: {  	[spmem:s2] =	stream.indirect.scatter.add.f32 [tilespmem:s15], [sflag:$0x5], $0x40, s18, s14, $0xb8;
	[tilespmem:$0x1BD00] =	vst v63  }
0x29: {  	s26 =	simm.s32 $0x180  }
0x2a: {  	[tilespmem:s21], [sflag:$0x4] =	stream.indirect.gather [hbm4b:s4+s14], $0x40, s26, s14, $0xb8;
	[tilespmem:$0x1BD00] =	vst v63  }
0x2b: {  	_ =	swait.ge [sflag:s22], $0x1F40  }
0x2c: {  	[sflag:s22] =	ssyncset.done $0x0  }
0x2d: {  	[sflag:s22] =	ssyncadd.s32 $0xFFFFE0C0  }
0x2e: {  	_ =	swait.ge [sflag:s23], $0x1F40  }
0x2f: {  	[sflag:s23] =	ssyncset.done $0x0  }
0x30: {  	s18 =	simm.s32 $0x5080;
	[sflag:s23] =	ssyncadd.s32 $0xFFFFE0C0  }
0x31: {  	[spmem:s2] =	stream.indirect.scatter.add.f32 [tilespmem:s17], [sflag:$0x5], $0x40, s18, s14, $0xb8;
	[tilespmem:$0x1BD00] =	vst v63  }
0x32: {  	s26 =	simm.s32 $0x200  }
0x33: {  	[tilespmem:s15], [sflag:$0x1] =	stream.indirect.gather [hbm4b:s4+s14], $0x40, s26, s14, $0xb8;
	[tilespmem:$0x1BD00] =	vst v63  }
0x34: {  	_ =	swait.ge [sflag:s22], $0x1F40  }
0x35: {  	[sflag:s22] =	ssyncset.done $0x0  }
0x36: {  	[sflag:s22] =	ssyncadd.s32 $0xFFFFE0C0  }
0x37: {  	_ =	swait.ge [sflag:s24], $0x1F40  }
0x38: {  	[sflag:s24] =	ssyncset.done $0x0  }
0x39: {  	s18 =	simm.s32 $0x5100;
	[sflag:s24] =	ssyncadd.s32 $0xFFFFE0C0  }
0x3a: {  	[spmem:s2] =	stream.indirect.scatter.add.f32 [tilespmem:s19], [sflag:$0x5], $0x40, s18, s14, $0xb8;
	[tilespmem:$0x1BD00] =	vst v63  }
0x3b: {  	s26 =	simm.s32 $0x280  }
0x3c: {  	[tilespmem:s17], [sflag:$0x2] =	stream.indirect.gather [hbm4b:s4+s14], $0x40, s26, s14, $0xb8;
	[tilespmem:$0x1BD00] =	vst v63  }
0x3d: {  	_ =	swait.ge [sflag:s22], $0x1F40  }
0x3e: {  	[sflag:s22] =	ssyncset.done $0x0  }
0x3f: {  	[sflag:s22] =	ssyncadd.s32 $0xFFFFE0C0  }
0x40: {  	_ =	swait.ge [sflag:s25], $0x1F40  }
0x41: {  	[sflag:s25] =	ssyncset.done $0x0  }
0x42: {  	s18 =	simm.s32 $0x5180;
	[sflag:s25] =	ssyncadd.s32 $0xFFFFE0C0  }
0x43: {  	[spmem:s2] =	stream.indirect.scatter.add.f32 [tilespmem:s21], [sflag:$0x5], $0x40, s18, s14, $0xb8;
	[tilespmem:$0x1BD00] =	vst v63  }
0x44: {  	s26 =	simm.s32 $0x300  }
0x45: {  	[tilespmem:s19], [sflag:$0x3] =	stream.indirect.gather [hbm4b:s4+s14], $0x40, s26, s14, $0xb8;
	[tilespmem:$0x1BD00] =	vst v63  }
0x46: {  	_ =	swait.ge [sflag:s22], $0x1F40  }
0x47: {  	s16 =	simm.s32 $0x800;
	[sflag:s22] =	ssyncset.done $0x0  }
.LBB2_2:
0x48: {  	p0 =	sne.s32 s16, $0x13000  }
0x49: {  	[sflag:s22] =	ssyncadd.s32 $0xFFFFE0C0;
	s18 =	smov.u32 s16;
	s16 =	sadd.s32 $0x800, s16  }
0x4a: {  	_ = 	snop  }
0x4b: {  	_ =	swait.ge [sflag:s20], $0x1F40  }
0x4c: {  	s18 =	sshra.s32 s18, $0x2;
	[sflag:s20] =	ssyncset.done $0x0  }
0x4d: {  	s26 =	sadd.s32 $0x5000, s18;
	[sflag:s20] =	ssyncadd.s32 $0xFFFFE0C0  }
0x4e: {  	[spmem:s2] =	stream.indirect.scatter.add.f32 [tilespmem:s15], [sflag:$0x5], $0x40, s26, s14, $0xb8;
	[tilespmem:$0x1BD00] =	vst v63  }
0x4f: {  	s26 =	sadd.s32 $0x180, s18  }
0x50: {  	[tilespmem:s21], [sflag:$0x4] =	stream.indirect.gather [hbm4b:s4+s14], $0x40, s26, s14, $0xb8;
	[tilespmem:$0x1BD00] =	vst v63  }
0x51: {  	_ =	swait.ge [sflag:s22], $0x1F40  }
0x52: {  	[sflag:s22] =	ssyncset.done $0x0  }
0x53: {  	[sflag:s22] =	ssyncadd.s32 $0xFFFFE0C0  }
0x54: {  	_ =	swait.ge [sflag:s23], $0x1F40  }
0x55: {  	[sflag:s23] =	ssyncset.done $0x0  }
0x56: {  	s26 =	sadd.s32 $0x5080, s18;
	[sflag:s23] =	ssyncadd.s32 $0xFFFFE0C0  }
0x57: {  	[spmem:s2] =	stream.indirect.scatter.add.f32 [tilespmem:s17], [sflag:$0x5], $0x40, s26, s14, $0xb8;
	[tilespmem:$0x1BD00] =	vst v63  }
0x58: {  	s26 =	sadd.s32 $0x200, s18  }
0x59: {  	[tilespmem:s15], [sflag:$0x1] =	stream.indirect.gather [hbm4b:s4+s14], $0x40, s26, s14, $0xb8;
	[tilespmem:$0x1BD00] =	vst v63  }
0x5a: {  	_ =	swait.ge [sflag:s22], $0x1F40  }
0x5b: {  	[sflag:s22] =	ssyncset.done $0x0  }
0x5c: {  	[sflag:s22] =	ssyncadd.s32 $0xFFFFE0C0  }
0x5d: {  	_ =	swait.ge [sflag:s24], $0x1F40  }
0x5e: {  	[sflag:s24] =	ssyncset.done $0x0  }
0x5f: {  	s26 =	sadd.s32 $0x5100, s18;
	[sflag:s24] =	ssyncadd.s32 $0xFFFFE0C0  }
0x60: {  	[spmem:s2] =	stream.indirect.scatter.add.f32 [tilespmem:s19], [sflag:$0x5], $0x40, s26, s14, $0xb8;
	[tilespmem:$0x1BD00] =	vst v63  }
0x61: {  	s26 =	sadd.s32 $0x280, s18  }
0x62: {  	[tilespmem:s17], [sflag:$0x2] =	stream.indirect.gather [hbm4b:s4+s14], $0x40, s26, s14, $0xb8;
	[tilespmem:$0x1BD00] =	vst v63  }
0x63: {  	_ =	swait.ge [sflag:s22], $0x1F40  }
0x64: {  	[sflag:s22] =	ssyncset.done $0x0  }
0x65: {  	[sflag:s22] =	ssyncadd.s32 $0xFFFFE0C0  }
0x66: {  	_ =	swait.ge [sflag:s25], $0x1F40  }
0x67: {  	[sflag:s25] =	ssyncset.done $0x0  }
0x68: {  	s26 =	sadd.s32 $0x5180, s18;
	[sflag:s25] =	ssyncadd.s32 $0xFFFFE0C0  }
0x69: {  	[spmem:s2] =	stream.indirect.scatter.add.f32 [tilespmem:s21], [sflag:$0x5], $0x40, s26, s14, $0xb8;
	[tilespmem:$0x1BD00] =	vst v63  }
.Ltmp0:
0x6a: {  	_ = 	snop;
	(pc) =	sbr.rel @p0 .LBB2_2-.Ltmp0, $4  }
0x6b: {  	s18 =	sadd.s32 $0x300, s18  }
0x6c: {  	[tilespmem:s19], [sflag:$0x3] =	stream.indirect.gather [hbm4b:s4+s14], $0x40, s18, s14, $0xb8;
	[tilespmem:$0x1BD00] =	vst v63  }
0x6d: {  	_ =	swait.ge [sflag:s22], $0x1F40  }
0x6e: {  	[sflag:s22] =	ssyncset.done $0x0  }
0x6f: {  	[sflag:s22] =	ssyncadd.s32 $0xFFFFE0C0  }
0x70: {  	_ =	swait.ge [sflag:s20], $0x1F40  }
0x71: {  	[sflag:s20] =	ssyncset.done $0x0  }
0x72: {  	s16 =	simm.s32 $0x9E00;
	[sflag:s20] =	ssyncadd.s32 $0xFFFFE0C0  }
0x73: {  	[spmem:s2] =	stream.indirect.scatter.add.f32 [tilespmem:s15], [sflag:$0x5], $0x40, s16, s14, $0xb8;
	[tilespmem:$0x1BD00] =	vst v63  }
0x74: {  	_ = 	snop  }
0x75: {  	[tilespmem:s21], [sflag:$0x4] =	stream.indirect.gather [hbm4b:s4+s14], $0x40, s28, s14, $0xb8;
	[tilespmem:$0x1BD00] =	vst v63  }
0x76: {  	_ =	swait.ge [sflag:s22], $0x1F40  }
0x77: {  	[sflag:s22] =	ssyncset.done $0x0  }
0x78: {  	[sflag:s22] =	ssyncadd.s32 $0xFFFFE0C0  }
0x79: {  	_ =	swait.ge [sflag:s23], $0x1F40  }
0x7a: {  	[sflag:s23] =	ssyncset.done $0x0  }
0x7b: {  	[sflag:s23] =	ssyncadd.s32 $0xFFFFE0C0  }
0x7c: {  	[spmem:s2] =	stream.indirect.scatter.add.f32 [tilespmem:s17], [sflag:$0x5], $0x40, s29, s14, $0xb8;
	[tilespmem:$0x1BD00] =	vst v63  }
0x7d: {  	_ =	swait.ge [sflag:s22], $0x1F40  }
0x7e: {  	[sflag:s22] =	ssyncset.done $0x0  }
0x7f: {  	[sflag:s22] =	ssyncadd.s32 $0xFFFFE0C0  }
0x80: {  	_ =	swait.ge [sflag:s24], $0x1F40  }
0x81: {  	[sflag:s24] =	ssyncset.done $0x0  }
0x82: {  	[sflag:s24] =	ssyncadd.s32 $0xFFFFE0C0  }
0x83: {  	[spmem:s2] =	stream.indirect.scatter.add.f32 [tilespmem:s19], [sflag:$0x5], $0x40, s30, s14, $0xb8;
	[tilespmem:$0x1BD00] =	vst v63  }
0x84: {  	_ =	swait.ge [sflag:s22], $0x1F40  }
0x85: {  	[sflag:s22] =	ssyncset.done $0x0  }
0x86: {  	[sflag:s22] =	ssyncadd.s32 $0xFFFFE0C0  }
0x87: {  	_ =	swait.ge [sflag:s25], $0x1F40  }
0x88: {  	[sflag:s25] =	ssyncset.done $0x0  }
0x89: {  	[sflag:s25] =	ssyncadd.s32 $0xFFFFE0C0  }
0x8a: {  	[spmem:s2] =	stream.indirect.scatter.add.f32 [tilespmem:s21], [sflag:$0x5], $0x40, s31, s14, $0xb8;
	[tilespmem:$0x1BD00] =	vst v63  }
0x8b: {  	_ =	swait.ge [sflag:s22], $0x1F40  }
0x8c: {  	s11 =	sadd.s32 $0x1, s11;
	[sflag:s22] =	ssyncset.done $0x0  }
0x8d: {  	p0 =	sne.s32 s11, s9;
	[sflag:s22] =	ssyncadd.s32 $0xFFFFE0C0  }
.Ltmp1:
0x8e: {  	[bflag:$0x0] =	sbarrier.arrive $0xFFFF;
	(pc) =	sbr.rel @p0 .LBB2_1-.Ltmp1, $4  }
0x8f: {  	[hbm:s8@s1], [sflag:s12] =	dma.strided [spmem:s13@s0], $0x1400, s20, $0x8   }
0x90: {  	_ =	swait.ge [sflag:s10], $0x1400  }
0x91: {  	[sflag:s10] =	ssyncset.done $0x0  }
0x92: {  	[sflag:s10] =	ssyncadd.s32 $0xFFFFEC00  }
0x93: {  	_ =	sfence.sel $0x180000  }
0x94: {  	[bflag:$0x0] =	sbarrier.arrive $0xFFFF  }
0x95: {  	_ =	strace $0x9000004D  }
0x96: {  	s0 =	stileid.u32;
	[bflag:$0x2] =	sbarrier.arrive $0xFFFF  }
0x97: {  	p0 =	sne.s32 s0, $0x0;
	s0 =	rddreg [dreg:$0x2]  }
0x98: {  	s0 =	sadd.s32 @!p0 $0x100000, s0  }
0x99: {  	[sflag:s0] =	ssyncadd.tile.s32 @!p0 $0x1;
	_ =	shalt  }
.Lfunc_end2:
_tile_overlayer_lowered:
.L_overlay_start_2:
0x9a: {  	(tag) =	ssettag $0x2  }
0x9b: {  	s0 =	rddreg [dreg:$0x0];
	s2 =	stileid.u32  }
0x9c: {  	s1 =	rddreg [dreg:$0x1];
	p0 =	sne.s32 s2, $0x0  }
0x9d: {  	s3 =	rddreg [dreg:$0x2];
	[bflag:$0x3] =	sbarrier.arrive $0xFFFF;
	s2 =	simm.s32 @!p0 $0x1C06  }
0x9e: {  	[timem:s3], [sflag:s2] =	dma.local @!p0 [hbm:s0], s1  }
0x9f: {  	s0 =	simm.s32 @!p0 $0x6  }
0xa0: {  	_ =	swait.ge @!p0 [sflag:s0], s1  }
0xa1: {  	s1 =	ssub.s32 @!p0 $0x0, s1;
	[sflag:s0] =	ssyncset.done @!p0 $0x0  }
0xa2: {  	[sflag:s0] =	ssyncadd.s32 @!p0 s1  }
0xa3: {  	[bflag:$0x3] =	sbarrier.arrive $0xFFFF  }
0xa4: {  	_ =	shalt  }

// kernel: kernel.19.cloned.1.call-start
scs
__scs_entry_jumppad:
0x0: {  	(pc) =	sbr.rel $0x88, $3  }
0x1: {  	(tag) =	ssettag $0x0;
	lr =	simm.s32 $0x1  }
0x2: {  	[smem:$0x3F94] =	sst lr;
	_ =	strace $0xD0000000  }
0x3: {  	_ = 	snop  }
0x4: {  	_ = 	snop  }
0x5: {  	_ = 	snop  }
0x6: {  	_ = 	snop  }
0x7: {  	_ = 	snop  }
__scs_overlays_trampoline_lowered:
0x8: {  	[smem:$0x3FA3] =	sst s0  }
0x9: {  	[smem:$0x3FA4] =	sst s1  }
0xa: {  	[smem:$0x3FA5] =	sst s2  }
0xb: {  	[smem:$0x3FA6] =	sst s3  }
0xc: {  	[smem:$0x3FA7] =	sst s4  }
0xd: {  	[smem:$0x3FA8] =	sst s5  }
0xe: {  	[smem:$0x3FA9] =	sst s6  }
0xf: {  	[smem:$0x3FAA] =	sst s7  }
0x10: {  	[smem:$0x3FAB] =	sst s8  }
0x11: {  	[smem:$0x3FAC] =	sst s9;
	s0 =	simm.s32 @!p0 $0x0  }
0x12: {  	s1 =	sld [smem:$0x3F92];
	s0 =	simm.s32 @p0 $0x1  }
0x13: {  	[smem:$0x3FAD] =	sst s0;
	s0 =	simm.s32 @!p1 $0x0  }
0x14: {  	s2 =	sld [smem:$0x3F91];
	s0 =	simm.s32 @p1 $0x1  }
0x15: {  	[smem:$0x3FAE] =	sst s0;
	s0 =	simm.s32 @!p2 $0x0  }
0x16: {  	s3 =	sld [smem:$0x3FDB];
	s0 =	simm.s32 @p2 $0x1  }
0x17: {  	s4 =	simm.s32 $0x1BF5;
	[smem:$0x3FB0] =	sst s0  }
0x18: {  	s0 =	sld [smem:$0x3F93];
	_ =	swait.ge [sflag:s4], $0x0  }
0x19: {  	s7 =	sld [smem:$0x3F94]  }
0x1a: {  	s8 =	sadd.s32 $0xFFFFE003, lr  }
0x1b: {  	s9 =	sadd.s32 $0xFFFFFEF7, lr;
	s5 =	simm.s32 $0xFFFFFFFF;
	p2 =	slt.u32 s8, $0xFFFFF086  }
0x1c: {  	p1 =	slt.u32 s9, $0xF7A;
	s5 =	simm.s32 @!p2 $0x0  }
0x1d: {  	s5 =	simm.s32 @p1 $0x1;
	p0 =	seq.s32 s7, s2  }
0x1e: {  	s7 =	smul.u32 @!p0 $0xF7A, s2;
	p2 =	seq.s32 @!p0 s5, $0x0  }
0x1f: {  	s9 =	smul.u32 $0xF7A, s1;
	s8 =	simm.s32 @!p0 $0x1BF5;
	p2 =	por !p2, p0  }
0x20: {  	[sflag:s8] =	ssyncset.s32 @!p0 $0xFFFFF086;
	s6 =	sadd.s32 @!p0 s3, s7;
	s7 =	simm.s32 @!p0 $0x108  }
0x21: {  	s3 =	sadd.s32 s3, s9;
	s6 =	sadd.s32 @!p0 $0x88, s6;
	s7 =	simm.s32 @p2 $0x1082  }
0x22: {  	[simem:s7], [sflag:s8] =	dma.local @!p0 [hbm:s6], $0xF7A  }
0x23: {  	s9 =	sor.u32 $0xD0000000, s2;
	s6 =	simm.s32 $0x108;
	_ =	swait.ge @!p0 [sflag:s8], $0x0  }
0x24: {  	s3 =	sadd.s32 $0x88, s3;
	s6 =	simm.s32 @!p1 $0x1082;
	[sflag:s4] =	ssyncset.s32 $0xFFFFF086  }
0x25: {  	[simem:s6], [sflag:s4] =	dma.local [hbm:s3], $0xF7A  }
0x26: {  	[smem:$0x3F94] =	sst s1;
	(tag) =	ssettag s2;
	_ =	strace s9  }
0x27: {  	s1 =	sld [smem:$0x3FA4]  }
0x28: {  	s2 =	sld [smem:$0x3FA5]  }
0x29: {  	s4 =	sld [smem:$0x3FA7]  }
0x2a: {  	p0 =	seq.s32 s5, $0x0;
	s5 =	sld [smem:$0x3FA8]  }
0x2b: {  	s6 =	sld [smem:$0x3FA9]  }
0x2c: {  	s7 =	sld [smem:$0x3FAA]  }
0x2d: {  	s3 =	simm.s32 $0x108;
	s8 =	sld [smem:$0x3FAB]  }
0x2e: {  	s3 =	simm.s32 @!p0 $0x1082;
	s9 =	sld [smem:$0x3FAC]  }
0x2f: {  	lr =	sadd.s32 s0, s3;
	s0 =	sld [smem:$0x3FA3]  }
0x30: {  	s3 =	sld [smem:$0x3FA6]  }
0x31: {  	[smem:$0x3FAF] =	sst s10  }
0x32: {  	s10 =	sld [smem:$0x3FAD];
	_ =	sdelay $0x3  }
0x33: {  	p0 =	seq.s32 s10, $0x1;
	s10 =	sld [smem:$0x3FAF];
	_ =	sdelay $0x3  }
0x34: {  	[smem:$0x3FAF] =	sst s10  }
0x35: {  	s10 =	sld [smem:$0x3FAE];
	_ =	sdelay $0x3  }
0x36: {  	p1 =	seq.s32 s10, $0x1;
	s10 =	sld [smem:$0x3FAF];
	_ =	sdelay $0x3  }
0x37: {  	[smem:$0x3FAF] =	sst s10  }
0x38: {  	s10 =	sld [smem:$0x3FB0]  }
0x39: {  	_ = 	snop;
	(pc) =	sbr.ind lr, $3  }
0x3a: {  	_ = 	snop  }
0x3b: {  	_ = 	snop  }
0x3c: {  	p2 =	seq.s32 s10, $0x1;
	s10 =	sld [smem:$0x3FAF]  }
0x3d: {  	_ =	shalt  }
0x3e: {  	_ =	shalt  }
0x3f: {  	_ =	shalt  }
0x40: {  	_ =	shalt  }
0x41: {  	_ =	shalt  }
0x42: {  	_ =	shalt  }
0x43: {  	_ =	shalt  }
0x44: {  	_ =	shalt  }
0x45: {  	_ =	shalt  }
0x46: {  	_ =	shalt  }
0x47: {  	_ =	shalt  }
0x48: {  	_ =	shalt  }
0x49: {  	_ =	shalt  }
0x4a: {  	_ =	shalt  }
0x4b: {  	_ =	shalt  }
0x4c: {  	_ =	shalt  }
0x4d: {  	_ =	shalt  }
0x4e: {  	_ =	shalt  }
0x4f: {  	_ =	shalt  }
0x50: {  	_ =	shalt  }
0x51: {  	_ =	shalt  }
0x52: {  	_ =	shalt  }
0x53: {  	_ =	shalt  }
0x54: {  	_ =	shalt  }
0x55: {  	_ =	shalt  }
0x56: {  	_ =	shalt  }
0x57: {  	_ =	shalt  }
0x58: {  	_ =	shalt  }
0x59: {  	_ =	shalt  }
0x5a: {  	_ =	shalt  }
0x5b: {  	_ =	shalt  }
0x5c: {  	_ =	shalt  }
0x5d: {  	_ =	shalt  }
0x5e: {  	_ =	shalt  }
0x5f: {  	_ =	shalt  }
0x60: {  	_ =	shalt  }
0x61: {  	_ =	shalt  }
0x62: {  	_ =	shalt  }
0x63: {  	_ =	shalt  }
0x64: {  	_ =	shalt  }
0x65: {  	_ =	shalt  }
0x66: {  	_ =	shalt  }
0x67: {  	_ =	shalt  }
0x68: {  	_ =	shalt  }
0x69: {  	_ =	shalt  }
0x6a: {  	_ =	shalt  }
0x6b: {  	_ =	shalt  }
0x6c: {  	_ =	shalt  }
0x6d: {  	_ =	shalt  }
0x6e: {  	_ =	shalt  }
0x6f: {  	_ =	shalt  }
0x70: {  	_ =	shalt  }
0x71: {  	_ =	shalt  }
0x72: {  	_ =	shalt  }
0x73: {  	_ =	shalt  }
0x74: {  	_ =	shalt  }
0x75: {  	_ =	shalt  }
0x76: {  	_ =	shalt  }
0x77: {  	_ =	shalt  }
0x78: {  	_ =	shalt  }
0x79: {  	_ =	shalt  }
0x7a: {  	_ =	shalt  }
0x7b: {  	_ =	shalt  }
0x7c: {  	_ =	shalt  }
0x7d: {  	_ =	shalt  }
0x7e: {  	_ =	shalt  }
0x7f: {  	_ =	shalt  }
0x80: {  	_ =	shalt  }
0x81: {  	_ =	shalt  }
0x82: {  	_ =	shalt  }
0x83: {  	_ =	shalt  }
0x84: {  	_ =	shalt  }
0x85: {  	_ =	shalt  }
0x86: {  	_ =	shalt  }
0x87: {  	_ =	shalt  }
.Lfunc_end0:
.L_simem_size_0:
called_computation.3_lowered:
.L_overlay_start_0:
0x88: {  	s2 =	sld [smem:$0x3FD9]  }
0x89: {  	s3 =	sld [smem:$0x3FFE];
	_ =	sdelay $0x1  }
0x8a: {  	s1 =	srdreg.scid  }
0x8b: {  	s0 =	sand.u32 $0x1, s1  }
0x8c: {  	s16 =	sshll.u32 s0, $0xA;
	s2 =	sadd.s32 s3, s2  }
0x8d: {  	s2 =	sadd.s32 s2, s16  }
0x8e: {  	[smem:$0x3FBB] =	sst s2  }
0x8f: {  	_ = 	snop  }
0x90: {  	(tm) =	ssettm $0x1  }
0x91: {  	s17 =	sld [smem:$0x3FFB];
	_ =	sdelay $0x3  }
0x92: {  	_ =	strace s17  }
0x93: {  	s2 =	sld [smem:$0x3FFC];
	_ =	sdelay $0x3  }
0x94: {  	_ =	strace s2  }
0x95: {  	s2 =	sld [smem:$0x3FFD];
	_ =	sdelay $0x3  }
0x96: {  	_ =	strace s2  }
0x97: {  	_ =	strace $0x8FFFFFFF  }
0x98: {  	s18 =	sld [smem:$0x3FDB];
	_ =	sdelay $0x1  }
0x99: {  	s19 =	simm.s32 $_scs_section_size  }
0x9a: {  	s4 =	simm.s32 $_size__tile_overlayer_lowered;
	s5 =	simm.s32 $_tile_overlayer_lowered  }
0x9b: {  	s22 =	simm.s32 $0x1BFF;
	s21 =	sshll.u32 s5, $0x1;
	s2 =	sadd.s32 s19, s18  }
0x9c: {  	s6 =	simm.s32 $0x0;
	s20 =	sshll.u32 s4, $0x1;
	s4 =	sadd.s32 s21, s2  }
0x9d: {  	[timem:s6], [sflag:s22] =	dma.local [hbm:s4], s20  }
0x9e: {  	_ =	swait.ge [sflag:s22], s20  }
0x9f: {  	s3 =	ssub.s32 $0x0, s20;
	[sflag:s22] =	ssyncset.done $0x0  }
0xa0: {  	[sflag:s22] =	ssyncadd.s32 s3;
	_ =	sdelay $0x1  }
0xa1: {  	s23 =	simm.s32 $0x1B8B  }
0xa2: {  	_ =	swait.ge [sflag:s23], $0x1  }
0xa3: {  	[sflag:s23] =	ssyncset.done $0x0  }
0xa4: {  	s25 =	simm.s32 $0x1B8E;
	s24 =	sld [smem:$0x3FFE];
	[sflag:s23] =	ssyncadd.s32 $0xFFFFFFFF  }
0xa5: {  	s26 =	simm.s32 $execute0_lowered;
	[smem:$0x3FD2] =	sst s25  }
0xa6: {  	s4 =	sshll.u32 s26, $0x1;
	_ =	strace $0x8000004F;
	[dreg:$0x1] =	wrdreg $0xFFFFFFFF  }
0xa7: {  	s28 =	simm.s32 $_size_execute0_lowered;
	s2 =	sadd.s32 s2, s4;
	[dreg:$0x0] =	wrdreg $0x0  }
0xa8: {  	s4 =	sshll.u32 s28, $0x1;
	[dreg:$0x2] =	wrdreg s2  }
0xa9: {  	[dreg:$0x3] =	wrdreg s4  }
0xaa: {  	[dreg:$0x4] =	wrdreg $0xC0  }
0xab: {  	_ =	task [dreg:s6], $0x5FFFF  }
0xac: {  	[dreg:$0x1] =	wrdreg $0xFFFFFFFF  }
0xad: {  	[dreg:$0x0] =	wrdreg $0x60  }
0xae: {  	[dreg:$0x2] =	wrdreg s24  }
0xaf: {  	[dreg:$0x3] =	wrdreg $0x11D000  }
0xb0: {  	[dreg:$0x4] =	wrdreg $0x9  }
0xb1: {  	_ =	task.clear_ibuf [dreg:s6], $0x5FFFF;
	_ =	strace $0x9000004F  }
0xb2: {  	s29 =	simm.s32 $0x9;
	_ =	strace $0x80000051  }
0xb3: {  	_ =	swait.ge [sflag:s29], $0x1  }
0xb4: {  	[sflag:s29] =	ssyncadd.s32 $0xFFFFFFFF  }
0xb5: {  	_ =	strace $0x90000051  }
0xb6: {  	_ =	sfence  }
0xb7: {  	s30 =	sld [smem:$0x0];
	_ =	sdelay $0x2  }
0xb8: {  	s31 =	sshll.u32 s1, $0xD;
	s1 =	sshrl.u32 s1, $0x2  }
0xb9: {  	s3 =	sand.u32 $0x4000, s31;
	s1 =	sadd.s32 s1, s30  }
0xba: {  	s0 =	sor.u32 s3, s0;
	s1 =	sshll.u32 s1, $0x11  }
0xbb: {  	s0 =	sor.u32 s1, s0  }
0xbc: {  	s0 =	sadd.s32 $0x8F2B, s0  }
0xbd: {  	[sflag:s0] =	ssyncadd.remote.s32 $0x1  }
0xbe: {  	_ =	sfence.sel $0xFFFF  }
0xbf: {  	[dreg:$0x0] =	wrdreg $0xFFFFFFFF;
	(pc) =	sbr.abs _section_cstart, $3  }
0xc0: {  	[dreg:$0x1] =	wrdreg $0xFFFFFFFF  }
0xc1: {  	_ =	task.clear_ibuf [dreg:s6], $0x2FFFF;
	_ =	strace $0x9FFFFFFF  }
0xc2: {  	(tm) =	ssettm $0x7FFFFFFF  }
0xc3: {  	_ =	shalt  }
tec
execute0_lowered:
.L_overlay_start_1:
0x0: {  	(tag) =	ssettag $0x1  }
0x1: {  	s0 =	rddreg [dreg:$0x0];
	s1 =	srdreg.scid  }
0x2: {  	s12 =	stileid.u32;
	s2 =	rddreg [dreg:$0x1];
	s3 =	simm.s32 $0x0  }
0x3: {  	s14 =	simm.s32 $0x7D;
	s15 =	simm.s32 $0xA000;
	s17 =	simm.s32 $0xBF40  }
0x4: {  	s19 =	simm.s32 $0xDE80;
	s20 =	simm.s32 $0x1;
	s21 =	simm.s32 $0xFDC0  }
0x5: {  	s22 =	simm.s32 $0x5;
	s23 =	simm.s32 $0x2;
	s24 =	simm.s32 $0x3  }
0x6: {  	s28 =	simm.s32 $0x4F80;
	s29 =	simm.s32 $0x9E80;
	s5 =	smul.u32 $0x5000, s12  }
0x7: {  	s30 =	simm.s32 $0x9F00;
	s31 =	simm.s32 $0x9F80;
	s7 =	smul.u32 $0x14000, s12  }
0x8: {  	s1 =	sand.u32 $0x1, s1;
	[smem:$0x7FF] =	sst s3;
	s9 =	smul.u32 $0x28000, s12  }
0x9: {  	s4 =	sadd.s32 $0x4400, s0;
	s26 =	sshll.u32 s12, $0x6;
	s6 =	smul.u32 $0x50000, s1  }
0xa: {  	_ =	strace $0x80000050;
	s25 =	sshll.u32 s1, $0x6;
	s1 =	ssub.s32 $0x2, s1  }
0xb: {  	s12 =	sor.u32 $0x1C06, s26;
	s7 =	sor.u32 s25, s7;
	s10 =	sshrl.u32 s1, $0x1  }
0xc: {  	s9 =	sshrl.u32 s9, $0x2;
	s25 =	simm.s32 $0x4;
	s6 =	sadd.s32 s5, s6  }
0xd: {  	s5 =	sshrl.u32 s5, $0x3;
	s7 =	sshrl.u32 s7, $0x3;
	s1 =	ssub.s32 s1, s10  }
0xe: {  	s11 =	sadd.s32 s9, s2;
	s10 =	simm.s32 $0x6;
	s6 =	sshrl.u32 s6, $0x3  }
0xf: {  	s8 =	sadd.s32 s5, s0;
	s5 =	sadd.s32 $0x2B600, s0;
	s9 =	smax.u32 s1, $0x1  }
0x10: {  	s13 =	sshrl.u32 s11, $0x3;
	s1 =	simm.s32 $0x10;
	s11 =	simm.s32 $0x0  }
0x11: {  	s6 =	sadd.s32 s6, s0;
	s0 =	sadd.s32 s7, s0;
	s7 =	sadd.s32 $0x4AA00, s8  }
0x12: {  	s6 =	sadd.s32 $0x36A00, s6;
	s8 =	sadd.s32 $0x54A00, s0;
	s0 =	simm.s32 $0x8  }
.LBB2_1:
0x13: {  	[tilespmem:s3], [sflag:$0x6] =	stream.linear.gather [hbm4b:s6+s3], $0x5000, $0x38;
	[tilespmem:$0x1BD00] =	vst v63  }
0x14: {  	_ =	swait.ge [sflag:s10], $0x5000  }
0x15: {  	[sflag:s10] =	ssyncset.done $0x0  }
0x16: {  	s16 =	simm.s32 $0x5000;
	[sflag:s10] =	ssyncadd.s32 $0xFFFFB000  }
0x17: {  	[tilespmem:s16], [sflag:$0x6] =	stream.linear.gather [hbm4b:s7+s3], $0x5000, $0x38;
	[tilespmem:$0x1BD00] =	vst v63  }
0x18: {  	_ =	swait.ge [sflag:s10], $0x5000  }
0x19: {  	[sflag:s10] =	ssyncset.done $0x0  }
0x1a: {  	[sflag:s10] =	ssyncadd.s32 $0xFFFFB000  }
0x1b: {  	[spmem:s13], [sflag:s12] =	dma.local [hbm:s5], $0x1400  }
0x1c: {  	_ =	swait.ge [sflag:s10], $0x1400  }
0x1d: {  	[sflag:s10] =	ssyncset.done $0x0  }
0x1e: {  	[sflag:s10] =	ssyncadd.s32 $0xFFFFEC00  }
0x1f: {  	[bflag:$0x0] =	sbarrier.arrive $0xFFFF  }
0x20: {  	[tilespmem:s15], [sflag:$0x1] =	stream.indirect.gather [hbm4b:s4+s14], $0x40, s3, s14, $0xb8;
	[tilespmem:$0x1BD00] =	vst v63  }
0x21: {  	s18 =	simm.s32 $0x80  }
0x22: {  	[tilespmem:s17], [sflag:$0x2] =	stream.indirect.gather [hbm4b:s4+s14], $0x40, s18, s14, $0xb8;
	[tilespmem:$0x1BD00] =	vst v63  }
0x23: {  	s26 =	simm.s32 $0x100  }
0x24: {  	[tilespmem:s19], [sflag:$0x3] =	stream.indirect.gather [hbm4b:s4+s14], $0x40, s26, s14, $0xb8;
	[tilespmem:$0x1BD00] =	vst v63  }
0x25: {  	_ =	swait.ge [sflag:s20], $0x1F40  }
0x26: {  	[sflag:s20] =	ssyncset.done $0x0  }
0x27: {  	s18 =	simm.s32 $0x5000;
	[sflag:s20] =	ssyncadd.s32 $0xFFFFE0C0  }
0x28: {  	[spmem:s2] =	stream.indirect.scatter.add.f32 [tilespmem:s15], [sflag:$0x5], $0x40, s18, s14, $0xb8;
	[tilespmem:$0x1BD00] =	vst v63  }
0x29: {  	s26 =	simm.s32 $0x180  }
0x2a: {  	[tilespmem:s21], [sflag:$0x4] =	stream.indirect.gather [hbm4b:s4+s14], $0x40, s26, s14, $0xb8;
	[tilespmem:$0x1BD00] =	vst v63  }
0x2b: {  	_ =	swait.ge [sflag:s22], $0x1F40  }
0x2c: {  	[sflag:s22] =	ssyncset.done $0x0  }
0x2d: {  	[sflag:s22] =	ssyncadd.s32 $0xFFFFE0C0  }
0x2e: {  	_ =	swait.ge [sflag:s23], $0x1F40  }
0x2f: {  	[sflag:s23] =	ssyncset.done $0x0  }
0x30: {  	s18 =	simm.s32 $0x5080;
	[sflag:s23] =	ssyncadd.s32 $0xFFFFE0C0  }
0x31: {  	[spmem:s2] =	stream.indirect.scatter.add.f32 [tilespmem:s17], [sflag:$0x5], $0x40, s18, s14, $0xb8;
	[tilespmem:$0x1BD00] =	vst v63  }
0x32: {  	s26 =	simm.s32 $0x200  }
0x33: {  	[tilespmem:s15], [sflag:$0x1] =	stream.indirect.gather [hbm4b:s4+s14], $0x40, s26, s14, $0xb8;
	[tilespmem:$0x1BD00] =	vst v63  }
0x34: {  	_ =	swait.ge [sflag:s22], $0x1F40  }
0x35: {  	[sflag:s22] =	ssyncset.done $0x0  }
0x36: {  	[sflag:s22] =	ssyncadd.s32 $0xFFFFE0C0  }
0x37: {  	_ =	swait.ge [sflag:s24], $0x1F40  }
0x38: {  	[sflag:s24] =	ssyncset.done $0x0  }
0x39: {  	s18 =	simm.s32 $0x5100;
	[sflag:s24] =	ssyncadd.s32 $0xFFFFE0C0  }
0x3a: {  	[spmem:s2] =	stream.indirect.scatter.add.f32 [tilespmem:s19], [sflag:$0x5], $0x40, s18, s14, $0xb8;
	[tilespmem:$0x1BD00] =	vst v63  }
0x3b: {  	s26 =	simm.s32 $0x280  }
0x3c: {  	[tilespmem:s17], [sflag:$0x2] =	stream.indirect.gather [hbm4b:s4+s14], $0x40, s26, s14, $0xb8;
	[tilespmem:$0x1BD00] =	vst v63  }
0x3d: {  	_ =	swait.ge [sflag:s22], $0x1F40  }
0x3e: {  	[sflag:s22] =	ssyncset.done $0x0  }
0x3f: {  	[sflag:s22] =	ssyncadd.s32 $0xFFFFE0C0  }
0x40: {  	_ =	swait.ge [sflag:s25], $0x1F40  }
0x41: {  	[sflag:s25] =	ssyncset.done $0x0  }
0x42: {  	s18 =	simm.s32 $0x5180;
	[sflag:s25] =	ssyncadd.s32 $0xFFFFE0C0  }
0x43: {  	[spmem:s2] =	stream.indirect.scatter.add.f32 [tilespmem:s21], [sflag:$0x5], $0x40, s18, s14, $0xb8;
	[tilespmem:$0x1BD00] =	vst v63  }
0x44: {  	s26 =	simm.s32 $0x300  }
0x45: {  	[tilespmem:s19], [sflag:$0x3] =	stream.indirect.gather [hbm4b:s4+s14], $0x40, s26, s14, $0xb8;
	[tilespmem:$0x1BD00] =	vst v63  }
0x46: {  	_ =	swait.ge [sflag:s22], $0x1F40  }
0x47: {  	s16 =	simm.s32 $0x800;
	[sflag:s22] =	ssyncset.done $0x0  }
.LBB2_2:
0x48: {  	p0 =	sne.s32 s16, $0x13000  }
0x49: {  	[sflag:s22] =	ssyncadd.s32 $0xFFFFE0C0;
	s18 =	smov.u32 s16;
	s16 =	sadd.s32 $0x800, s16  }
0x4a: {  	_ = 	snop  }
0x4b: {  	_ =	swait.ge [sflag:s20], $0x1F40  }
0x4c: {  	s18 =	sshra.s32 s18, $0x2;
	[sflag:s20] =	ssyncset.done $0x0  }
0x4d: {  	s26 =	sadd.s32 $0x5000, s18;
	[sflag:s20] =	ssyncadd.s32 $0xFFFFE0C0  }
0x4e: {  	[spmem:s2] =	stream.indirect.scatter.add.f32 [tilespmem:s15], [sflag:$0x5], $0x40, s26, s14, $0xb8;
	[tilespmem:$0x1BD00] =	vst v63  }
0x4f: {  	s26 =	sadd.s32 $0x180, s18  }
0x50: {  	[tilespmem:s21], [sflag:$0x4] =	stream.indirect.gather [hbm4b:s4+s14], $0x40, s26, s14, $0xb8;
	[tilespmem:$0x1BD00] =	vst v63  }
0x51: {  	_ =	swait.ge [sflag:s22], $0x1F40  }
0x52: {  	[sflag:s22] =	ssyncset.done $0x0  }
0x53: {  	[sflag:s22] =	ssyncadd.s32 $0xFFFFE0C0  }
0x54: {  	_ =	swait.ge [sflag:s23], $0x1F40  }
0x55: {  	[sflag:s23] =	ssyncset.done $0x0  }
0x56: {  	s26 =	sadd.s32 $0x5080, s18;
	[sflag:s23] =	ssyncadd.s32 $0xFFFFE0C0  }
0x57: {  	[spmem:s2] =	stream.indirect.scatter.add.f32 [tilespmem:s17], [sflag:$0x5], $0x40, s26, s14, $0xb8;
	[tilespmem:$0x1BD00] =	vst v63  }
0x58: {  	s26 =	sadd.s32 $0x200, s18  }
0x59: {  	[tilespmem:s15], [sflag:$0x1] =	stream.indirect.gather [hbm4b:s4+s14], $0x40, s26, s14, $0xb8;
	[tilespmem:$0x1BD00] =	vst v63  }
0x5a: {  	_ =	swait.ge [sflag:s22], $0x1F40  }
0x5b: {  	[sflag:s22] =	ssyncset.done $0x0  }
0x5c: {  	[sflag:s22] =	ssyncadd.s32 $0xFFFFE0C0  }
0x5d: {  	_ =	swait.ge [sflag:s24], $0x1F40  }
0x5e: {  	[sflag:s24] =	ssyncset.done $0x0  }
0x5f: {  	s26 =	sadd.s32 $0x5100, s18;
	[sflag:s24] =	ssyncadd.s32 $0xFFFFE0C0  }
0x60: {  	[spmem:s2] =	stream.indirect.scatter.add.f32 [tilespmem:s19], [sflag:$0x5], $0x40, s26, s14, $0xb8;
	[tilespmem:$0x1BD00] =	vst v63  }
0x61: {  	s26 =	sadd.s32 $0x280, s18  }
0x62: {  	[tilespmem:s17], [sflag:$0x2] =	stream.indirect.gather [hbm4b:s4+s14], $0x40, s26, s14, $0xb8;
	[tilespmem:$0x1BD00] =	vst v63  }
0x63: {  	_ =	swait.ge [sflag:s22], $0x1F40  }
0x64: {  	[sflag:s22] =	ssyncset.done $0x0  }
0x65: {  	[sflag:s22] =	ssyncadd.s32 $0xFFFFE0C0  }
0x66: {  	_ =	swait.ge [sflag:s25], $0x1F40  }
0x67: {  	[sflag:s25] =	ssyncset.done $0x0  }
0x68: {  	s26 =	sadd.s32 $0x5180, s18;
	[sflag:s25] =	ssyncadd.s32 $0xFFFFE0C0  }
0x69: {  	[spmem:s2] =	stream.indirect.scatter.add.f32 [tilespmem:s21], [sflag:$0x5], $0x40, s26, s14, $0xb8;
	[tilespmem:$0x1BD00] =	vst v63  }
.Ltmp0:
0x6a: {  	_ = 	snop;
	(pc) =	sbr.rel @p0 .LBB2_2-.Ltmp0, $4  }
0x6b: {  	s18 =	sadd.s32 $0x300, s18  }
0x6c: {  	[tilespmem:s19], [sflag:$0x3] =	stream.indirect.gather [hbm4b:s4+s14], $0x40, s18, s14, $0xb8;
	[tilespmem:$0x1BD00] =	vst v63  }
0x6d: {  	_ =	swait.ge [sflag:s22], $0x1F40  }
0x6e: {  	[sflag:s22] =	ssyncset.done $0x0  }
0x6f: {  	[sflag:s22] =	ssyncadd.s32 $0xFFFFE0C0  }
0x70: {  	_ =	swait.ge [sflag:s20], $0x1F40  }
0x71: {  	[sflag:s20] =	ssyncset.done $0x0  }
0x72: {  	s16 =	simm.s32 $0x9E00;
	[sflag:s20] =	ssyncadd.s32 $0xFFFFE0C0  }
0x73: {  	[spmem:s2] =	stream.indirect.scatter.add.f32 [tilespmem:s15], [sflag:$0x5], $0x40, s16, s14, $0xb8;
	[tilespmem:$0x1BD00] =	vst v63  }
0x74: {  	_ = 	snop  }
0x75: {  	[tilespmem:s21], [sflag:$0x4] =	stream.indirect.gather [hbm4b:s4+s14], $0x40, s28, s14, $0xb8;
	[tilespmem:$0x1BD00] =	vst v63  }
0x76: {  	_ =	swait.ge [sflag:s22], $0x1F40  }
0x77: {  	[sflag:s22] =	ssyncset.done $0x0  }
0x78: {  	[sflag:s22] =	ssyncadd.s32 $0xFFFFE0C0  }
0x79: {  	_ =	swait.ge [sflag:s23], $0x1F40  }
0x7a: {  	[sflag:s23] =	ssyncset.done $0x0  }
0x7b: {  	[sflag:s23] =	ssyncadd.s32 $0xFFFFE0C0  }
0x7c: {  	[spmem:s2] =	stream.indirect.scatter.add.f32 [tilespmem:s17], [sflag:$0x5], $0x40, s29, s14, $0xb8;
	[tilespmem:$0x1BD00] =	vst v63  }
0x7d: {  	_ =	swait.ge [sflag:s22], $0x1F40  }
0x7e: {  	[sflag:s22] =	ssyncset.done $0x0  }
0x7f: {  	[sflag:s22] =	ssyncadd.s32 $0xFFFFE0C0  }
0x80: {  	_ =	swait.ge [sflag:s24], $0x1F40  }
0x81: {  	[sflag:s24] =	ssyncset.done $0x0  }
0x82: {  	[sflag:s24] =	ssyncadd.s32 $0xFFFFE0C0  }
0x83: {  	[spmem:s2] =	stream.indirect.scatter.add.f32 [tilespmem:s19], [sflag:$0x5], $0x40, s30, s14, $0xb8;
	[tilespmem:$0x1BD00] =	vst v63  }
0x84: {  	_ =	swait.ge [sflag:s22], $0x1F40  }
0x85: {  	[sflag:s22] =	ssyncset.done $0x0  }
0x86: {  	[sflag:s22] =	ssyncadd.s32 $0xFFFFE0C0  }
0x87: {  	_ =	swait.ge [sflag:s25], $0x1F40  }
0x88: {  	[sflag:s25] =	ssyncset.done $0x0  }
0x89: {  	[sflag:s25] =	ssyncadd.s32 $0xFFFFE0C0  }
0x8a: {  	[spmem:s2] =	stream.indirect.scatter.add.f32 [tilespmem:s21], [sflag:$0x5], $0x40, s31, s14, $0xb8;
	[tilespmem:$0x1BD00] =	vst v63  }
0x8b: {  	_ =	swait.ge [sflag:s22], $0x1F40  }
0x8c: {  	s11 =	sadd.s32 $0x1, s11;
	[sflag:s22] =	ssyncset.done $0x0  }
0x8d: {  	p0 =	sne.s32 s11, s9;
	[sflag:s22] =	ssyncadd.s32 $0xFFFFE0C0  }
.Ltmp1:
0x8e: {  	[bflag:$0x0] =	sbarrier.arrive $0xFFFF;
	(pc) =	sbr.rel @p0 .LBB2_1-.Ltmp1, $4  }
0x8f: {  	[hbm:s8@s1], [sflag:s12] =	dma.strided [spmem:s13@s0], $0x1400, s20, $0x8   }
0x90: {  	_ =	swait.ge [sflag:s10], $0x1400  }
0x91: {  	[sflag:s10] =	ssyncset.done $0x0  }
0x92: {  	[sflag:s10] =	ssyncadd.s32 $0xFFFFEC00  }
0x93: {  	_ =	sfence.sel $0x180000  }
0x94: {  	[bflag:$0x0] =	sbarrier.arrive $0xFFFF  }
0x95: {  	_ =	strace $0x90000050  }
0x96: {  	s0 =	stileid.u32;
	[bflag:$0x2] =	sbarrier.arrive $0xFFFF  }
0x97: {  	p0 =	sne.s32 s0, $0x0;
	s0 =	rddreg [dreg:$0x2]  }
0x98: {  	s0 =	sadd.s32 @!p0 $0x100000, s0  }
0x99: {  	[sflag:s0] =	ssyncadd.tile.s32 @!p0 $0x1;
	_ =	shalt  }
.Lfunc_end2:
_tile_overlayer_lowered:
.L_overlay_start_2:
0x9a: {  	(tag) =	ssettag $0x2  }
0x9b: {  	s0 =	rddreg [dreg:$0x0];
	s2 =	stileid.u32  }
0x9c: {  	s1 =	rddreg [dreg:$0x1];
	p0 =	sne.s32 s2, $0x0  }
0x9d: {  	s3 =	rddreg [dreg:$0x2];
	[bflag:$0x3] =	sbarrier.arrive $0xFFFF;
	s2 =	simm.s32 @!p0 $0x1C06  }
0x9e: {  	[timem:s3], [sflag:s2] =	dma.local @!p0 [hbm:s0], s1  }
0x9f: {  	s0 =	simm.s32 @!p0 $0x6  }
0xa0: {  	_ =	swait.ge @!p0 [sflag:s0], s1  }
0xa1: {  	s1 =	ssub.s32 @!p0 $0x0, s1;
	[sflag:s0] =	ssyncset.done @!p0 $0x0  }
0xa2: {  	[sflag:s0] =	ssyncadd.s32 @!p0 s1  }
0xa3: {  	[bflag:$0x3] =	sbarrier.arrive $0xFFFF  }
0xa4: {  	_ =	shalt  }

</sc_bundles>
